<compile_context>
chip_gen: v7x
topology: tpu7x:2x2x1
jax: 0.10.2.dev20260603
libtpu: 0.0.44.dev20260713+nightly
codegen_flags: <defaults>
</compile_context>

<pallas_src>
import functools

import jax
import jax.numpy as jnp
from jax import lax
from jax.experimental import pallas as pl
from jax.experimental.pallas import tpu as pltpu
from jax.experimental.pallas import tpu_sc as plsc

B = 4096
L = 200
D = 32
NC = 2
NS = 16
NW = NC * NS
BPW = B // NW
CB = 4
NCHUNK = BPW // CB
G0 = 128
G1 = L - G0


VOCAB = 1000000
OB = 4096
BLK = 4 * OB
NBLK = (VOCAB + BLK - 1) // BLK
VP = NBLK * BLK


def _tc_repack_table(table):

    def body(t_ref, o_ref):
        blk = t_ref[...]
        o_ref[...] = jnp.concatenate(
            [blk[:, c * OB:(c + 1) * OB].T for c in range(4)], axis=1)

    packed = pl.pallas_call(
        body,
        grid=(NBLK,),
        in_specs=[pl.BlockSpec((D, BLK), lambda i: (0, i))],
        out_specs=pl.BlockSpec((OB, 128), lambda i: (i, 0)),
        out_shape=jax.ShapeDtypeStruct((VP // 4, 128), jnp.float32),
    )(table.T)
    return packed.reshape(VP, D)


def _translate_idx(v):
    return (
        (v & ~jnp.int32(BLK - 1))
        | ((v & jnp.int32(OB - 1)) << 2)
        | ((v >> 12) & jnp.int32(3))
    )


def _tc_split_idx(x):
    BR = 1024

    def body(x_ref, a_ref, b_ref):
        blk = _translate_idx(x_ref[...])
        a_ref[...] = blk[:, :G0]
        b_ref[...] = jnp.pad(blk[:, G0:], ((0, 0), (0, 128 - G1)))

    return pl.pallas_call(
        body,
        grid=(B // BR,),
        in_specs=[pl.BlockSpec((BR, L), lambda i: (i, 0))],
        out_specs=[
            pl.BlockSpec((BR, 128), lambda i: (i, 0)),
            pl.BlockSpec((BR, 128), lambda i: (i, 0)),
        ],
        out_shape=[
            jax.ShapeDtypeStruct((B, 128), jnp.int32),
            jax.ShapeDtypeStruct((B, 128), jnp.int32),
        ],
    )(x)


def _sc_bag_sums(xa, xb, table):
    mesh = plsc.VectorSubcoreMesh(
        core_axis_name="c", subcore_axis_name="s", num_cores=NC, num_subcores=NS
    )

    @functools.partial(
        pl.kernel,
        out_type=jax.ShapeDtypeStruct((B, D), jnp.float32),
        mesh=mesh,
        compiler_params=pltpu.CompilerParams(use_tc_tiling_on_sc=False),
        scratch_types=[
            pltpu.VMEM((BPW, 128), jnp.int32),
            pltpu.VMEM((BPW, 128), jnp.int32),
            pltpu.VMEM((CB * L, D), jnp.float32),
            pltpu.VMEM((CB * L, D), jnp.float32),
            pltpu.VMEM((BPW, D), jnp.float32),
            pltpu.SemaphoreType.DMA,
            pltpu.SemaphoreType.DMA,
        ],
    )
    def k(xa_hbm, xb_hbm, tab_hbm, out_hbm,
          idxa, idxb, rows0, rows1, stage, sem0, sem1):
        wid = lax.axis_index("s") * NC + lax.axis_index("c")
        wbase = wid * BPW
        pltpu.sync_copy(xa_hbm.at[pl.ds(wbase, BPW), :], idxa)
        pltpu.sync_copy(xb_hbm.at[pl.ds(wbase, BPW), :], idxb)

        def fire(g, rows_ref, sem):
            for bb in range(CB):
                bag = g * CB + bb
                pltpu.async_copy(
                    tab_hbm.at[idxa.at[bag, :]],
                    rows_ref.at[pl.ds(bb * L, G0), :], sem)
                pltpu.async_copy(
                    tab_hbm.at[idxb.at[bag, pl.ds(0, G1)]],
                    rows_ref.at[pl.ds(bb * L + G0, G1), :], sem)

        def drain(g, rows_ref, sem):
            for bb in range(CB):
                bag = g * CB + bb
                pltpu.make_async_copy(
                    tab_hbm.at[idxa.at[bag, :]],
                    rows_ref.at[pl.ds(bb * L, G0), :], sem).wait()
                pltpu.make_async_copy(
                    tab_hbm.at[idxb.at[bag, pl.ds(0, G1)]],
                    rows_ref.at[pl.ds(bb * L + G0, G1), :], sem).wait()

        def accum(g, rows_ref):
            for bb in range(CB):
                base = bb * L
                zz = jnp.zeros((16,), jnp.float32)

                def body(i, carry, base=base, rows_ref=rows_ref):
                    a = list(carry)
                    r = base + 8 * i
                    for k in range(8):
                        a[(2 * k) % 8] = a[(2 * k) % 8] + rows_ref[r + k, pl.ds(0, 16)]
                        a[(2 * k + 1) % 8] = a[(2 * k + 1) % 8] + rows_ref[r + k, pl.ds(16, 16)]
                    return tuple(a)

                a = lax.fori_loop(0, L // 8, body, (zz,) * 8)
                bag = g * CB + bb
                stage[bag, pl.ds(0, 16)] = (a[0] + a[2]) + (a[4] + a[6])
                stage[bag, pl.ds(16, 16)] = (a[1] + a[3]) + (a[5] + a[7])

        fire(0, rows0, sem0)

        @pl.loop(0, NCHUNK, step=2)
        def _(g):
            fire(g + 1, rows1, sem1)
            drain(g, rows0, sem0)
            accum(g, rows0)

            @pl.when(g + 2 < NCHUNK)
            def _():
                fire(g + 2, rows0, sem0)

            drain(g + 1, rows1, sem1)
            accum(g + 1, rows1)

        pltpu.sync_copy(stage, out_hbm.at[pl.ds(wbase, BPW), :])

    return k(xa, xb, table)


def _tc_head(x, summed, w, b2):
    C = w.shape[0]
    BT = 512

    def body(x_ref, s_ref, w_ref, b_ref, o_ref):
        cnt = jnp.sum((x_ref[...] != 0).astype(jnp.float32), axis=1, keepdims=True)
        denom = jnp.maximum(cnt, 1.0)
        acc = lax.dot_general(
            s_ref[...], w_ref[...], (((1,), (1,)), ((), ())),
            preferred_element_type=jnp.float32,
        )
        o_ref[...] = acc / denom + b_ref[...]

    return pl.pallas_call(
        body,
        grid=(B // BT,),
        in_specs=[
            pl.BlockSpec((BT, L), lambda i: (i, 0)),
            pl.BlockSpec((BT, D), lambda i: (i, 0)),
            pl.BlockSpec((C, D), lambda i: (0, 0)),
            pl.BlockSpec((1, C), lambda i: (0, 0)),
        ],
        out_specs=pl.BlockSpec((BT, C), lambda i: (i, 0)),
        out_shape=jax.ShapeDtypeStruct((B, C), jnp.float32),
    )(x, summed, w, b2)


def kernel(x, table, W, b):
    x = x.astype(jnp.int32)
    xa, xb = _tc_split_idx(x)
    summed = _sc_bag_sums(xa, xb, _tc_repack_table(table))
    return _tc_head(x, summed, W, b.reshape(1, -1))

# --- scband reference (transcript-rebuilt; emitter-appended) ---
"""Pipeline reference for scband-fast-text-classifier-82858509074686 (READ-ONLY COPY).

The authoritative reference and input builder live on the scoring server;
editing this copy changes nothing except your own understanding.
"""

import jax, jax.numpy as jnp
import numpy as np

VOCAB = 1000000
EMBED_DIM = 32
NUM_CLASSES = 16
B = 4096
L = 200
PAD = 0


def setup_inputs(seed: int = 0) -> dict:
    key = jax.random.key(seed)
    k1, k2, k3 = jax.random.split(key, 3)
    x = jax.random.randint(k1, (B, L), 0, VOCAB, dtype=jnp.int64) if jax.config.jax_enable_x64 else jax.random.randint(k1, (B, L), 0, VOCAB, dtype=jnp.int32)
    table = jax.random.normal(k2, (VOCAB, EMBED_DIM), dtype=jnp.float32) * 0.02
    table = table.at[PAD].set(0.0)  # padding row zero, matching nn.EmbeddingBag padding_idx init
    # xavier_uniform for fc weight
    limit = np.sqrt(6.0 / (EMBED_DIM + NUM_CLASSES))
    W = jax.random.uniform(k3, (NUM_CLASSES, EMBED_DIM), dtype=jnp.float32, minval=-limit, maxval=limit)
    b = jnp.zeros((NUM_CLASSES,), dtype=jnp.float32)
    return {"x": x, "table": table, "W": W, "b": b}


def reference(x, table, W, b):
    # EmbeddingBag(mode='mean', padding_idx=PAD): padding tokens are excluded
    # from both the sum and the count. Bags that are all-padding yield zeros.
    mask = (x != PAD)
    emb = jnp.take(table, x, axis=0)  # [B, L, D] gather
    emb = emb * mask[..., None].astype(emb.dtype)
    summed = emb.sum(axis=1)  # [B, D]
    counts = mask.sum(axis=1).astype(emb.dtype)  # [B]
    denom = jnp.maximum(counts, 1.0)
    mean = summed / denom[:, None]
    return mean @ W.T + b

if __name__ == "__main__":
    import jax
    _d = setup_inputs()
    print(jax.jit(kernel)(*tuple(_d.values())))

</pallas_src>

<mosaic_0001>
#map = affine_map<(d0, d1) -> (0, 0)>
module attributes {stable_mosaic.version = 14 : i64} {
  func.func @k(%arg0: i32, %arg1: i32, %arg2: memref<4096x128xi32, #tpu.memory_space<hbm>>, %arg3: memref<4096x128xi32, #tpu.memory_space<hbm>>, %arg4: memref<1015808x32xf32, #tpu.memory_space<hbm>>, %arg5: memref<4096x32xf32, #tpu.memory_space<hbm>>, %arg6: memref<128x128xi32, #tpu.memory_space<vmem>>, %arg7: memref<128x128xi32, #tpu.memory_space<vmem>>, %arg8: memref<800x32xf32, #tpu.memory_space<vmem>>, %arg9: memref<800x32xf32, #tpu.memory_space<vmem>>, %arg10: memref<128x32xf32, #tpu.memory_space<vmem>>, %arg11: memref<!tpu.dma_semaphore, #tpu.memory_space<semaphore_mem>>, %arg12: memref<!tpu.dma_semaphore, #tpu.memory_space<semaphore_mem>>) attributes {dimension_semantics = [#tpu.dimension_semantics<core_parallel>, #tpu.dimension_semantics<subcore_parallel>], iteration_bounds = array<i64: 2, 16>, scalar_prefetch = 0 : i64, scratch_operands = 7 : i64, tpu.core_type = #tpu.core_type<sc_vector_subcore>, window_params = [{transform_indices = #map}, {transform_indices = #map}, {transform_indices = #map}, {transform_indices = #map}]} {
    %mul3A = arith.constant 2 : i32
    %mul3A_0 = arith.muli %arg1, %mul3A : i32
    %add3A = arith.addi %mul3A_0, %arg0 : i32
    %mul3A_1 = arith.constant 128 : i32
    %mul3A_2 = arith.muli %add3A, %mul3A_1 : i32
    "tpu.region"() ({
      %run_scoped3A = tpu.sem_alloc : memref<!tpu.dma_semaphore, #tpu.memory_space<semaphore_mem>>
      %dma_start3A_86 = arith.constant 0 : i32
      %dma_start3A_87 = tpu.memref_slice %arg2[%mul3A_2, %dma_start3A_86] : memref<4096x128xi32, #tpu.memory_space<hbm>> -> memref<128x128xi32, #tpu.memory_space<hbm>>
      %dma_start3A_88 = arith.constant 0 : i32
      %dma_start3A_89 = tpu.memref_slice %arg2[%mul3A_2, %dma_start3A_88] : memref<4096x128xi32, #tpu.memory_space<hbm>> -> memref<128x128xi32, #tpu.memory_space<hbm>>
      tpu.enqueue_dma source(%dma_start3A_89 : memref<128x128xi32, #tpu.memory_space<hbm>>) target(%arg6 : memref<128x128xi32, #tpu.memory_space<vmem>>) target_semaphore(%run_scoped3A : memref<!tpu.dma_semaphore, #tpu.memory_space<semaphore_mem>>)
      %dma_wait3A = arith.constant 0 : i32
      %dma_wait3A_90 = tpu.memref_slice %arg2[%mul3A_2, %dma_wait3A] : memref<4096x128xi32, #tpu.memory_space<hbm>> -> memref<128x128xi32, #tpu.memory_space<hbm>>
      %dma_wait3A_91 = arith.constant 0 : i32
      %dma_wait3A_92 = tpu.memref_slice %arg2[%mul3A_2, %dma_wait3A_91] : memref<4096x128xi32, #tpu.memory_space<hbm>> -> memref<128x128xi32, #tpu.memory_space<hbm>>
      tpu.wait_dma2 semaphore(%run_scoped3A : memref<!tpu.dma_semaphore, #tpu.memory_space<semaphore_mem>>) src(%dma_wait3A_92 : memref<128x128xi32, #tpu.memory_space<hbm>>) dst(%arg6 : memref<128x128xi32, #tpu.memory_space<vmem>>)
      tpu.yield
    }) : () -> ()
    "tpu.region"() ({
      %run_scoped3A = tpu.sem_alloc : memref<!tpu.dma_semaphore, #tpu.memory_space<semaphore_mem>>
      %dma_start3A_86 = arith.constant 0 : i32
      %dma_start3A_87 = tpu.memref_slice %arg3[%mul3A_2, %dma_start3A_86] : memref<4096x128xi32, #tpu.memory_space<hbm>> -> memref<128x128xi32, #tpu.memory_space<hbm>>
      %dma_start3A_88 = arith.constant 0 : i32
      %dma_start3A_89 = tpu.memref_slice %arg3[%mul3A_2, %dma_start3A_88] : memref<4096x128xi32, #tpu.memory_space<hbm>> -> memref<128x128xi32, #tpu.memory_space<hbm>>
      tpu.enqueue_dma source(%dma_start3A_89 : memref<128x128xi32, #tpu.memory_space<hbm>>) target(%arg7 : memref<128x128xi32, #tpu.memory_space<vmem>>) target_semaphore(%run_scoped3A : memref<!tpu.dma_semaphore, #tpu.memory_space<semaphore_mem>>)
      %dma_wait3A = arith.constant 0 : i32
      %dma_wait3A_90 = tpu.memref_slice %arg3[%mul3A_2, %dma_wait3A] : memref<4096x128xi32, #tpu.memory_space<hbm>> -> memref<128x128xi32, #tpu.memory_space<hbm>>
      %dma_wait3A_91 = arith.constant 0 : i32
      %dma_wait3A_92 = tpu.memref_slice %arg3[%mul3A_2, %dma_wait3A_91] : memref<4096x128xi32, #tpu.memory_space<hbm>> -> memref<128x128xi32, #tpu.memory_space<hbm>>
      tpu.wait_dma2 semaphore(%run_scoped3A : memref<!tpu.dma_semaphore, #tpu.memory_space<semaphore_mem>>) src(%dma_wait3A_92 : memref<128x128xi32, #tpu.memory_space<hbm>>) dst(%arg7 : memref<128x128xi32, #tpu.memory_space<vmem>>)
      tpu.yield
    }) : () -> ()
    %dma_start3A = arith.constant 0 : i32
    %dma_start3A_3 = arith.constant 0 : i32
    %dma_start3A_4 = arith.constant 0 : i32
    %dma_start3A_5 = tpu.memref_slice %arg8[%dma_start3A_3, %dma_start3A_4] : memref<800x32xf32, #tpu.memory_space<vmem>> -> memref<128x32xf32, #tpu.memory_space<vmem>>
    %dma_start3A_6 = arith.constant 0 : i32
    %dma_start3A_7 = tpu.memref_slice %arg6[%dma_start3A, %dma_start3A_6] : memref<128x128xi32, #tpu.memory_space<vmem>> -> memref<1x128xi32, #tpu.memory_space<vmem>>
    %dma_start3A_8 = tpu.memref_squeeze %dma_start3A_7 : memref<1x128xi32, #tpu.memory_space<vmem>> -> memref<128xi32, #tpu.memory_space<vmem>>
    %dma_start3A_9 = arith.constant 0 : i32
    %dma_start3A_10 = arith.constant 0 : i32
    %dma_start3A_11 = tpu.memref_slice %arg4[%dma_start3A_9, %dma_start3A_10] : memref<1015808x32xf32, #tpu.memory_space<hbm>> -> memref<1015808x32xf32, #tpu.memory_space<hbm>>
    tpu.enqueue_indirect_dma source(%dma_start3A_11 : memref<1015808x32xf32, #tpu.memory_space<hbm>>) target(%dma_start3A_5 : memref<128x32xf32, #tpu.memory_space<vmem>>) offsets(%dma_start3A_8 : memref<128xi32, #tpu.memory_space<vmem>>) semaphore(%arg11 : memref<!tpu.dma_semaphore, #tpu.memory_space<semaphore_mem>>)
    %dma_start3A_12 = arith.constant 0 : i32
    %dma_start3A_13 = arith.constant 128 : i32
    %dma_start3A_14 = arith.constant 0 : i32
    %dma_start3A_15 = tpu.memref_slice %arg8[%dma_start3A_13, %dma_start3A_14] : memref<800x32xf32, #tpu.memory_space<vmem>> -> memref<72x32xf32, #tpu.memory_space<vmem>>
    %dma_start3A_16 = arith.constant 0 : i32
    %dma_start3A_17 = tpu.memref_slice %arg7[%dma_start3A_12, %dma_start3A_16] : memref<128x128xi32, #tpu.memory_space<vmem>> -> memref<1x72xi32, #tpu.memory_space<vmem>>
    %dma_start3A_18 = tpu.memref_squeeze %dma_start3A_17 : memref<1x72xi32, #tpu.memory_space<vmem>> -> memref<72xi32, #tpu.memory_space<vmem>>
    %dma_start3A_19 = arith.constant 0 : i32
    %dma_start3A_20 = arith.constant 0 : i32
    %dma_start3A_21 = tpu.memref_slice %arg4[%dma_start3A_19, %dma_start3A_20] : memref<1015808x32xf32, #tpu.memory_space<hbm>> -> memref<1015808x32xf32, #tpu.memory_space<hbm>>
    tpu.enqueue_indirect_dma source(%dma_start3A_21 : memref<1015808x32xf32, #tpu.memory_space<hbm>>) target(%dma_start3A_15 : memref<72x32xf32, #tpu.memory_space<vmem>>) offsets(%dma_start3A_18 : memref<72xi32, #tpu.memory_space<vmem>>) semaphore(%arg11 : memref<!tpu.dma_semaphore, #tpu.memory_space<semaphore_mem>>)
    %dma_start3A_22 = arith.constant 1 : i32
    %dma_start3A_23 = arith.constant 200 : i32
    %dma_start3A_24 = arith.constant 0 : i32
    %dma_start3A_25 = tpu.memref_slice %arg8[%dma_start3A_23, %dma_start3A_24] : memref<800x32xf32, #tpu.memory_space<vmem>> -> memref<128x32xf32, #tpu.memory_space<vmem>>
    %dma_start3A_26 = arith.constant 0 : i32
    %dma_start3A_27 = tpu.memref_slice %arg6[%dma_start3A_22, %dma_start3A_26] : memref<128x128xi32, #tpu.memory_space<vmem>> -> memref<1x128xi32, #tpu.memory_space<vmem>>
    %dma_start3A_28 = tpu.memref_squeeze %dma_start3A_27 : memref<1x128xi32, #tpu.memory_space<vmem>> -> memref<128xi32, #tpu.memory_space<vmem>>
    %dma_start3A_29 = arith.constant 0 : i32
    %dma_start3A_30 = arith.constant 0 : i32
    %dma_start3A_31 = tpu.memref_slice %arg4[%dma_start3A_29, %dma_start3A_30] : memref<1015808x32xf32, #tpu.memory_space<hbm>> -> memref<1015808x32xf32, #tpu.memory_space<hbm>>
    tpu.enqueue_indirect_dma source(%dma_start3A_31 : memref<1015808x32xf32, #tpu.memory_space<hbm>>) target(%dma_start3A_25 : memref<128x32xf32, #tpu.memory_space<vmem>>) offsets(%dma_start3A_28 : memref<128xi32, #tpu.memory_space<vmem>>) semaphore(%arg11 : memref<!tpu.dma_semaphore, #tpu.memory_space<semaphore_mem>>)
    %dma_start3A_32 = arith.constant 1 : i32
    %dma_start3A_33 = arith.constant 328 : i32
    %dma_start3A_34 = arith.constant 0 : i32
    %dma_start3A_35 = tpu.memref_slice %arg8[%dma_start3A_33, %dma_start3A_34] : memref<800x32xf32, #tpu.memory_space<vmem>> -> memref<72x32xf32, #tpu.memory_space<vmem>>
    %dma_start3A_36 = arith.constant 0 : i32
    %dma_start3A_37 = tpu.memref_slice %arg7[%dma_start3A_32, %dma_start3A_36] : memref<128x128xi32, #tpu.memory_space<vmem>> -> memref<1x72xi32, #tpu.memory_space<vmem>>
    %dma_start3A_38 = tpu.memref_squeeze %dma_start3A_37 : memref<1x72xi32, #tpu.memory_space<vmem>> -> memref<72xi32, #tpu.memory_space<vmem>>
    %dma_start3A_39 = arith.constant 0 : i32
    %dma_start3A_40 = arith.constant 0 : i32
    %dma_start3A_41 = tpu.memref_slice %arg4[%dma_start3A_39, %dma_start3A_40] : memref<1015808x32xf32, #tpu.memory_space<hbm>> -> memref<1015808x32xf32, #tpu.memory_space<hbm>>
    tpu.enqueue_indirect_dma source(%dma_start3A_41 : memref<1015808x32xf32, #tpu.memory_space<hbm>>) target(%dma_start3A_35 : memref<72x32xf32, #tpu.memory_space<vmem>>) offsets(%dma_start3A_38 : memref<72xi32, #tpu.memory_space<vmem>>) semaphore(%arg11 : memref<!tpu.dma_semaphore, #tpu.memory_space<semaphore_mem>>)
    %dma_start3A_42 = arith.constant 2 : i32
    %dma_start3A_43 = arith.constant 400 : i32
    %dma_start3A_44 = arith.constant 0 : i32
    %dma_start3A_45 = tpu.memref_slice %arg8[%dma_start3A_43, %dma_start3A_44] : memref<800x32xf32, #tpu.memory_space<vmem>> -> memref<128x32xf32, #tpu.memory_space<vmem>>
    %dma_start3A_46 = arith.constant 0 : i32
    %dma_start3A_47 = tpu.memref_slice %arg6[%dma_start3A_42, %dma_start3A_46] : memref<128x128xi32, #tpu.memory_space<vmem>> -> memref<1x128xi32, #tpu.memory_space<vmem>>
    %dma_start3A_48 = tpu.memref_squeeze %dma_start3A_47 : memref<1x128xi32, #tpu.memory_space<vmem>> -> memref<128xi32, #tpu.memory_space<vmem>>
    %dma_start3A_49 = arith.constant 0 : i32
    %dma_start3A_50 = arith.constant 0 : i32
    %dma_start3A_51 = tpu.memref_slice %arg4[%dma_start3A_49, %dma_start3A_50] : memref<1015808x32xf32, #tpu.memory_space<hbm>> -> memref<1015808x32xf32, #tpu.memory_space<hbm>>
    tpu.enqueue_indirect_dma source(%dma_start3A_51 : memref<1015808x32xf32, #tpu.memory_space<hbm>>) target(%dma_start3A_45 : memref<128x32xf32, #tpu.memory_space<vmem>>) offsets(%dma_start3A_48 : memref<128xi32, #tpu.memory_space<vmem>>) semaphore(%arg11 : memref<!tpu.dma_semaphore, #tpu.memory_space<semaphore_mem>>)
    %dma_start3A_52 = arith.constant 2 : i32
    %dma_start3A_53 = arith.constant 528 : i32
    %dma_start3A_54 = arith.constant 0 : i32
    %dma_start3A_55 = tpu.memref_slice %arg8[%dma_start3A_53, %dma_start3A_54] : memref<800x32xf32, #tpu.memory_space<vmem>> -> memref<72x32xf32, #tpu.memory_space<vmem>>
    %dma_start3A_56 = arith.constant 0 : i32
    %dma_start3A_57 = tpu.memref_slice %arg7[%dma_start3A_52, %dma_start3A_56] : memref<128x128xi32, #tpu.memory_space<vmem>> -> memref<1x72xi32, #tpu.memory_space<vmem>>
    %dma_start3A_58 = tpu.memref_squeeze %dma_start3A_57 : memref<1x72xi32, #tpu.memory_space<vmem>> -> memref<72xi32, #tpu.memory_space<vmem>>
    %dma_start3A_59 = arith.constant 0 : i32
    %dma_start3A_60 = arith.constant 0 : i32
    %dma_start3A_61 = tpu.memref_slice %arg4[%dma_start3A_59, %dma_start3A_60] : memref<1015808x32xf32, #tpu.memory_space<hbm>> -> memref<1015808x32xf32, #tpu.memory_space<hbm>>
    tpu.enqueue_indirect_dma source(%dma_start3A_61 : memref<1015808x32xf32, #tpu.memory_space<hbm>>) target(%dma_start3A_55 : memref<72x32xf32, #tpu.memory_space<vmem>>) offsets(%dma_start3A_58 : memref<72xi32, #tpu.memory_space<vmem>>) semaphore(%arg11 : memref<!tpu.dma_semaphore, #tpu.memory_space<semaphore_mem>>)
    %dma_start3A_62 = arith.constant 3 : i32
    %dma_start3A_63 = arith.constant 600 : i32
    %dma_start3A_64 = arith.constant 0 : i32
    %dma_start3A_65 = tpu.memref_slice %arg8[%dma_start3A_63, %dma_start3A_64] : memref<800x32xf32, #tpu.memory_space<vmem>> -> memref<128x32xf32, #tpu.memory_space<vmem>>
    %dma_start3A_66 = arith.constant 0 : i32
    %dma_start3A_67 = tpu.memref_slice %arg6[%dma_start3A_62, %dma_start3A_66] : memref<128x128xi32, #tpu.memory_space<vmem>> -> memref<1x128xi32, #tpu.memory_space<vmem>>
    %dma_start3A_68 = tpu.memref_squeeze %dma_start3A_67 : memref<1x128xi32, #tpu.memory_space<vmem>> -> memref<128xi32, #tpu.memory_space<vmem>>
    %dma_start3A_69 = arith.constant 0 : i32
    %dma_start3A_70 = arith.constant 0 : i32
    %dma_start3A_71 = tpu.memref_slice %arg4[%dma_start3A_69, %dma_start3A_70] : memref<1015808x32xf32, #tpu.memory_space<hbm>> -> memref<1015808x32xf32, #tpu.memory_space<hbm>>
    tpu.enqueue_indirect_dma source(%dma_start3A_71 : memref<1015808x32xf32, #tpu.memory_space<hbm>>) target(%dma_start3A_65 : memref<128x32xf32, #tpu.memory_space<vmem>>) offsets(%dma_start3A_68 : memref<128xi32, #tpu.memory_space<vmem>>) semaphore(%arg11 : memref<!tpu.dma_semaphore, #tpu.memory_space<semaphore_mem>>)
    %dma_start3A_72 = arith.constant 3 : i32
    %dma_start3A_73 = arith.constant 728 : i32
    %dma_start3A_74 = arith.constant 0 : i32
    %dma_start3A_75 = tpu.memref_slice %arg8[%dma_start3A_73, %dma_start3A_74] : memref<800x32xf32, #tpu.memory_space<vmem>> -> memref<72x32xf32, #tpu.memory_space<vmem>>
    %dma_start3A_76 = arith.constant 0 : i32
    %dma_start3A_77 = tpu.memref_slice %arg7[%dma_start3A_72, %dma_start3A_76] : memref<128x128xi32, #tpu.memory_space<vmem>> -> memref<1x72xi32, #tpu.memory_space<vmem>>
    %dma_start3A_78 = tpu.memref_squeeze %dma_start3A_77 : memref<1x72xi32, #tpu.memory_space<vmem>> -> memref<72xi32, #tpu.memory_space<vmem>>
    %dma_start3A_79 = arith.constant 0 : i32
    %dma_start3A_80 = arith.constant 0 : i32
    %dma_start3A_81 = tpu.memref_slice %arg4[%dma_start3A_79, %dma_start3A_80] : memref<1015808x32xf32, #tpu.memory_space<hbm>> -> memref<1015808x32xf32, #tpu.memory_space<hbm>>
    tpu.enqueue_indirect_dma source(%dma_start3A_81 : memref<1015808x32xf32, #tpu.memory_space<hbm>>) target(%dma_start3A_75 : memref<72x32xf32, #tpu.memory_space<vmem>>) offsets(%dma_start3A_78 : memref<72xi32, #tpu.memory_space<vmem>>) semaphore(%arg11 : memref<!tpu.dma_semaphore, #tpu.memory_space<semaphore_mem>>)
    %scan3A = arith.constant 0 : i32
    %scan3A_82 = arith.constant 16 : i32
    %scan3A_83 = arith.addi %scan3A, %scan3A_82 : i32
    %scan3A_84 = arith.constant 1 : i32
    scf.for %scan3A_86 = %scan3A to %scan3A_83 step %scan3A_84  : i32 {
      %mul3A_87 = arith.constant 2 : i32
      %mul3A_88 = arith.muli %scan3A_86, %mul3A_87 : i32
      %add3A_89 = arith.constant 0 : i32
      %add3A_90 = arith.addi %add3A_89, %mul3A_88 : i32
      %add3A_91 = arith.constant 1 : i32
      %add3A_92 = arith.addi %add3A_90, %add3A_91 : i32
      %mul3A_93 = arith.constant 4 : i32
      %mul3A_94 = arith.muli %add3A_92, %mul3A_93 : i32
      %add3A_95 = arith.constant 0 : i32
      %add3A_96 = arith.addi %mul3A_94, %add3A_95 : i32
      %dma_start3A_97 = arith.constant 0 : i32
      %dma_start3A_98 = arith.constant 0 : i32
      %dma_start3A_99 = tpu.memref_slice %arg9[%dma_start3A_97, %dma_start3A_98] : memref<800x32xf32, #tpu.memory_space<vmem>> -> memref<128x32xf32, #tpu.memory_space<vmem>>
      %dma_start3A_100 = arith.constant 0 : i32
      %dma_start3A_101 = tpu.memref_slice %arg6[%add3A_96, %dma_start3A_100] : memref<128x128xi32, #tpu.memory_space<vmem>> -> memref<1x128xi32, #tpu.memory_space<vmem>>
      %dma_start3A_102 = tpu.memref_squeeze %dma_start3A_101 : memref<1x128xi32, #tpu.memory_space<vmem>> -> memref<128xi32, #tpu.memory_space<vmem>>
      %dma_start3A_103 = arith.constant 0 : i32
      %dma_start3A_104 = arith.constant 0 : i32
      %dma_start3A_105 = tpu.memref_slice %arg4[%dma_start3A_103, %dma_start3A_104] : memref<1015808x32xf32, #tpu.memory_space<hbm>> -> memref<1015808x32xf32, #tpu.memory_space<hbm>>
      tpu.enqueue_indirect_dma source(%dma_start3A_105 : memref<1015808x32xf32, #tpu.memory_space<hbm>>) target(%dma_start3A_99 : memref<128x32xf32, #tpu.memory_space<vmem>>) offsets(%dma_start3A_102 : memref<128xi32, #tpu.memory_space<vmem>>) semaphore(%arg12 : memref<!tpu.dma_semaphore, #tpu.memory_space<semaphore_mem>>)
      %dma_start3A_106 = arith.constant 128 : i32
      %dma_start3A_107 = arith.constant 0 : i32
      %dma_start3A_108 = tpu.memref_slice %arg9[%dma_start3A_106, %dma_start3A_107] : memref<800x32xf32, #tpu.memory_space<vmem>> -> memref<72x32xf32, #tpu.memory_space<vmem>>
      %dma_start3A_109 = arith.constant 0 : i32
      %dma_start3A_110 = tpu.memref_slice %arg7[%add3A_96, %dma_start3A_109] : memref<128x128xi32, #tpu.memory_space<vmem>> -> memref<1x72xi32, #tpu.memory_space<vmem>>
      %dma_start3A_111 = tpu.memref_squeeze %dma_start3A_110 : memref<1x72xi32, #tpu.memory_space<vmem>> -> memref<72xi32, #tpu.memory_space<vmem>>
      %dma_start3A_112 = arith.constant 0 : i32
      %dma_start3A_113 = arith.constant 0 : i32
      %dma_start3A_114 = tpu.memref_slice %arg4[%dma_start3A_112, %dma_start3A_113] : memref<1015808x32xf32, #tpu.memory_space<hbm>> -> memref<1015808x32xf32, #tpu.memory_space<hbm>>
      tpu.enqueue_indirect_dma source(%dma_start3A_114 : memref<1015808x32xf32, #tpu.memory_space<hbm>>) target(%dma_start3A_108 : memref<72x32xf32, #tpu.memory_space<vmem>>) offsets(%dma_start3A_111 : memref<72xi32, #tpu.memory_space<vmem>>) semaphore(%arg12 : memref<!tpu.dma_semaphore, #tpu.memory_space<semaphore_mem>>)
      %mul3A_115 = arith.constant 4 : i32
      %mul3A_116 = arith.muli %add3A_92, %mul3A_115 : i32
      %add3A_117 = arith.constant 1 : i32
      %add3A_118 = arith.addi %mul3A_116, %add3A_117 : i32
      %dma_start3A_119 = arith.constant 200 : i32
      %dma_start3A_120 = arith.constant 0 : i32
      %dma_start3A_121 = tpu.memref_slice %arg9[%dma_start3A_119, %dma_start3A_120] : memref<800x32xf32, #tpu.memory_space<vmem>> -> memref<128x32xf32, #tpu.memory_space<vmem>>
      %dma_start3A_122 = arith.constant 0 : i32
      %dma_start3A_123 = tpu.memref_slice %arg6[%add3A_118, %dma_start3A_122] : memref<128x128xi32, #tpu.memory_space<vmem>> -> memref<1x128xi32, #tpu.memory_space<vmem>>
      %dma_start3A_124 = tpu.memref_squeeze %dma_start3A_123 : memref<1x128xi32, #tpu.memory_space<vmem>> -> memref<128xi32, #tpu.memory_space<vmem>>
      %dma_start3A_125 = arith.constant 0 : i32
      %dma_start3A_126 = arith.constant 0 : i32
      %dma_start3A_127 = tpu.memref_slice %arg4[%dma_start3A_125, %dma_start3A_126] : memref<1015808x32xf32, #tpu.memory_space<hbm>> -> memref<1015808x32xf32, #tpu.memory_space<hbm>>
      tpu.enqueue_indirect_dma source(%dma_start3A_127 : memref<1015808x32xf32, #tpu.memory_space<hbm>>) target(%dma_start3A_121 : memref<128x32xf32, #tpu.memory_space<vmem>>) offsets(%dma_start3A_124 : memref<128xi32, #tpu.memory_space<vmem>>) semaphore(%arg12 : memref<!tpu.dma_semaphore, #tpu.memory_space<semaphore_mem>>)
      %dma_start3A_128 = arith.constant 328 : i32
      %dma_start3A_129 = arith.constant 0 : i32
      %dma_start3A_130 = tpu.memref_slice %arg9[%dma_start3A_128, %dma_start3A_129] : memref<800x32xf32, #tpu.memory_space<vmem>> -> memref<72x32xf32, #tpu.memory_space<vmem>>
      %dma_start3A_131 = arith.constant 0 : i32
      %dma_start3A_132 = tpu.memref_slice %arg7[%add3A_118, %dma_start3A_131] : memref<128x128xi32, #tpu.memory_space<vmem>> -> memref<1x72xi32, #tpu.memory_space<vmem>>
      %dma_start3A_133 = tpu.memref_squeeze %dma_start3A_132 : memref<1x72xi32, #tpu.memory_space<vmem>> -> memref<72xi32, #tpu.memory_space<vmem>>
      %dma_start3A_134 = arith.constant 0 : i32
      %dma_start3A_135 = arith.constant 0 : i32
      %dma_start3A_136 = tpu.memref_slice %arg4[%dma_start3A_134, %dma_start3A_135] : memref<1015808x32xf32, #tpu.memory_space<hbm>> -> memref<1015808x32xf32, #tpu.memory_space<hbm>>
      tpu.enqueue_indirect_dma source(%dma_start3A_136 : memref<1015808x32xf32, #tpu.memory_space<hbm>>) target(%dma_start3A_130 : memref<72x32xf32, #tpu.memory_space<vmem>>) offsets(%dma_start3A_133 : memref<72xi32, #tpu.memory_space<vmem>>) semaphore(%arg12 : memref<!tpu.dma_semaphore, #tpu.memory_space<semaphore_mem>>)
      %mul3A_137 = arith.constant 4 : i32
      %mul3A_138 = arith.muli %add3A_92, %mul3A_137 : i32
      %add3A_139 = arith.constant 2 : i32
      %add3A_140 = arith.addi %mul3A_138, %add3A_139 : i32
      %dma_start3A_141 = arith.constant 400 : i32
      %dma_start3A_142 = arith.constant 0 : i32
      %dma_start3A_143 = tpu.memref_slice %arg9[%dma_start3A_141, %dma_start3A_142] : memref<800x32xf32, #tpu.memory_space<vmem>> -> memref<128x32xf32, #tpu.memory_space<vmem>>
      %dma_start3A_144 = arith.constant 0 : i32
      %dma_start3A_145 = tpu.memref_slice %arg6[%add3A_140, %dma_start3A_144] : memref<128x128xi32, #tpu.memory_space<vmem>> -> memref<1x128xi32, #tpu.memory_space<vmem>>
      %dma_start3A_146 = tpu.memref_squeeze %dma_start3A_145 : memref<1x128xi32, #tpu.memory_space<vmem>> -> memref<128xi32, #tpu.memory_space<vmem>>
      %dma_start3A_147 = arith.constant 0 : i32
      %dma_start3A_148 = arith.constant 0 : i32
      %dma_start3A_149 = tpu.memref_slice %arg4[%dma_start3A_147, %dma_start3A_148] : memref<1015808x32xf32, #tpu.memory_space<hbm>> -> memref<1015808x32xf32, #tpu.memory_space<hbm>>
      tpu.enqueue_indirect_dma source(%dma_start3A_149 : memref<1015808x32xf32, #tpu.memory_space<hbm>>) target(%dma_start3A_143 : memref<128x32xf32, #tpu.memory_space<vmem>>) offsets(%dma_start3A_146 : memref<128xi32, #tpu.memory_space<vmem>>) semaphore(%arg12 : memref<!tpu.dma_semaphore, #tpu.memory_space<semaphore_mem>>)
      %dma_start3A_150 = arith.constant 528 : i32
      %dma_start3A_151 = arith.constant 0 : i32
      %dma_start3A_152 = tpu.memref_slice %arg9[%dma_start3A_150, %dma_start3A_151] : memref<800x32xf32, #tpu.memory_space<vmem>> -> memref<72x32xf32, #tpu.memory_space<vmem>>
      %dma_start3A_153 = arith.constant 0 : i32
      %dma_start3A_154 = tpu.memref_slice %arg7[%add3A_140, %dma_start3A_153] : memref<128x128xi32, #tpu.memory_space<vmem>> -> memref<1x72xi32, #tpu.memory_space<vmem>>
      %dma_start3A_155 = tpu.memref_squeeze %dma_start3A_154 : memref<1x72xi32, #tpu.memory_space<vmem>> -> memref<72xi32, #tpu.memory_space<vmem>>
      %dma_start3A_156 = arith.constant 0 : i32
      %dma_start3A_157 = arith.constant 0 : i32
      %dma_start3A_158 = tpu.memref_slice %arg4[%dma_start3A_156, %dma_start3A_157] : memref<1015808x32xf32, #tpu.memory_space<hbm>> -> memref<1015808x32xf32, #tpu.memory_space<hbm>>
      tpu.enqueue_indirect_dma source(%dma_start3A_158 : memref<1015808x32xf32, #tpu.memory_space<hbm>>) target(%dma_start3A_152 : memref<72x32xf32, #tpu.memory_space<vmem>>) offsets(%dma_start3A_155 : memref<72xi32, #tpu.memory_space<vmem>>) semaphore(%arg12 : memref<!tpu.dma_semaphore, #tpu.memory_space<semaphore_mem>>)
      %mul3A_159 = arith.constant 4 : i32
      %mul3A_160 = arith.muli %add3A_92, %mul3A_159 : i32
      %add3A_161 = arith.constant 3 : i32
      %add3A_162 = arith.addi %mul3A_160, %add3A_161 : i32
      %dma_start3A_163 = arith.constant 600 : i32
      %dma_start3A_164 = arith.constant 0 : i32
      %dma_start3A_165 = tpu.memref_slice %arg9[%dma_start3A_163, %dma_start3A_164] : memref<800x32xf32, #tpu.memory_space<vmem>> -> memref<128x32xf32, #tpu.memory_space<vmem>>
      %dma_start3A_166 = arith.constant 0 : i32
      %dma_start3A_167 = tpu.memref_slice %arg6[%add3A_162, %dma_start3A_166] : memref<128x128xi32, #tpu.memory_space<vmem>> -> memref<1x128xi32, #tpu.memory_space<vmem>>
      %dma_start3A_168 = tpu.memref_squeeze %dma_start3A_167 : memref<1x128xi32, #tpu.memory_space<vmem>> -> memref<128xi32, #tpu.memory_space<vmem>>
      %dma_start3A_169 = arith.constant 0 : i32
      %dma_start3A_170 = arith.constant 0 : i32
      %dma_start3A_171 = tpu.memref_slice %arg4[%dma_start3A_169, %dma_start3A_170] : memref<1015808x32xf32, #tpu.memory_space<hbm>> -> memref<1015808x32xf32, #tpu.memory_space<hbm>>
      tpu.enqueue_indirect_dma source(%dma_start3A_171 : memref<1015808x32xf32, #tpu.memory_space<hbm>>) target(%dma_start3A_165 : memref<128x32xf32, #tpu.memory_space<vmem>>) offsets(%dma_start3A_168 : memref<128xi32, #tpu.memory_space<vmem>>) semaphore(%arg12 : memref<!tpu.dma_semaphore, #tpu.memory_space<semaphore_mem>>)
      %dma_start3A_172 = arith.constant 728 : i32
      %dma_start3A_173 = arith.constant 0 : i32
      %dma_start3A_174 = tpu.memref_slice %arg9[%dma_start3A_172, %dma_start3A_173] : memref<800x32xf32, #tpu.memory_space<vmem>> -> memref<72x32xf32, #tpu.memory_space<vmem>>
      %dma_start3A_175 = arith.constant 0 : i32
      %dma_start3A_176 = tpu.memref_slice %arg7[%add3A_162, %dma_start3A_175] : memref<128x128xi32, #tpu.memory_space<vmem>> -> memref<1x72xi32, #tpu.memory_space<vmem>>
      %dma_start3A_177 = tpu.memref_squeeze %dma_start3A_176 : memref<1x72xi32, #tpu.memory_space<vmem>> -> memref<72xi32, #tpu.memory_space<vmem>>
      %dma_start3A_178 = arith.constant 0 : i32
      %dma_start3A_179 = arith.constant 0 : i32
      %dma_start3A_180 = tpu.memref_slice %arg4[%dma_start3A_178, %dma_start3A_179] : memref<1015808x32xf32, #tpu.memory_space<hbm>> -> memref<1015808x32xf32, #tpu.memory_space<hbm>>
      tpu.enqueue_indirect_dma source(%dma_start3A_180 : memref<1015808x32xf32, #tpu.memory_space<hbm>>) target(%dma_start3A_174 : memref<72x32xf32, #tpu.memory_space<vmem>>) offsets(%dma_start3A_177 : memref<72xi32, #tpu.memory_space<vmem>>) semaphore(%arg12 : memref<!tpu.dma_semaphore, #tpu.memory_space<semaphore_mem>>)
      %mul3A_181 = arith.constant 4 : i32
      %mul3A_182 = arith.muli %add3A_90, %mul3A_181 : i32
      %add3A_183 = arith.constant 0 : i32
      %add3A_184 = arith.addi %mul3A_182, %add3A_183 : i32
      %dma_wait3A = arith.constant 0 : i32
      %dma_wait3A_185 = arith.constant 0 : i32
      %dma_wait3A_186 = tpu.memref_slice %arg8[%dma_wait3A, %dma_wait3A_185] : memref<800x32xf32, #tpu.memory_space<vmem>> -> memref<128x32xf32, #tpu.memory_space<vmem>>
      %dma_wait3A_187 = arith.constant 0 : i32
      %dma_wait3A_188 = tpu.memref_slice %arg6[%add3A_184, %dma_wait3A_187] : memref<128x128xi32, #tpu.memory_space<vmem>> -> memref<1x128xi32, #tpu.memory_space<vmem>>
      %dma_wait3A_189 = tpu.memref_squeeze %dma_wait3A_188 : memref<1x128xi32, #tpu.memory_space<vmem>> -> memref<128xi32, #tpu.memory_space<vmem>>
      %dma_wait3A_190 = arith.constant 0 : i32
      %dma_wait3A_191 = arith.constant 0 : i32
      %dma_wait3A_192 = tpu.memref_slice %arg4[%dma_wait3A_190, %dma_wait3A_191] : memref<1015808x32xf32, #tpu.memory_space<hbm>> -> memref<1015808x32xf32, #tpu.memory_space<hbm>>
      tpu.wait_indirect_dma semaphore(%arg11 : memref<!tpu.dma_semaphore, #tpu.memory_space<semaphore_mem>>) src(%dma_wait3A_192 : memref<1015808x32xf32, #tpu.memory_space<hbm>>) dst(%dma_wait3A_186 : memref<128x32xf32, #tpu.memory_space<vmem>>)
      %dma_wait3A_193 = arith.constant 128 : i32
      %dma_wait3A_194 = arith.constant 0 : i32
      %dma_wait3A_195 = tpu.memref_slice %arg8[%dma_wait3A_193, %dma_wait3A_194] : memref<800x32xf32, #tpu.memory_space<vmem>> -> memref<72x32xf32, #tpu.memory_space<vmem>>
      %dma_wait3A_196 = arith.constant 0 : i32
      %dma_wait3A_197 = tpu.memref_slice %arg7[%add3A_184, %dma_wait3A_196] : memref<128x128xi32, #tpu.memory_space<vmem>> -> memref<1x72xi32, #tpu.memory_space<vmem>>
      %dma_wait3A_198 = tpu.memref_squeeze %dma_wait3A_197 : memref<1x72xi32, #tpu.memory_space<vmem>> -> memref<72xi32, #tpu.memory_space<vmem>>
      %dma_wait3A_199 = arith.constant 0 : i32
      %dma_wait3A_200 = arith.constant 0 : i32
      %dma_wait3A_201 = tpu.memref_slice %arg4[%dma_wait3A_199, %dma_wait3A_200] : memref<1015808x32xf32, #tpu.memory_space<hbm>> -> memref<1015808x32xf32, #tpu.memory_space<hbm>>
      tpu.wait_indirect_dma semaphore(%arg11 : memref<!tpu.dma_semaphore, #tpu.memory_space<semaphore_mem>>) src(%dma_wait3A_201 : memref<1015808x32xf32, #tpu.memory_space<hbm>>) dst(%dma_wait3A_195 : memref<72x32xf32, #tpu.memory_space<vmem>>)
      %mul3A_202 = arith.constant 4 : i32
      %mul3A_203 = arith.muli %add3A_90, %mul3A_202 : i32
      %add3A_204 = arith.constant 1 : i32
      %add3A_205 = arith.addi %mul3A_203, %add3A_204 : i32
      %dma_wait3A_206 = arith.constant 200 : i32
      %dma_wait3A_207 = arith.constant 0 : i32
      %dma_wait3A_208 = tpu.memref_slice %arg8[%dma_wait3A_206, %dma_wait3A_207] : memref<800x32xf32, #tpu.memory_space<vmem>> -> memref<128x32xf32, #tpu.memory_space<vmem>>
      %dma_wait3A_209 = arith.constant 0 : i32
      %dma_wait3A_210 = tpu.memref_slice %arg6[%add3A_205, %dma_wait3A_209] : memref<128x128xi32, #tpu.memory_space<vmem>> -> memref<1x128xi32, #tpu.memory_space<vmem>>
      %dma_wait3A_211 = tpu.memref_squeeze %dma_wait3A_210 : memref<1x128xi32, #tpu.memory_space<vmem>> -> memref<128xi32, #tpu.memory_space<vmem>>
      %dma_wait3A_212 = arith.constant 0 : i32
      %dma_wait3A_213 = arith.constant 0 : i32
      %dma_wait3A_214 = tpu.memref_slice %arg4[%dma_wait3A_212, %dma_wait3A_213] : memref<1015808x32xf32, #tpu.memory_space<hbm>> -> memref<1015808x32xf32, #tpu.memory_space<hbm>>
      tpu.wait_indirect_dma semaphore(%arg11 : memref<!tpu.dma_semaphore, #tpu.memory_space<semaphore_mem>>) src(%dma_wait3A_214 : memref<1015808x32xf32, #tpu.memory_space<hbm>>) dst(%dma_wait3A_208 : memref<128x32xf32, #tpu.memory_space<vmem>>)
      %dma_wait3A_215 = arith.constant 328 : i32
      %dma_wait3A_216 = arith.constant 0 : i32
      %dma_wait3A_217 = tpu.memref_slice %arg8[%dma_wait3A_215, %dma_wait3A_216] : memref<800x32xf32, #tpu.memory_space<vmem>> -> memref<72x32xf32, #tpu.memory_space<vmem>>
      %dma_wait3A_218 = arith.constant 0 : i32
      %dma_wait3A_219 = tpu.memref_slice %arg7[%add3A_205, %dma_wait3A_218] : memref<128x128xi32, #tpu.memory_space<vmem>> -> memref<1x72xi32, #tpu.memory_space<vmem>>
      %dma_wait3A_220 = tpu.memref_squeeze %dma_wait3A_219 : memref<1x72xi32, #tpu.memory_space<vmem>> -> memref<72xi32, #tpu.memory_space<vmem>>
      %dma_wait3A_221 = arith.constant 0 : i32
      %dma_wait3A_222 = arith.constant 0 : i32
      %dma_wait3A_223 = tpu.memref_slice %arg4[%dma_wait3A_221, %dma_wait3A_222] : memref<1015808x32xf32, #tpu.memory_space<hbm>> -> memref<1015808x32xf32, #tpu.memory_space<hbm>>
      tpu.wait_indirect_dma semaphore(%arg11 : memref<!tpu.dma_semaphore, #tpu.memory_space<semaphore_mem>>) src(%dma_wait3A_223 : memref<1015808x32xf32, #tpu.memory_space<hbm>>) dst(%dma_wait3A_217 : memref<72x32xf32, #tpu.memory_space<vmem>>)
      %mul3A_224 = arith.constant 4 : i32
      %mul3A_225 = arith.muli %add3A_90, %mul3A_224 : i32
      %add3A_226 = arith.constant 2 : i32
      %add3A_227 = arith.addi %mul3A_225, %add3A_226 : i32
      %dma_wait3A_228 = arith.constant 400 : i32
      %dma_wait3A_229 = arith.constant 0 : i32
      %dma_wait3A_230 = tpu.memref_slice %arg8[%dma_wait3A_228, %dma_wait3A_229] : memref<800x32xf32, #tpu.memory_space<vmem>> -> memref<128x32xf32, #tpu.memory_space<vmem>>
      %dma_wait3A_231 = arith.constant 0 : i32
      %dma_wait3A_232 = tpu.memref_slice %arg6[%add3A_227, %dma_wait3A_231] : memref<128x128xi32, #tpu.memory_space<vmem>> -> memref<1x128xi32, #tpu.memory_space<vmem>>
      %dma_wait3A_233 = tpu.memref_squeeze %dma_wait3A_232 : memref<1x128xi32, #tpu.memory_space<vmem>> -> memref<128xi32, #tpu.memory_space<vmem>>
      %dma_wait3A_234 = arith.constant 0 : i32
      %dma_wait3A_235 = arith.constant 0 : i32
      %dma_wait3A_236 = tpu.memref_slice %arg4[%dma_wait3A_234, %dma_wait3A_235] : memref<1015808x32xf32, #tpu.memory_space<hbm>> -> memref<1015808x32xf32, #tpu.memory_space<hbm>>
      tpu.wait_indirect_dma semaphore(%arg11 : memref<!tpu.dma_semaphore, #tpu.memory_space<semaphore_mem>>) src(%dma_wait3A_236 : memref<1015808x32xf32, #tpu.memory_space<hbm>>) dst(%dma_wait3A_230 : memref<128x32xf32, #tpu.memory_space<vmem>>)
      %dma_wait3A_237 = arith.constant 528 : i32
      %dma_wait3A_238 = arith.constant 0 : i32
      %dma_wait3A_239 = tpu.memref_slice %arg8[%dma_wait3A_237, %dma_wait3A_238] : memref<800x32xf32, #tpu.memory_space<vmem>> -> memref<72x32xf32, #tpu.memory_space<vmem>>
      %dma_wait3A_240 = arith.constant 0 : i32
      %dma_wait3A_241 = tpu.memref_slice %arg7[%add3A_227, %dma_wait3A_240] : memref<128x128xi32, #tpu.memory_space<vmem>> -> memref<1x72xi32, #tpu.memory_space<vmem>>
      %dma_wait3A_242 = tpu.memref_squeeze %dma_wait3A_241 : memref<1x72xi32, #tpu.memory_space<vmem>> -> memref<72xi32, #tpu.memory_space<vmem>>
      %dma_wait3A_243 = arith.constant 0 : i32
      %dma_wait3A_244 = arith.constant 0 : i32
      %dma_wait3A_245 = tpu.memref_slice %arg4[%dma_wait3A_243, %dma_wait3A_244] : memref<1015808x32xf32, #tpu.memory_space<hbm>> -> memref<1015808x32xf32, #tpu.memory_space<hbm>>
      tpu.wait_indirect_dma semaphore(%arg11 : memref<!tpu.dma_semaphore, #tpu.memory_space<semaphore_mem>>) src(%dma_wait3A_245 : memref<1015808x32xf32, #tpu.memory_space<hbm>>) dst(%dma_wait3A_239 : memref<72x32xf32, #tpu.memory_space<vmem>>)
      %mul3A_246 = arith.constant 4 : i32
      %mul3A_247 = arith.muli %add3A_90, %mul3A_246 : i32
      %add3A_248 = arith.constant 3 : i32
      %add3A_249 = arith.addi %mul3A_247, %add3A_248 : i32
      %dma_wait3A_250 = arith.constant 600 : i32
      %dma_wait3A_251 = arith.constant 0 : i32
      %dma_wait3A_252 = tpu.memref_slice %arg8[%dma_wait3A_250, %dma_wait3A_251] : memref<800x32xf32, #tpu.memory_space<vmem>> -> memref<128x32xf32, #tpu.memory_space<vmem>>
      %dma_wait3A_253 = arith.constant 0 : i32
      %dma_wait3A_254 = tpu.memref_slice %arg6[%add3A_249, %dma_wait3A_253] : memref<128x128xi32, #tpu.memory_space<vmem>> -> memref<1x128xi32, #tpu.memory_space<vmem>>
      %dma_wait3A_255 = tpu.memref_squeeze %dma_wait3A_254 : memref<1x128xi32, #tpu.memory_space<vmem>> -> memref<128xi32, #tpu.memory_space<vmem>>
      %dma_wait3A_256 = arith.constant 0 : i32
      %dma_wait3A_257 = arith.constant 0 : i32
      %dma_wait3A_258 = tpu.memref_slice %arg4[%dma_wait3A_256, %dma_wait3A_257] : memref<1015808x32xf32, #tpu.memory_space<hbm>> -> memref<1015808x32xf32, #tpu.memory_space<hbm>>
      tpu.wait_indirect_dma semaphore(%arg11 : memref<!tpu.dma_semaphore, #tpu.memory_space<semaphore_mem>>) src(%dma_wait3A_258 : memref<1015808x32xf32, #tpu.memory_space<hbm>>) dst(%dma_wait3A_252 : memref<128x32xf32, #tpu.memory_space<vmem>>)
      %dma_wait3A_259 = arith.constant 728 : i32
      %dma_wait3A_260 = arith.constant 0 : i32
      %dma_wait3A_261 = tpu.memref_slice %arg8[%dma_wait3A_259, %dma_wait3A_260] : memref<800x32xf32, #tpu.memory_space<vmem>> -> memref<72x32xf32, #tpu.memory_space<vmem>>
      %dma_wait3A_262 = arith.constant 0 : i32
      %dma_wait3A_263 = tpu.memref_slice %arg7[%add3A_249, %dma_wait3A_262] : memref<128x128xi32, #tpu.memory_space<vmem>> -> memref<1x72xi32, #tpu.memory_space<vmem>>
      %dma_wait3A_264 = tpu.memref_squeeze %dma_wait3A_263 : memref<1x72xi32, #tpu.memory_space<vmem>> -> memref<72xi32, #tpu.memory_space<vmem>>
      %dma_wait3A_265 = arith.constant 0 : i32
      %dma_wait3A_266 = arith.constant 0 : i32
      %dma_wait3A_267 = tpu.memref_slice %arg4[%dma_wait3A_265, %dma_wait3A_266] : memref<1015808x32xf32, #tpu.memory_space<hbm>> -> memref<1015808x32xf32, #tpu.memory_space<hbm>>
      tpu.wait_indirect_dma semaphore(%arg11 : memref<!tpu.dma_semaphore, #tpu.memory_space<semaphore_mem>>) src(%dma_wait3A_267 : memref<1015808x32xf32, #tpu.memory_space<hbm>>) dst(%dma_wait3A_261 : memref<72x32xf32, #tpu.memory_space<vmem>>)
      %broadcast_in_dim3A = arith.constant 0.000000e+00 : f32
      %broadcast_in_dim3A_268 = vector.broadcast %broadcast_in_dim3A : f32 to vector<16xf32>
      %scan3A_269 = arith.constant 0 : i32
      %scan3A_270 = arith.constant 25 : i32
      %scan3A_271 = arith.addi %scan3A_269, %scan3A_270 : i32
      %scan3A_272 = arith.constant 1 : i32
      %scan3A_273:8 = scf.for %scan3A_586 = %scan3A_269 to %scan3A_271 step %scan3A_272 iter_args(%scan3A_587 = %broadcast_in_dim3A_268, %scan3A_588 = %broadcast_in_dim3A_268, %scan3A_589 = %broadcast_in_dim3A_268, %scan3A_590 = %broadcast_in_dim3A_268, %scan3A_591 = %broadcast_in_dim3A_268, %scan3A_592 = %broadcast_in_dim3A_268, %scan3A_593 = %broadcast_in_dim3A_268, %scan3A_594 = %broadcast_in_dim3A_268) -> (vector<16xf32>, vector<16xf32>, vector<16xf32>, vector<16xf32>, vector<16xf32>, vector<16xf32>, vector<16xf32>, vector<16xf32>)  : i32 {
        %mul3A_595 = arith.constant 8 : i32
        %mul3A_596 = arith.muli %mul3A_595, %scan3A_586 : i32
        %add3A_597 = arith.constant 0 : i32
        %add3A_598 = arith.addi %add3A_597, %mul3A_596 : i32
        %add3A_599 = arith.constant 0 : i32
        %add3A_600 = arith.addi %add3A_598, %add3A_599 : i32
        %get3A = arith.index_cast %add3A_600 : i32 to index
        %get3A_601 = arith.constant 0 : index
        %get3A_602 = tpu.vector_load %arg8[%get3A, %get3A_601] {strides = array<i32>} : memref<800x32xf32, #tpu.memory_space<vmem>>, vector<1x16xf32>,
        %get3A_603 = vector.shape_cast %get3A_602 : vector<1x16xf32> to vector<16xf32>
        %add3A_604 = arith.addf %scan3A_587, %get3A_603 : vector<16xf32>
        %add3A_605 = arith.constant 0 : i32
        %add3A_606 = arith.addi %add3A_598, %add3A_605 : i32
        %get3A_607 = arith.index_cast %add3A_606 : i32 to index
        %get3A_608 = arith.constant 16 : index
        %get3A_609 = tpu.vector_load %arg8[%get3A_607, %get3A_608] {strides = array<i32>} : memref<800x32xf32, #tpu.memory_space<vmem>>, vector<1x16xf32>,
        %get3A_610 = vector.shape_cast %get3A_609 : vector<1x16xf32> to vector<16xf32>
        %add3A_611 = arith.addf %scan3A_588, %get3A_610 : vector<16xf32>
        %add3A_612 = arith.constant 1 : i32
        %add3A_613 = arith.addi %add3A_598, %add3A_612 : i32
        %get3A_614 = arith.index_cast %add3A_613 : i32 to index
        %get3A_615 = arith.constant 0 : index
        %get3A_616 = tpu.vector_load %arg8[%get3A_614, %get3A_615] {strides = array<i32>} : memref<800x32xf32, #tpu.memory_space<vmem>>, vector<1x16xf32>,
        %get3A_617 = vector.shape_cast %get3A_616 : vector<1x16xf32> to vector<16xf32>
        %add3A_618 = arith.addf %scan3A_589, %get3A_617 : vector<16xf32>
        %add3A_619 = arith.constant 1 : i32
        %add3A_620 = arith.addi %add3A_598, %add3A_619 : i32
        %get3A_621 = arith.index_cast %add3A_620 : i32 to index
        %get3A_622 = arith.constant 16 : index
        %get3A_623 = tpu.vector_load %arg8[%get3A_621, %get3A_622] {strides = array<i32>} : memref<800x32xf32, #tpu.memory_space<vmem>>, vector<1x16xf32>,
        %get3A_624 = vector.shape_cast %get3A_623 : vector<1x16xf32> to vector<16xf32>
        %add3A_625 = arith.addf %scan3A_590, %get3A_624 : vector<16xf32>
        %add3A_626 = arith.constant 2 : i32
        %add3A_627 = arith.addi %add3A_598, %add3A_626 : i32
        %get3A_628 = arith.index_cast %add3A_627 : i32 to index
        %get3A_629 = arith.constant 0 : index
        %get3A_630 = tpu.vector_load %arg8[%get3A_628, %get3A_629] {strides = array<i32>} : memref<800x32xf32, #tpu.memory_space<vmem>>, vector<1x16xf32>,
        %get3A_631 = vector.shape_cast %get3A_630 : vector<1x16xf32> to vector<16xf32>
        %add3A_632 = arith.addf %scan3A_591, %get3A_631 : vector<16xf32>
        %add3A_633 = arith.constant 2 : i32
        %add3A_634 = arith.addi %add3A_598, %add3A_633 : i32
        %get3A_635 = arith.index_cast %add3A_634 : i32 to index
        %get3A_636 = arith.constant 16 : index
        %get3A_637 = tpu.vector_load %arg8[%get3A_635, %get3A_636] {strides = array<i32>} : memref<800x32xf32, #tpu.memory_space<vmem>>, vector<1x16xf32>,
        %get3A_638 = vector.shape_cast %get3A_637 : vector<1x16xf32> to vector<16xf32>
        %add3A_639 = arith.addf %scan3A_592, %get3A_638 : vector<16xf32>
        %add3A_640 = arith.constant 3 : i32
        %add3A_641 = arith.addi %add3A_598, %add3A_640 : i32
        %get3A_642 = arith.index_cast %add3A_641 : i32 to index
        %get3A_643 = arith.constant 0 : index
        %get3A_644 = tpu.vector_load %arg8[%get3A_642, %get3A_643] {strides = array<i32>} : memref<800x32xf32, #tpu.memory_space<vmem>>, vector<1x16xf32>,
        %get3A_645 = vector.shape_cast %get3A_644 : vector<1x16xf32> to vector<16xf32>
        %add3A_646 = arith.addf %scan3A_593, %get3A_645 : vector<16xf32>
        %add3A_647 = arith.constant 3 : i32
        %add3A_648 = arith.addi %add3A_598, %add3A_647 : i32
        %get3A_649 = arith.index_cast %add3A_648 : i32 to index
        %get3A_650 = arith.constant 16 : index
        %get3A_651 = tpu.vector_load %arg8[%get3A_649, %get3A_650] {strides = array<i32>} : memref<800x32xf32, #tpu.memory_space<vmem>>, vector<1x16xf32>,
        %get3A_652 = vector.shape_cast %get3A_651 : vector<1x16xf32> to vector<16xf32>
        %add3A_653 = arith.addf %scan3A_594, %get3A_652 : vector<16xf32>
        %add3A_654 = arith.constant 4 : i32
        %add3A_655 = arith.addi %add3A_598, %add3A_654 : i32
        %get3A_656 = arith.index_cast %add3A_655 : i32 to index
        %get3A_657 = arith.constant 0 : index
        %get3A_658 = tpu.vector_load %arg8[%get3A_656, %get3A_657] {strides = array<i32>} : memref<800x32xf32, #tpu.memory_space<vmem>>, vector<1x16xf32>,
        %get3A_659 = vector.shape_cast %get3A_658 : vector<1x16xf32> to vector<16xf32>
        %add3A_660 = arith.addf %add3A_604, %get3A_659 : vector<16xf32>
        %add3A_661 = arith.constant 4 : i32
        %add3A_662 = arith.addi %add3A_598, %add3A_661 : i32
        %get3A_663 = arith.index_cast %add3A_662 : i32 to index
        %get3A_664 = arith.constant 16 : index
        %get3A_665 = tpu.vector_load %arg8[%get3A_663, %get3A_664] {strides = array<i32>} : memref<800x32xf32, #tpu.memory_space<vmem>>, vector<1x16xf32>,
        %get3A_666 = vector.shape_cast %get3A_665 : vector<1x16xf32> to vector<16xf32>
        %add3A_667 = arith.addf %add3A_611, %get3A_666 : vector<16xf32>
        %add3A_668 = arith.constant 5 : i32
        %add3A_669 = arith.addi %add3A_598, %add3A_668 : i32
        %get3A_670 = arith.index_cast %add3A_669 : i32 to index
        %get3A_671 = arith.constant 0 : index
        %get3A_672 = tpu.vector_load %arg8[%get3A_670, %get3A_671] {strides = array<i32>} : memref<800x32xf32, #tpu.memory_space<vmem>>, vector<1x16xf32>,
        %get3A_673 = vector.shape_cast %get3A_672 : vector<1x16xf32> to vector<16xf32>
        %add3A_674 = arith.addf %add3A_618, %get3A_673 : vector<16xf32>
        %add3A_675 = arith.constant 5 : i32
        %add3A_676 = arith.addi %add3A_598, %add3A_675 : i32
        %get3A_677 = arith.index_cast %add3A_676 : i32 to index
        %get3A_678 = arith.constant 16 : index
        %get3A_679 = tpu.vector_load %arg8[%get3A_677, %get3A_678] {strides = array<i32>} : memref<800x32xf32, #tpu.memory_space<vmem>>, vector<1x16xf32>,
        %get3A_680 = vector.shape_cast %get3A_679 : vector<1x16xf32> to vector<16xf32>
        %add3A_681 = arith.addf %add3A_625, %get3A_680 : vector<16xf32>
        %add3A_682 = arith.constant 6 : i32
        %add3A_683 = arith.addi %add3A_598, %add3A_682 : i32
        %get3A_684 = arith.index_cast %add3A_683 : i32 to index
        %get3A_685 = arith.constant 0 : index
        %get3A_686 = tpu.vector_load %arg8[%get3A_684, %get3A_685] {strides = array<i32>} : memref<800x32xf32, #tpu.memory_space<vmem>>, vector<1x16xf32>,
        %get3A_687 = vector.shape_cast %get3A_686 : vector<1x16xf32> to vector<16xf32>
        %add3A_688 = arith.addf %add3A_632, %get3A_687 : vector<16xf32>
        %add3A_689 = arith.constant 6 : i32
        %add3A_690 = arith.addi %add3A_598, %add3A_689 : i32
        %get3A_691 = arith.index_cast %add3A_690 : i32 to index
        %get3A_692 = arith.constant 16 : index
        %get3A_693 = tpu.vector_load %arg8[%get3A_691, %get3A_692] {strides = array<i32>} : memref<800x32xf32, #tpu.memory_space<vmem>>, vector<1x16xf32>,
        %get3A_694 = vector.shape_cast %get3A_693 : vector<1x16xf32> to vector<16xf32>
        %add3A_695 = arith.addf %add3A_639, %get3A_694 : vector<16xf32>
        %add3A_696 = arith.constant 7 : i32
        %add3A_697 = arith.addi %add3A_598, %add3A_696 : i32
        %get3A_698 = arith.index_cast %add3A_697 : i32 to index
        %get3A_699 = arith.constant 0 : index
        %get3A_700 = tpu.vector_load %arg8[%get3A_698, %get3A_699] {strides = array<i32>} : memref<800x32xf32, #tpu.memory_space<vmem>>, vector<1x16xf32>,
        %get3A_701 = vector.shape_cast %get3A_700 : vector<1x16xf32> to vector<16xf32>
        %add3A_702 = arith.addf %add3A_646, %get3A_701 : vector<16xf32>
        %add3A_703 = arith.constant 7 : i32
        %add3A_704 = arith.addi %add3A_598, %add3A_703 : i32
        %get3A_705 = arith.index_cast %add3A_704 : i32 to index
        %get3A_706 = arith.constant 16 : index
        %get3A_707 = tpu.vector_load %arg8[%get3A_705, %get3A_706] {strides = array<i32>} : memref<800x32xf32, #tpu.memory_space<vmem>>, vector<1x16xf32>,
        %get3A_708 = vector.shape_cast %get3A_707 : vector<1x16xf32> to vector<16xf32>
        %add3A_709 = arith.addf %add3A_653, %get3A_708 : vector<16xf32>
        scf.yield %add3A_660, %add3A_667, %add3A_674, %add3A_681, %add3A_688, %add3A_695, %add3A_702, %add3A_709 : vector<16xf32>, vector<16xf32>, vector<16xf32>, vector<16xf32>, vector<16xf32>, vector<16xf32>, vector<16xf32>, vector<16xf32>
      }
      %scan3A_274 = arith.constant 25 : i32
      %mul3A_275 = arith.constant 4 : i32
      %mul3A_276 = arith.muli %add3A_90, %mul3A_275 : i32
      %add3A_277 = arith.constant 0 : i32
      %add3A_278 = arith.addi %mul3A_276, %add3A_277 : i32
      %add3A_279 = arith.addf %scan3A_273#0, %scan3A_273#2 : vector<16xf32>
      %add3A_280 = arith.addf %scan3A_273#4, %scan3A_273#6 : vector<16xf32>
      %add3A_281 = arith.addf %add3A_279, %add3A_280 : vector<16xf32>
      %swap3A = arith.index_cast %add3A_278 : i32 to index
      %swap3A_282 = arith.constant 0 : index
      %swap3A_283 = tpu.vector_load %arg10[%swap3A, %swap3A_282] {strides = array<i32>} : memref<128x32xf32, #tpu.memory_space<vmem>>, vector<1x16xf32>,
      %swap3A_284 = vector.shape_cast %swap3A_283 : vector<1x16xf32> to vector<16xf32>
      %swap3A_285 = vector.shape_cast %add3A_281 : vector<16xf32> to vector<1x16xf32>
      tpu.vector_store %arg10[%swap3A, %swap3A_282], %swap3A_285 {strides = array<i32>} : memref<128x32xf32, #tpu.memory_space<vmem>>, vector<1x16xf32>,
      %add3A_286 = arith.addf %scan3A_273#1, %scan3A_273#3 : vector<16xf32>
      %add3A_287 = arith.addf %scan3A_273#5, %scan3A_273#7 : vector<16xf32>
      %add3A_288 = arith.addf %add3A_286, %add3A_287 : vector<16xf32>
      %swap3A_289 = arith.index_cast %add3A_278 : i32 to index
      %swap3A_290 = arith.constant 16 : index
      %swap3A_291 = tpu.vector_load %arg10[%swap3A_289, %swap3A_290] {strides = array<i32>} : memref<128x32xf32, #tpu.memory_space<vmem>>, vector<1x16xf32>,
      %swap3A_292 = vector.shape_cast %swap3A_291 : vector<1x16xf32> to vector<16xf32>
      %swap3A_293 = vector.shape_cast %add3A_288 : vector<16xf32> to vector<1x16xf32>
      tpu.vector_store %arg10[%swap3A_289, %swap3A_290], %swap3A_293 {strides = array<i32>} : memref<128x32xf32, #tpu.memory_space<vmem>>, vector<1x16xf32>,
      %broadcast_in_dim3A_294 = arith.constant 0.000000e+00 : f32
      %broadcast_in_dim3A_295 = vector.broadcast %broadcast_in_dim3A_294 : f32 to vector<16xf32>
      %scan3A_296 = arith.constant 0 : i32
      %scan3A_297 = arith.constant 25 : i32
      %scan3A_298 = arith.addi %scan3A_296, %scan3A_297 : i32
      %scan3A_299 = arith.constant 1 : i32
      %scan3A_300:8 = scf.for %scan3A_586 = %scan3A_296 to %scan3A_298 step %scan3A_299 iter_args(%scan3A_587 = %broadcast_in_dim3A_295, %scan3A_588 = %broadcast_in_dim3A_295, %scan3A_589 = %broadcast_in_dim3A_295, %scan3A_590 = %broadcast_in_dim3A_295, %scan3A_591 = %broadcast_in_dim3A_295, %scan3A_592 = %broadcast_in_dim3A_295, %scan3A_593 = %broadcast_in_dim3A_295, %scan3A_594 = %broadcast_in_dim3A_295) -> (vector<16xf32>, vector<16xf32>, vector<16xf32>, vector<16xf32>, vector<16xf32>, vector<16xf32>, vector<16xf32>, vector<16xf32>)  : i32 {
        %mul3A_595 = arith.constant 8 : i32
        %mul3A_596 = arith.muli %mul3A_595, %scan3A_586 : i32
        %add3A_597 = arith.constant 200 : i32
        %add3A_598 = arith.addi %add3A_597, %mul3A_596 : i32
        %add3A_599 = arith.constant 0 : i32
        %add3A_600 = arith.addi %add3A_598, %add3A_599 : i32
        %get3A = arith.index_cast %add3A_600 : i32 to index
        %get3A_601 = arith.constant 0 : index
        %get3A_602 = tpu.vector_load %arg8[%get3A, %get3A_601] {strides = array<i32>} : memref<800x32xf32, #tpu.memory_space<vmem>>, vector<1x16xf32>,
        %get3A_603 = vector.shape_cast %get3A_602 : vector<1x16xf32> to vector<16xf32>
        %add3A_604 = arith.addf %scan3A_587, %get3A_603 : vector<16xf32>
        %add3A_605 = arith.constant 0 : i32
        %add3A_606 = arith.addi %add3A_598, %add3A_605 : i32
        %get3A_607 = arith.index_cast %add3A_606 : i32 to index
        %get3A_608 = arith.constant 16 : index
        %get3A_609 = tpu.vector_load %arg8[%get3A_607, %get3A_608] {strides = array<i32>} : memref<800x32xf32, #tpu.memory_space<vmem>>, vector<1x16xf32>,
        %get3A_610 = vector.shape_cast %get3A_609 : vector<1x16xf32> to vector<16xf32>
        %add3A_611 = arith.addf %scan3A_588, %get3A_610 : vector<16xf32>
        %add3A_612 = arith.constant 1 : i32
        %add3A_613 = arith.addi %add3A_598, %add3A_612 : i32
        %get3A_614 = arith.index_cast %add3A_613 : i32 to index
        %get3A_615 = arith.constant 0 : index
        %get3A_616 = tpu.vector_load %arg8[%get3A_614, %get3A_615] {strides = array<i32>} : memref<800x32xf32, #tpu.memory_space<vmem>>, vector<1x16xf32>,
        %get3A_617 = vector.shape_cast %get3A_616 : vector<1x16xf32> to vector<16xf32>
        %add3A_618 = arith.addf %scan3A_589, %get3A_617 : vector<16xf32>
        %add3A_619 = arith.constant 1 : i32
        %add3A_620 = arith.addi %add3A_598, %add3A_619 : i32
        %get3A_621 = arith.index_cast %add3A_620 : i32 to index
        %get3A_622 = arith.constant 16 : index
        %get3A_623 = tpu.vector_load %arg8[%get3A_621, %get3A_622] {strides = array<i32>} : memref<800x32xf32, #tpu.memory_space<vmem>>, vector<1x16xf32>,
        %get3A_624 = vector.shape_cast %get3A_623 : vector<1x16xf32> to vector<16xf32>
        %add3A_625 = arith.addf %scan3A_590, %get3A_624 : vector<16xf32>
        %add3A_626 = arith.constant 2 : i32
        %add3A_627 = arith.addi %add3A_598, %add3A_626 : i32
        %get3A_628 = arith.index_cast %add3A_627 : i32 to index
        %get3A_629 = arith.constant 0 : index
        %get3A_630 = tpu.vector_load %arg8[%get3A_628, %get3A_629] {strides = array<i32>} : memref<800x32xf32, #tpu.memory_space<vmem>>, vector<1x16xf32>,
        %get3A_631 = vector.shape_cast %get3A_630 : vector<1x16xf32> to vector<16xf32>
        %add3A_632 = arith.addf %scan3A_591, %get3A_631 : vector<16xf32>
        %add3A_633 = arith.constant 2 : i32
        %add3A_634 = arith.addi %add3A_598, %add3A_633 : i32
        %get3A_635 = arith.index_cast %add3A_634 : i32 to index
        %get3A_636 = arith.constant 16 : index
        %get3A_637 = tpu.vector_load %arg8[%get3A_635, %get3A_636] {strides = array<i32>} : memref<800x32xf32, #tpu.memory_space<vmem>>, vector<1x16xf32>,
        %get3A_638 = vector.shape_cast %get3A_637 : vector<1x16xf32> to vector<16xf32>
        %add3A_639 = arith.addf %scan3A_592, %get3A_638 : vector<16xf32>
        %add3A_640 = arith.constant 3 : i32
        %add3A_641 = arith.addi %add3A_598, %add3A_640 : i32
        %get3A_642 = arith.index_cast %add3A_641 : i32 to index
        %get3A_643 = arith.constant 0 : index
        %get3A_644 = tpu.vector_load %arg8[%get3A_642, %get3A_643] {strides = array<i32>} : memref<800x32xf32, #tpu.memory_space<vmem>>, vector<1x16xf32>,
        %get3A_645 = vector.shape_cast %get3A_644 : vector<1x16xf32> to vector<16xf32>
        %add3A_646 = arith.addf %scan3A_593, %get3A_645 : vector<16xf32>
        %add3A_647 = arith.constant 3 : i32
        %add3A_648 = arith.addi %add3A_598, %add3A_647 : i32
        %get3A_649 = arith.index_cast %add3A_648 : i32 to index
        %get3A_650 = arith.constant 16 : index
        %get3A_651 = tpu.vector_load %arg8[%get3A_649, %get3A_650] {strides = array<i32>} : memref<800x32xf32, #tpu.memory_space<vmem>>, vector<1x16xf32>,
        %get3A_652 = vector.shape_cast %get3A_651 : vector<1x16xf32> to vector<16xf32>
        %add3A_653 = arith.addf %scan3A_594, %get3A_652 : vector<16xf32>
        %add3A_654 = arith.constant 4 : i32
        %add3A_655 = arith.addi %add3A_598, %add3A_654 : i32
        %get3A_656 = arith.index_cast %add3A_655 : i32 to index
        %get3A_657 = arith.constant 0 : index
        %get3A_658 = tpu.vector_load %arg8[%get3A_656, %get3A_657] {strides = array<i32>} : memref<800x32xf32, #tpu.memory_space<vmem>>, vector<1x16xf32>,
        %get3A_659 = vector.shape_cast %get3A_658 : vector<1x16xf32> to vector<16xf32>
        %add3A_660 = arith.addf %add3A_604, %get3A_659 : vector<16xf32>
        %add3A_661 = arith.constant 4 : i32
        %add3A_662 = arith.addi %add3A_598, %add3A_661 : i32
        %get3A_663 = arith.index_cast %add3A_662 : i32 to index
        %get3A_664 = arith.constant 16 : index
        %get3A_665 = tpu.vector_load %arg8[%get3A_663, %get3A_664] {strides = array<i32>} : memref<800x32xf32, #tpu.memory_space<vmem>>, vector<1x16xf32>,
        %get3A_666 = vector.shape_cast %get3A_665 : vector<1x16xf32> to vector<16xf32>
        %add3A_667 = arith.addf %add3A_611, %get3A_666 : vector<16xf32>
        %add3A_668 = arith.constant 5 : i32
        %add3A_669 = arith.addi %add3A_598, %add3A_668 : i32
        %get3A_670 = arith.index_cast %add3A_669 : i32 to index
        %get3A_671 = arith.constant 0 : index
        %get3A_672 = tpu.vector_load %arg8[%get3A_670, %get3A_671] {strides = array<i32>} : memref<800x32xf32, #tpu.memory_space<vmem>>, vector<1x16xf32>,
        %get3A_673 = vector.shape_cast %get3A_672 : vector<1x16xf32> to vector<16xf32>
        %add3A_674 = arith.addf %add3A_618, %get3A_673 : vector<16xf32>
        %add3A_675 = arith.constant 5 : i32
        %add3A_676 = arith.addi %add3A_598, %add3A_675 : i32
        %get3A_677 = arith.index_cast %add3A_676 : i32 to index
        %get3A_678 = arith.constant 16 : index
        %get3A_679 = tpu.vector_load %arg8[%get3A_677, %get3A_678] {strides = array<i32>} : memref<800x32xf32, #tpu.memory_space<vmem>>, vector<1x16xf32>,
        %get3A_680 = vector.shape_cast %get3A_679 : vector<1x16xf32> to vector<16xf32>
        %add3A_681 = arith.addf %add3A_625, %get3A_680 : vector<16xf32>
        %add3A_682 = arith.constant 6 : i32
        %add3A_683 = arith.addi %add3A_598, %add3A_682 : i32
        %get3A_684 = arith.index_cast %add3A_683 : i32 to index
        %get3A_685 = arith.constant 0 : index
        %get3A_686 = tpu.vector_load %arg8[%get3A_684, %get3A_685] {strides = array<i32>} : memref<800x32xf32, #tpu.memory_space<vmem>>, vector<1x16xf32>,
        %get3A_687 = vector.shape_cast %get3A_686 : vector<1x16xf32> to vector<16xf32>
        %add3A_688 = arith.addf %add3A_632, %get3A_687 : vector<16xf32>
        %add3A_689 = arith.constant 6 : i32
        %add3A_690 = arith.addi %add3A_598, %add3A_689 : i32
        %get3A_691 = arith.index_cast %add3A_690 : i32 to index
        %get3A_692 = arith.constant 16 : index
        %get3A_693 = tpu.vector_load %arg8[%get3A_691, %get3A_692] {strides = array<i32>} : memref<800x32xf32, #tpu.memory_space<vmem>>, vector<1x16xf32>,
        %get3A_694 = vector.shape_cast %get3A_693 : vector<1x16xf32> to vector<16xf32>
        %add3A_695 = arith.addf %add3A_639, %get3A_694 : vector<16xf32>
        %add3A_696 = arith.constant 7 : i32
        %add3A_697 = arith.addi %add3A_598, %add3A_696 : i32
        %get3A_698 = arith.index_cast %add3A_697 : i32 to index
        %get3A_699 = arith.constant 0 : index
        %get3A_700 = tpu.vector_load %arg8[%get3A_698, %get3A_699] {strides = array<i32>} : memref<800x32xf32, #tpu.memory_space<vmem>>, vector<1x16xf32>,
        %get3A_701 = vector.shape_cast %get3A_700 : vector<1x16xf32> to vector<16xf32>
        %add3A_702 = arith.addf %add3A_646, %get3A_701 : vector<16xf32>
        %add3A_703 = arith.constant 7 : i32
        %add3A_704 = arith.addi %add3A_598, %add3A_703 : i32
        %get3A_705 = arith.index_cast %add3A_704 : i32 to index
        %get3A_706 = arith.constant 16 : index
        %get3A_707 = tpu.vector_load %arg8[%get3A_705, %get3A_706] {strides = array<i32>} : memref<800x32xf32, #tpu.memory_space<vmem>>, vector<1x16xf32>,
        %get3A_708 = vector.shape_cast %get3A_707 : vector<1x16xf32> to vector<16xf32>
        %add3A_709 = arith.addf %add3A_653, %get3A_708 : vector<16xf32>
        scf.yield %add3A_660, %add3A_667, %add3A_674, %add3A_681, %add3A_688, %add3A_695, %add3A_702, %add3A_709 : vector<16xf32>, vector<16xf32>, vector<16xf32>, vector<16xf32>, vector<16xf32>, vector<16xf32>, vector<16xf32>, vector<16xf32>
      }
      %scan3A_301 = arith.constant 25 : i32
      %mul3A_302 = arith.constant 4 : i32
      %mul3A_303 = arith.muli %add3A_90, %mul3A_302 : i32
      %add3A_304 = arith.constant 1 : i32
      %add3A_305 = arith.addi %mul3A_303, %add3A_304 : i32
      %add3A_306 = arith.addf %scan3A_300#0, %scan3A_300#2 : vector<16xf32>
      %add3A_307 = arith.addf %scan3A_300#4, %scan3A_300#6 : vector<16xf32>
      %add3A_308 = arith.addf %add3A_306, %add3A_307 : vector<16xf32>
      %swap3A_309 = arith.index_cast %add3A_305 : i32 to index
      %swap3A_310 = arith.constant 0 : index
      %swap3A_311 = tpu.vector_load %arg10[%swap3A_309, %swap3A_310] {strides = array<i32>} : memref<128x32xf32, #tpu.memory_space<vmem>>, vector<1x16xf32>,
      %swap3A_312 = vector.shape_cast %swap3A_311 : vector<1x16xf32> to vector<16xf32>
      %swap3A_313 = vector.shape_cast %add3A_308 : vector<16xf32> to vector<1x16xf32>
      tpu.vector_store %arg10[%swap3A_309, %swap3A_310], %swap3A_313 {strides = array<i32>} : memref<128x32xf32, #tpu.memory_space<vmem>>, vector<1x16xf32>,
      %add3A_314 = arith.addf %scan3A_300#1, %scan3A_300#3 : vector<16xf32>
      %add3A_315 = arith.addf %scan3A_300#5, %scan3A_300#7 : vector<16xf32>
      %add3A_316 = arith.addf %add3A_314, %add3A_315 : vector<16xf32>
      %swap3A_317 = arith.index_cast %add3A_305 : i32 to index
      %swap3A_318 = arith.constant 16 : index
      %swap3A_319 = tpu.vector_load %arg10[%swap3A_317, %swap3A_318] {strides = array<i32>} : memref<128x32xf32, #tpu.memory_space<vmem>>, vector<1x16xf32>,
      %swap3A_320 = vector.shape_cast %swap3A_319 : vector<1x16xf32> to vector<16xf32>
      %swap3A_321 = vector.shape_cast %add3A_316 : vector<16xf32> to vector<1x16xf32>
      tpu.vector_store %arg10[%swap3A_317, %swap3A_318], %swap3A_321 {strides = array<i32>} : memref<128x32xf32, #tpu.memory_space<vmem>>, vector<1x16xf32>,
      %broadcast_in_dim3A_322 = arith.constant 0.000000e+00 : f32
      %broadcast_in_dim3A_323 = vector.broadcast %broadcast_in_dim3A_322 : f32 to vector<16xf32>
      %scan3A_324 = arith.constant 0 : i32
      %scan3A_325 = arith.constant 25 : i32
      %scan3A_326 = arith.addi %scan3A_324, %scan3A_325 : i32
      %scan3A_327 = arith.constant 1 : i32
      %scan3A_328:8 = scf.for %scan3A_586 = %scan3A_324 to %scan3A_326 step %scan3A_327 iter_args(%scan3A_587 = %broadcast_in_dim3A_323, %scan3A_588 = %broadcast_in_dim3A_323, %scan3A_589 = %broadcast_in_dim3A_323, %scan3A_590 = %broadcast_in_dim3A_323, %scan3A_591 = %broadcast_in_dim3A_323, %scan3A_592 = %broadcast_in_dim3A_323, %scan3A_593 = %broadcast_in_dim3A_323, %scan3A_594 = %broadcast_in_dim3A_323) -> (vector<16xf32>, vector<16xf32>, vector<16xf32>, vector<16xf32>, vector<16xf32>, vector<16xf32>, vector<16xf32>, vector<16xf32>)  : i32 {
        %mul3A_595 = arith.constant 8 : i32
        %mul3A_596 = arith.muli %mul3A_595, %scan3A_586 : i32
        %add3A_597 = arith.constant 400 : i32
        %add3A_598 = arith.addi %add3A_597, %mul3A_596 : i32
        %add3A_599 = arith.constant 0 : i32
        %add3A_600 = arith.addi %add3A_598, %add3A_599 : i32
        %get3A = arith.index_cast %add3A_600 : i32 to index
        %get3A_601 = arith.constant 0 : index
        %get3A_602 = tpu.vector_load %arg8[%get3A, %get3A_601] {strides = array<i32>} : memref<800x32xf32, #tpu.memory_space<vmem>>, vector<1x16xf32>,
        %get3A_603 = vector.shape_cast %get3A_602 : vector<1x16xf32> to vector<16xf32>
        %add3A_604 = arith.addf %scan3A_587, %get3A_603 : vector<16xf32>
        %add3A_605 = arith.constant 0 : i32
        %add3A_606 = arith.addi %add3A_598, %add3A_605 : i32
        %get3A_607 = arith.index_cast %add3A_606 : i32 to index
        %get3A_608 = arith.constant 16 : index
        %get3A_609 = tpu.vector_load %arg8[%get3A_607, %get3A_608] {strides = array<i32>} : memref<800x32xf32, #tpu.memory_space<vmem>>, vector<1x16xf32>,
        %get3A_610 = vector.shape_cast %get3A_609 : vector<1x16xf32> to vector<16xf32>
        %add3A_611 = arith.addf %scan3A_588, %get3A_610 : vector<16xf32>
        %add3A_612 = arith.constant 1 : i32
        %add3A_613 = arith.addi %add3A_598, %add3A_612 : i32
        %get3A_614 = arith.index_cast %add3A_613 : i32 to index
        %get3A_615 = arith.constant 0 : index
        %get3A_616 = tpu.vector_load %arg8[%get3A_614, %get3A_615] {strides = array<i32>} : memref<800x32xf32, #tpu.memory_space<vmem>>, vector<1x16xf32>,
        %get3A_617 = vector.shape_cast %get3A_616 : vector<1x16xf32> to vector<16xf32>
        %add3A_618 = arith.addf %scan3A_589, %get3A_617 : vector<16xf32>
        %add3A_619 = arith.constant 1 : i32
        %add3A_620 = arith.addi %add3A_598, %add3A_619 : i32
        %get3A_621 = arith.index_cast %add3A_620 : i32 to index
        %get3A_622 = arith.constant 16 : index
        %get3A_623 = tpu.vector_load %arg8[%get3A_621, %get3A_622] {strides = array<i32>} : memref<800x32xf32, #tpu.memory_space<vmem>>, vector<1x16xf32>,
        %get3A_624 = vector.shape_cast %get3A_623 : vector<1x16xf32> to vector<16xf32>
        %add3A_625 = arith.addf %scan3A_590, %get3A_624 : vector<16xf32>
        %add3A_626 = arith.constant 2 : i32
        %add3A_627 = arith.addi %add3A_598, %add3A_626 : i32
        %get3A_628 = arith.index_cast %add3A_627 : i32 to index
        %get3A_629 = arith.constant 0 : index
        %get3A_630 = tpu.vector_load %arg8[%get3A_628, %get3A_629] {strides = array<i32>} : memref<800x32xf32, #tpu.memory_space<vmem>>, vector<1x16xf32>,
        %get3A_631 = vector.shape_cast %get3A_630 : vector<1x16xf32> to vector<16xf32>
        %add3A_632 = arith.addf %scan3A_591, %get3A_631 : vector<16xf32>
        %add3A_633 = arith.constant 2 : i32
        %add3A_634 = arith.addi %add3A_598, %add3A_633 : i32
        %get3A_635 = arith.index_cast %add3A_634 : i32 to index
        %get3A_636 = arith.constant 16 : index
        %get3A_637 = tpu.vector_load %arg8[%get3A_635, %get3A_636] {strides = array<i32>} : memref<800x32xf32, #tpu.memory_space<vmem>>, vector<1x16xf32>,
        %get3A_638 = vector.shape_cast %get3A_637 : vector<1x16xf32> to vector<16xf32>
        %add3A_639 = arith.addf %scan3A_592, %get3A_638 : vector<16xf32>
        %add3A_640 = arith.constant 3 : i32
        %add3A_641 = arith.addi %add3A_598, %add3A_640 : i32
        %get3A_642 = arith.index_cast %add3A_641 : i32 to index
        %get3A_643 = arith.constant 0 : index
        %get3A_644 = tpu.vector_load %arg8[%get3A_642, %get3A_643] {strides = array<i32>} : memref<800x32xf32, #tpu.memory_space<vmem>>, vector<1x16xf32>,
        %get3A_645 = vector.shape_cast %get3A_644 : vector<1x16xf32> to vector<16xf32>
        %add3A_646 = arith.addf %scan3A_593, %get3A_645 : vector<16xf32>
        %add3A_647 = arith.constant 3 : i32
        %add3A_648 = arith.addi %add3A_598, %add3A_647 : i32
        %get3A_649 = arith.index_cast %add3A_648 : i32 to index
        %get3A_650 = arith.constant 16 : index
        %get3A_651 = tpu.vector_load %arg8[%get3A_649, %get3A_650] {strides = array<i32>} : memref<800x32xf32, #tpu.memory_space<vmem>>, vector<1x16xf32>,
        %get3A_652 = vector.shape_cast %get3A_651 : vector<1x16xf32> to vector<16xf32>
        %add3A_653 = arith.addf %scan3A_594, %get3A_652 : vector<16xf32>
        %add3A_654 = arith.constant 4 : i32
        %add3A_655 = arith.addi %add3A_598, %add3A_654 : i32
        %get3A_656 = arith.index_cast %add3A_655 : i32 to index
        %get3A_657 = arith.constant 0 : index
        %get3A_658 = tpu.vector_load %arg8[%get3A_656, %get3A_657] {strides = array<i32>} : memref<800x32xf32, #tpu.memory_space<vmem>>, vector<1x16xf32>,
        %get3A_659 = vector.shape_cast %get3A_658 : vector<1x16xf32> to vector<16xf32>
        %add3A_660 = arith.addf %add3A_604, %get3A_659 : vector<16xf32>
        %add3A_661 = arith.constant 4 : i32
        %add3A_662 = arith.addi %add3A_598, %add3A_661 : i32
        %get3A_663 = arith.index_cast %add3A_662 : i32 to index
        %get3A_664 = arith.constant 16 : index
        %get3A_665 = tpu.vector_load %arg8[%get3A_663, %get3A_664] {strides = array<i32>} : memref<800x32xf32, #tpu.memory_space<vmem>>, vector<1x16xf32>,
        %get3A_666 = vector.shape_cast %get3A_665 : vector<1x16xf32> to vector<16xf32>
        %add3A_667 = arith.addf %add3A_611, %get3A_666 : vector<16xf32>
        %add3A_668 = arith.constant 5 : i32
        %add3A_669 = arith.addi %add3A_598, %add3A_668 : i32
        %get3A_670 = arith.index_cast %add3A_669 : i32 to index
        %get3A_671 = arith.constant 0 : index
        %get3A_672 = tpu.vector_load %arg8[%get3A_670, %get3A_671] {strides = array<i32>} : memref<800x32xf32, #tpu.memory_space<vmem>>, vector<1x16xf32>,
        %get3A_673 = vector.shape_cast %get3A_672 : vector<1x16xf32> to vector<16xf32>
        %add3A_674 = arith.addf %add3A_618, %get3A_673 : vector<16xf32>
        %add3A_675 = arith.constant 5 : i32
        %add3A_676 = arith.addi %add3A_598, %add3A_675 : i32
        %get3A_677 = arith.index_cast %add3A_676 : i32 to index
        %get3A_678 = arith.constant 16 : index
        %get3A_679 = tpu.vector_load %arg8[%get3A_677, %get3A_678] {strides = array<i32>} : memref<800x32xf32, #tpu.memory_space<vmem>>, vector<1x16xf32>,
        %get3A_680 = vector.shape_cast %get3A_679 : vector<1x16xf32> to vector<16xf32>
        %add3A_681 = arith.addf %add3A_625, %get3A_680 : vector<16xf32>
        %add3A_682 = arith.constant 6 : i32
        %add3A_683 = arith.addi %add3A_598, %add3A_682 : i32
        %get3A_684 = arith.index_cast %add3A_683 : i32 to index
        %get3A_685 = arith.constant 0 : index
        %get3A_686 = tpu.vector_load %arg8[%get3A_684, %get3A_685] {strides = array<i32>} : memref<800x32xf32, #tpu.memory_space<vmem>>, vector<1x16xf32>,
        %get3A_687 = vector.shape_cast %get3A_686 : vector<1x16xf32> to vector<16xf32>
        %add3A_688 = arith.addf %add3A_632, %get3A_687 : vector<16xf32>
        %add3A_689 = arith.constant 6 : i32
        %add3A_690 = arith.addi %add3A_598, %add3A_689 : i32
        %get3A_691 = arith.index_cast %add3A_690 : i32 to index
        %get3A_692 = arith.constant 16 : index
        %get3A_693 = tpu.vector_load %arg8[%get3A_691, %get3A_692] {strides = array<i32>} : memref<800x32xf32, #tpu.memory_space<vmem>>, vector<1x16xf32>,
        %get3A_694 = vector.shape_cast %get3A_693 : vector<1x16xf32> to vector<16xf32>
        %add3A_695 = arith.addf %add3A_639, %get3A_694 : vector<16xf32>
        %add3A_696 = arith.constant 7 : i32
        %add3A_697 = arith.addi %add3A_598, %add3A_696 : i32
        %get3A_698 = arith.index_cast %add3A_697 : i32 to index
        %get3A_699 = arith.constant 0 : index
        %get3A_700 = tpu.vector_load %arg8[%get3A_698, %get3A_699] {strides = array<i32>} : memref<800x32xf32, #tpu.memory_space<vmem>>, vector<1x16xf32>,
        %get3A_701 = vector.shape_cast %get3A_700 : vector<1x16xf32> to vector<16xf32>
        %add3A_702 = arith.addf %add3A_646, %get3A_701 : vector<16xf32>
        %add3A_703 = arith.constant 7 : i32
        %add3A_704 = arith.addi %add3A_598, %add3A_703 : i32
        %get3A_705 = arith.index_cast %add3A_704 : i32 to index
        %get3A_706 = arith.constant 16 : index
        %get3A_707 = tpu.vector_load %arg8[%get3A_705, %get3A_706] {strides = array<i32>} : memref<800x32xf32, #tpu.memory_space<vmem>>, vector<1x16xf32>,
        %get3A_708 = vector.shape_cast %get3A_707 : vector<1x16xf32> to vector<16xf32>
        %add3A_709 = arith.addf %add3A_653, %get3A_708 : vector<16xf32>
        scf.yield %add3A_660, %add3A_667, %add3A_674, %add3A_681, %add3A_688, %add3A_695, %add3A_702, %add3A_709 : vector<16xf32>, vector<16xf32>, vector<16xf32>, vector<16xf32>, vector<16xf32>, vector<16xf32>, vector<16xf32>, vector<16xf32>
      }
      %scan3A_329 = arith.constant 25 : i32
      %mul3A_330 = arith.constant 4 : i32
      %mul3A_331 = arith.muli %add3A_90, %mul3A_330 : i32
      %add3A_332 = arith.constant 2 : i32
      %add3A_333 = arith.addi %mul3A_331, %add3A_332 : i32
      %add3A_334 = arith.addf %scan3A_328#0, %scan3A_328#2 : vector<16xf32>
      %add3A_335 = arith.addf %scan3A_328#4, %scan3A_328#6 : vector<16xf32>
      %add3A_336 = arith.addf %add3A_334, %add3A_335 : vector<16xf32>
      %swap3A_337 = arith.index_cast %add3A_333 : i32 to index
      %swap3A_338 = arith.constant 0 : index
      %swap3A_339 = tpu.vector_load %arg10[%swap3A_337, %swap3A_338] {strides = array<i32>} : memref<128x32xf32, #tpu.memory_space<vmem>>, vector<1x16xf32>,
      %swap3A_340 = vector.shape_cast %swap3A_339 : vector<1x16xf32> to vector<16xf32>
      %swap3A_341 = vector.shape_cast %add3A_336 : vector<16xf32> to vector<1x16xf32>
      tpu.vector_store %arg10[%swap3A_337, %swap3A_338], %swap3A_341 {strides = array<i32>} : memref<128x32xf32, #tpu.memory_space<vmem>>, vector<1x16xf32>,
      %add3A_342 = arith.addf %scan3A_328#1, %scan3A_328#3 : vector<16xf32>
      %add3A_343 = arith.addf %scan3A_328#5, %scan3A_328#7 : vector<16xf32>
      %add3A_344 = arith.addf %add3A_342, %add3A_343 : vector<16xf32>
      %swap3A_345 = arith.index_cast %add3A_333 : i32 to index
      %swap3A_346 = arith.constant 16 : index
      %swap3A_347 = tpu.vector_load %arg10[%swap3A_345, %swap3A_346] {strides = array<i32>} : memref<128x32xf32, #tpu.memory_space<vmem>>, vector<1x16xf32>,
      %swap3A_348 = vector.shape_cast %swap3A_347 : vector<1x16xf32> to vector<16xf32>
      %swap3A_349 = vector.shape_cast %add3A_344 : vector<16xf32> to vector<1x16xf32>
      tpu.vector_store %arg10[%swap3A_345, %swap3A_346], %swap3A_349 {strides = array<i32>} : memref<128x32xf32, #tpu.memory_space<vmem>>, vector<1x16xf32>,
      %broadcast_in_dim3A_350 = arith.constant 0.000000e+00 : f32
      %broadcast_in_dim3A_351 = vector.broadcast %broadcast_in_dim3A_350 : f32 to vector<16xf32>
      %scan3A_352 = arith.constant 0 : i32
      %scan3A_353 = arith.constant 25 : i32
      %scan3A_354 = arith.addi %scan3A_352, %scan3A_353 : i32
      %scan3A_355 = arith.constant 1 : i32
      %scan3A_356:8 = scf.for %scan3A_586 = %scan3A_352 to %scan3A_354 step %scan3A_355 iter_args(%scan3A_587 = %broadcast_in_dim3A_351, %scan3A_588 = %broadcast_in_dim3A_351, %scan3A_589 = %broadcast_in_dim3A_351, %scan3A_590 = %broadcast_in_dim3A_351, %scan3A_591 = %broadcast_in_dim3A_351, %scan3A_592 = %broadcast_in_dim3A_351, %scan3A_593 = %broadcast_in_dim3A_351, %scan3A_594 = %broadcast_in_dim3A_351) -> (vector<16xf32>, vector<16xf32>, vector<16xf32>, vector<16xf32>, vector<16xf32>, vector<16xf32>, vector<16xf32>, vector<16xf32>)  : i32 {
        %mul3A_595 = arith.constant 8 : i32
        %mul3A_596 = arith.muli %mul3A_595, %scan3A_586 : i32
        %add3A_597 = arith.constant 600 : i32
        %add3A_598 = arith.addi %add3A_597, %mul3A_596 : i32
        %add3A_599 = arith.constant 0 : i32
        %add3A_600 = arith.addi %add3A_598, %add3A_599 : i32
        %get3A = arith.index_cast %add3A_600 : i32 to index
        %get3A_601 = arith.constant 0 : index
        %get3A_602 = tpu.vector_load %arg8[%get3A, %get3A_601] {strides = array<i32>} : memref<800x32xf32, #tpu.memory_space<vmem>>, vector<1x16xf32>,
        %get3A_603 = vector.shape_cast %get3A_602 : vector<1x16xf32> to vector<16xf32>
        %add3A_604 = arith.addf %scan3A_587, %get3A_603 : vector<16xf32>
        %add3A_605 = arith.constant 0 : i32
        %add3A_606 = arith.addi %add3A_598, %add3A_605 : i32
        %get3A_607 = arith.index_cast %add3A_606 : i32 to index
        %get3A_608 = arith.constant 16 : index
        %get3A_609 = tpu.vector_load %arg8[%get3A_607, %get3A_608] {strides = array<i32>} : memref<800x32xf32, #tpu.memory_space<vmem>>, vector<1x16xf32>,
        %get3A_610 = vector.shape_cast %get3A_609 : vector<1x16xf32> to vector<16xf32>
        %add3A_611 = arith.addf %scan3A_588, %get3A_610 : vector<16xf32>
        %add3A_612 = arith.constant 1 : i32
        %add3A_613 = arith.addi %add3A_598, %add3A_612 : i32
        %get3A_614 = arith.index_cast %add3A_613 : i32 to index
        %get3A_615 = arith.constant 0 : index
        %get3A_616 = tpu.vector_load %arg8[%get3A_614, %get3A_615] {strides = array<i32>} : memref<800x32xf32, #tpu.memory_space<vmem>>, vector<1x16xf32>,
        %get3A_617 = vector.shape_cast %get3A_616 : vector<1x16xf32> to vector<16xf32>
        %add3A_618 = arith.addf %scan3A_589, %get3A_617 : vector<16xf32>
        %add3A_619 = arith.constant 1 : i32
        %add3A_620 = arith.addi %add3A_598, %add3A_619 : i32
        %get3A_621 = arith.index_cast %add3A_620 : i32 to index
        %get3A_622 = arith.constant 16 : index
        %get3A_623 = tpu.vector_load %arg8[%get3A_621, %get3A_622] {strides = array<i32>} : memref<800x32xf32, #tpu.memory_space<vmem>>, vector<1x16xf32>,
        %get3A_624 = vector.shape_cast %get3A_623 : vector<1x16xf32> to vector<16xf32>
        %add3A_625 = arith.addf %scan3A_590, %get3A_624 : vector<16xf32>
        %add3A_626 = arith.constant 2 : i32
        %add3A_627 = arith.addi %add3A_598, %add3A_626 : i32
        %get3A_628 = arith.index_cast %add3A_627 : i32 to index
        %get3A_629 = arith.constant 0 : index
        %get3A_630 = tpu.vector_load %arg8[%get3A_628, %get3A_629] {strides = array<i32>} : memref<800x32xf32, #tpu.memory_space<vmem>>, vector<1x16xf32>,
        %get3A_631 = vector.shape_cast %get3A_630 : vector<1x16xf32> to vector<16xf32>
        %add3A_632 = arith.addf %scan3A_591, %get3A_631 : vector<16xf32>
        %add3A_633 = arith.constant 2 : i32
        %add3A_634 = arith.addi %add3A_598, %add3A_633 : i32
        %get3A_635 = arith.index_cast %add3A_634 : i32 to index
        %get3A_636 = arith.constant 16 : index
        %get3A_637 = tpu.vector_load %arg8[%get3A_635, %get3A_636] {strides = array<i32>} : memref<800x32xf32, #tpu.memory_space<vmem>>, vector<1x16xf32>,
        %get3A_638 = vector.shape_cast %get3A_637 : vector<1x16xf32> to vector<16xf32>
        %add3A_639 = arith.addf %scan3A_592, %get3A_638 : vector<16xf32>
        %add3A_640 = arith.constant 3 : i32
        %add3A_641 = arith.addi %add3A_598, %add3A_640 : i32
        %get3A_642 = arith.index_cast %add3A_641 : i32 to index
        %get3A_643 = arith.constant 0 : index
        %get3A_644 = tpu.vector_load %arg8[%get3A_642, %get3A_643] {strides = array<i32>} : memref<800x32xf32, #tpu.memory_space<vmem>>, vector<1x16xf32>,
        %get3A_645 = vector.shape_cast %get3A_644 : vector<1x16xf32> to vector<16xf32>
        %add3A_646 = arith.addf %scan3A_593, %get3A_645 : vector<16xf32>
        %add3A_647 = arith.constant 3 : i32
        %add3A_648 = arith.addi %add3A_598, %add3A_647 : i32
        %get3A_649 = arith.index_cast %add3A_648 : i32 to index
        %get3A_650 = arith.constant 16 : index
        %get3A_651 = tpu.vector_load %arg8[%get3A_649, %get3A_650] {strides = array<i32>} : memref<800x32xf32, #tpu.memory_space<vmem>>, vector<1x16xf32>,
        %get3A_652 = vector.shape_cast %get3A_651 : vector<1x16xf32> to vector<16xf32>
        %add3A_653 = arith.addf %scan3A_594, %get3A_652 : vector<16xf32>
        %add3A_654 = arith.constant 4 : i32
        %add3A_655 = arith.addi %add3A_598, %add3A_654 : i32
        %get3A_656 = arith.index_cast %add3A_655 : i32 to index
        %get3A_657 = arith.constant 0 : index
        %get3A_658 = tpu.vector_load %arg8[%get3A_656, %get3A_657] {strides = array<i32>} : memref<800x32xf32, #tpu.memory_space<vmem>>, vector<1x16xf32>,
        %get3A_659 = vector.shape_cast %get3A_658 : vector<1x16xf32> to vector<16xf32>
        %add3A_660 = arith.addf %add3A_604, %get3A_659 : vector<16xf32>
        %add3A_661 = arith.constant 4 : i32
        %add3A_662 = arith.addi %add3A_598, %add3A_661 : i32
        %get3A_663 = arith.index_cast %add3A_662 : i32 to index
        %get3A_664 = arith.constant 16 : index
        %get3A_665 = tpu.vector_load %arg8[%get3A_663, %get3A_664] {strides = array<i32>} : memref<800x32xf32, #tpu.memory_space<vmem>>, vector<1x16xf32>,
        %get3A_666 = vector.shape_cast %get3A_665 : vector<1x16xf32> to vector<16xf32>
        %add3A_667 = arith.addf %add3A_611, %get3A_666 : vector<16xf32>
        %add3A_668 = arith.constant 5 : i32
        %add3A_669 = arith.addi %add3A_598, %add3A_668 : i32
        %get3A_670 = arith.index_cast %add3A_669 : i32 to index
        %get3A_671 = arith.constant 0 : index
        %get3A_672 = tpu.vector_load %arg8[%get3A_670, %get3A_671] {strides = array<i32>} : memref<800x32xf32, #tpu.memory_space<vmem>>, vector<1x16xf32>,
        %get3A_673 = vector.shape_cast %get3A_672 : vector<1x16xf32> to vector<16xf32>
        %add3A_674 = arith.addf %add3A_618, %get3A_673 : vector<16xf32>
        %add3A_675 = arith.constant 5 : i32
        %add3A_676 = arith.addi %add3A_598, %add3A_675 : i32
        %get3A_677 = arith.index_cast %add3A_676 : i32 to index
        %get3A_678 = arith.constant 16 : index
        %get3A_679 = tpu.vector_load %arg8[%get3A_677, %get3A_678] {strides = array<i32>} : memref<800x32xf32, #tpu.memory_space<vmem>>, vector<1x16xf32>,
        %get3A_680 = vector.shape_cast %get3A_679 : vector<1x16xf32> to vector<16xf32>
        %add3A_681 = arith.addf %add3A_625, %get3A_680 : vector<16xf32>
        %add3A_682 = arith.constant 6 : i32
        %add3A_683 = arith.addi %add3A_598, %add3A_682 : i32
        %get3A_684 = arith.index_cast %add3A_683 : i32 to index
        %get3A_685 = arith.constant 0 : index
        %get3A_686 = tpu.vector_load %arg8[%get3A_684, %get3A_685] {strides = array<i32>} : memref<800x32xf32, #tpu.memory_space<vmem>>, vector<1x16xf32>,
        %get3A_687 = vector.shape_cast %get3A_686 : vector<1x16xf32> to vector<16xf32>
        %add3A_688 = arith.addf %add3A_632, %get3A_687 : vector<16xf32>
        %add3A_689 = arith.constant 6 : i32
        %add3A_690 = arith.addi %add3A_598, %add3A_689 : i32
        %get3A_691 = arith.index_cast %add3A_690 : i32 to index
        %get3A_692 = arith.constant 16 : index
        %get3A_693 = tpu.vector_load %arg8[%get3A_691, %get3A_692] {strides = array<i32>} : memref<800x32xf32, #tpu.memory_space<vmem>>, vector<1x16xf32>,
        %get3A_694 = vector.shape_cast %get3A_693 : vector<1x16xf32> to vector<16xf32>
        %add3A_695 = arith.addf %add3A_639, %get3A_694 : vector<16xf32>
        %add3A_696 = arith.constant 7 : i32
        %add3A_697 = arith.addi %add3A_598, %add3A_696 : i32
        %get3A_698 = arith.index_cast %add3A_697 : i32 to index
        %get3A_699 = arith.constant 0 : index
        %get3A_700 = tpu.vector_load %arg8[%get3A_698, %get3A_699] {strides = array<i32>} : memref<800x32xf32, #tpu.memory_space<vmem>>, vector<1x16xf32>,
        %get3A_701 = vector.shape_cast %get3A_700 : vector<1x16xf32> to vector<16xf32>
        %add3A_702 = arith.addf %add3A_646, %get3A_701 : vector<16xf32>
        %add3A_703 = arith.constant 7 : i32
        %add3A_704 = arith.addi %add3A_598, %add3A_703 : i32
        %get3A_705 = arith.index_cast %add3A_704 : i32 to index
        %get3A_706 = arith.constant 16 : index
        %get3A_707 = tpu.vector_load %arg8[%get3A_705, %get3A_706] {strides = array<i32>} : memref<800x32xf32, #tpu.memory_space<vmem>>, vector<1x16xf32>,
        %get3A_708 = vector.shape_cast %get3A_707 : vector<1x16xf32> to vector<16xf32>
        %add3A_709 = arith.addf %add3A_653, %get3A_708 : vector<16xf32>
        scf.yield %add3A_660, %add3A_667, %add3A_674, %add3A_681, %add3A_688, %add3A_695, %add3A_702, %add3A_709 : vector<16xf32>, vector<16xf32>, vector<16xf32>, vector<16xf32>, vector<16xf32>, vector<16xf32>, vector<16xf32>, vector<16xf32>
      }
      %scan3A_357 = arith.constant 25 : i32
      %mul3A_358 = arith.constant 4 : i32
      %mul3A_359 = arith.muli %add3A_90, %mul3A_358 : i32
      %add3A_360 = arith.constant 3 : i32
      %add3A_361 = arith.addi %mul3A_359, %add3A_360 : i32
      %add3A_362 = arith.addf %scan3A_356#0, %scan3A_356#2 : vector<16xf32>
      %add3A_363 = arith.addf %scan3A_356#4, %scan3A_356#6 : vector<16xf32>
      %add3A_364 = arith.addf %add3A_362, %add3A_363 : vector<16xf32>
      %swap3A_365 = arith.index_cast %add3A_361 : i32 to index
      %swap3A_366 = arith.constant 0 : index
      %swap3A_367 = tpu.vector_load %arg10[%swap3A_365, %swap3A_366] {strides = array<i32>} : memref<128x32xf32, #tpu.memory_space<vmem>>, vector<1x16xf32>,
      %swap3A_368 = vector.shape_cast %swap3A_367 : vector<1x16xf32> to vector<16xf32>
      %swap3A_369 = vector.shape_cast %add3A_364 : vector<16xf32> to vector<1x16xf32>
      tpu.vector_store %arg10[%swap3A_365, %swap3A_366], %swap3A_369 {strides = array<i32>} : memref<128x32xf32, #tpu.memory_space<vmem>>, vector<1x16xf32>,
      %add3A_370 = arith.addf %scan3A_356#1, %scan3A_356#3 : vector<16xf32>
      %add3A_371 = arith.addf %scan3A_356#5, %scan3A_356#7 : vector<16xf32>
      %add3A_372 = arith.addf %add3A_370, %add3A_371 : vector<16xf32>
      %swap3A_373 = arith.index_cast %add3A_361 : i32 to index
      %swap3A_374 = arith.constant 16 : index
      %swap3A_375 = tpu.vector_load %arg10[%swap3A_373, %swap3A_374] {strides = array<i32>} : memref<128x32xf32, #tpu.memory_space<vmem>>, vector<1x16xf32>,
      %swap3A_376 = vector.shape_cast %swap3A_375 : vector<1x16xf32> to vector<16xf32>
      %swap3A_377 = vector.shape_cast %add3A_372 : vector<16xf32> to vector<1x16xf32>
      tpu.vector_store %arg10[%swap3A_373, %swap3A_374], %swap3A_377 {strides = array<i32>} : memref<128x32xf32, #tpu.memory_space<vmem>>, vector<1x16xf32>,
      %add3A_378 = arith.constant 2 : i32
      %add3A_379 = arith.addi %add3A_90, %add3A_378 : i32
      %lt3A = arith.constant 32 : i32
      %lt3A_380 = arith.cmpi slt, %add3A_379, %lt3A : i32
      %convert_element_type3A = arith.extui %lt3A_380 : i1 to i32
      %cond3A = arith.constant 0 : i32
      %cond3A_381 = arith.cmpi ne, %convert_element_type3A, %cond3A : i32
      scf.if %cond3A_381 {
        %add3A_586 = arith.constant 2 : i32
        %add3A_587 = arith.addi %add3A_90, %add3A_586 : i32
        %mul3A_588 = arith.constant 4 : i32
        %mul3A_589 = arith.muli %add3A_587, %mul3A_588 : i32
        %add3A_590 = arith.constant 0 : i32
        %add3A_591 = arith.addi %mul3A_589, %add3A_590 : i32
        %dma_start3A_592 = arith.constant 0 : i32
        %dma_start3A_593 = arith.constant 0 : i32
        %dma_start3A_594 = tpu.memref_slice %arg8[%dma_start3A_592, %dma_start3A_593] : memref<800x32xf32, #tpu.memory_space<vmem>> -> memref<128x32xf32, #tpu.memory_space<vmem>>
        %dma_start3A_595 = arith.constant 0 : i32
        %dma_start3A_596 = tpu.memref_slice %arg6[%add3A_591, %dma_start3A_595] : memref<128x128xi32, #tpu.memory_space<vmem>> -> memref<1x128xi32, #tpu.memory_space<vmem>>
        %dma_start3A_597 = tpu.memref_squeeze %dma_start3A_596 : memref<1x128xi32, #tpu.memory_space<vmem>> -> memref<128xi32, #tpu.memory_space<vmem>>
        %dma_start3A_598 = arith.constant 0 : i32
        %dma_start3A_599 = arith.constant 0 : i32
        %dma_start3A_600 = tpu.memref_slice %arg4[%dma_start3A_598, %dma_start3A_599] : memref<1015808x32xf32, #tpu.memory_space<hbm>> -> memref<1015808x32xf32, #tpu.memory_space<hbm>>
        tpu.enqueue_indirect_dma source(%dma_start3A_600 : memref<1015808x32xf32, #tpu.memory_space<hbm>>) target(%dma_start3A_594 : memref<128x32xf32, #tpu.memory_space<vmem>>) offsets(%dma_start3A_597 : memref<128xi32, #tpu.memory_space<vmem>>) semaphore(%arg11 : memref<!tpu.dma_semaphore, #tpu.memory_space<semaphore_mem>>)
        %dma_start3A_601 = arith.constant 128 : i32
        %dma_start3A_602 = arith.constant 0 : i32
        %dma_start3A_603 = tpu.memref_slice %arg8[%dma_start3A_601, %dma_start3A_602] : memref<800x32xf32, #tpu.memory_space<vmem>> -> memref<72x32xf32, #tpu.memory_space<vmem>>
        %dma_start3A_604 = arith.constant 0 : i32
        %dma_start3A_605 = tpu.memref_slice %arg7[%add3A_591, %dma_start3A_604] : memref<128x128xi32, #tpu.memory_space<vmem>> -> memref<1x72xi32, #tpu.memory_space<vmem>>
        %dma_start3A_606 = tpu.memref_squeeze %dma_start3A_605 : memref<1x72xi32, #tpu.memory_space<vmem>> -> memref<72xi32, #tpu.memory_space<vmem>>
        %dma_start3A_607 = arith.constant 0 : i32
        %dma_start3A_608 = arith.constant 0 : i32
        %dma_start3A_609 = tpu.memref_slice %arg4[%dma_start3A_607, %dma_start3A_608] : memref<1015808x32xf32, #tpu.memory_space<hbm>> -> memref<1015808x32xf32, #tpu.memory_space<hbm>>
        tpu.enqueue_indirect_dma source(%dma_start3A_609 : memref<1015808x32xf32, #tpu.memory_space<hbm>>) target(%dma_start3A_603 : memref<72x32xf32, #tpu.memory_space<vmem>>) offsets(%dma_start3A_606 : memref<72xi32, #tpu.memory_space<vmem>>) semaphore(%arg11 : memref<!tpu.dma_semaphore, #tpu.memory_space<semaphore_mem>>)
        %mul3A_610 = arith.constant 4 : i32
        %mul3A_611 = arith.muli %add3A_587, %mul3A_610 : i32
        %add3A_612 = arith.constant 1 : i32
        %add3A_613 = arith.addi %mul3A_611, %add3A_612 : i32
        %dma_start3A_614 = arith.constant 200 : i32
        %dma_start3A_615 = arith.constant 0 : i32
        %dma_start3A_616 = tpu.memref_slice %arg8[%dma_start3A_614, %dma_start3A_615] : memref<800x32xf32, #tpu.memory_space<vmem>> -> memref<128x32xf32, #tpu.memory_space<vmem>>
        %dma_start3A_617 = arith.constant 0 : i32
        %dma_start3A_618 = tpu.memref_slice %arg6[%add3A_613, %dma_start3A_617] : memref<128x128xi32, #tpu.memory_space<vmem>> -> memref<1x128xi32, #tpu.memory_space<vmem>>
        %dma_start3A_619 = tpu.memref_squeeze %dma_start3A_618 : memref<1x128xi32, #tpu.memory_space<vmem>> -> memref<128xi32, #tpu.memory_space<vmem>>
        %dma_start3A_620 = arith.constant 0 : i32
        %dma_start3A_621 = arith.constant 0 : i32
        %dma_start3A_622 = tpu.memref_slice %arg4[%dma_start3A_620, %dma_start3A_621] : memref<1015808x32xf32, #tpu.memory_space<hbm>> -> memref<1015808x32xf32, #tpu.memory_space<hbm>>
        tpu.enqueue_indirect_dma source(%dma_start3A_622 : memref<1015808x32xf32, #tpu.memory_space<hbm>>) target(%dma_start3A_616 : memref<128x32xf32, #tpu.memory_space<vmem>>) offsets(%dma_start3A_619 : memref<128xi32, #tpu.memory_space<vmem>>) semaphore(%arg11 : memref<!tpu.dma_semaphore, #tpu.memory_space<semaphore_mem>>)
        %dma_start3A_623 = arith.constant 328 : i32
        %dma_start3A_624 = arith.constant 0 : i32
        %dma_start3A_625 = tpu.memref_slice %arg8[%dma_start3A_623, %dma_start3A_624] : memref<800x32xf32, #tpu.memory_space<vmem>> -> memref<72x32xf32, #tpu.memory_space<vmem>>
        %dma_start3A_626 = arith.constant 0 : i32
        %dma_start3A_627 = tpu.memref_slice %arg7[%add3A_613, %dma_start3A_626] : memref<128x128xi32, #tpu.memory_space<vmem>> -> memref<1x72xi32, #tpu.memory_space<vmem>>
        %dma_start3A_628 = tpu.memref_squeeze %dma_start3A_627 : memref<1x72xi32, #tpu.memory_space<vmem>> -> memref<72xi32, #tpu.memory_space<vmem>>
        %dma_start3A_629 = arith.constant 0 : i32
        %dma_start3A_630 = arith.constant 0 : i32
        %dma_start3A_631 = tpu.memref_slice %arg4[%dma_start3A_629, %dma_start3A_630] : memref<1015808x32xf32, #tpu.memory_space<hbm>> -> memref<1015808x32xf32, #tpu.memory_space<hbm>>
        tpu.enqueue_indirect_dma source(%dma_start3A_631 : memref<1015808x32xf32, #tpu.memory_space<hbm>>) target(%dma_start3A_625 : memref<72x32xf32, #tpu.memory_space<vmem>>) offsets(%dma_start3A_628 : memref<72xi32, #tpu.memory_space<vmem>>) semaphore(%arg11 : memref<!tpu.dma_semaphore, #tpu.memory_space<semaphore_mem>>)
        %mul3A_632 = arith.constant 4 : i32
        %mul3A_633 = arith.muli %add3A_587, %mul3A_632 : i32
        %add3A_634 = arith.constant 2 : i32
        %add3A_635 = arith.addi %mul3A_633, %add3A_634 : i32
        %dma_start3A_636 = arith.constant 400 : i32
        %dma_start3A_637 = arith.constant 0 : i32
        %dma_start3A_638 = tpu.memref_slice %arg8[%dma_start3A_636, %dma_start3A_637] : memref<800x32xf32, #tpu.memory_space<vmem>> -> memref<128x32xf32, #tpu.memory_space<vmem>>
        %dma_start3A_639 = arith.constant 0 : i32
        %dma_start3A_640 = tpu.memref_slice %arg6[%add3A_635, %dma_start3A_639] : memref<128x128xi32, #tpu.memory_space<vmem>> -> memref<1x128xi32, #tpu.memory_space<vmem>>
        %dma_start3A_641 = tpu.memref_squeeze %dma_start3A_640 : memref<1x128xi32, #tpu.memory_space<vmem>> -> memref<128xi32, #tpu.memory_space<vmem>>
        %dma_start3A_642 = arith.constant 0 : i32
        %dma_start3A_643 = arith.constant 0 : i32
        %dma_start3A_644 = tpu.memref_slice %arg4[%dma_start3A_642, %dma_start3A_643] : memref<1015808x32xf32, #tpu.memory_space<hbm>> -> memref<1015808x32xf32, #tpu.memory_space<hbm>>
        tpu.enqueue_indirect_dma source(%dma_start3A_644 : memref<1015808x32xf32, #tpu.memory_space<hbm>>) target(%dma_start3A_638 : memref<128x32xf32, #tpu.memory_space<vmem>>) offsets(%dma_start3A_641 : memref<128xi32, #tpu.memory_space<vmem>>) semaphore(%arg11 : memref<!tpu.dma_semaphore, #tpu.memory_space<semaphore_mem>>)
        %dma_start3A_645 = arith.constant 528 : i32
        %dma_start3A_646 = arith.constant 0 : i32
        %dma_start3A_647 = tpu.memref_slice %arg8[%dma_start3A_645, %dma_start3A_646] : memref<800x32xf32, #tpu.memory_space<vmem>> -> memref<72x32xf32, #tpu.memory_space<vmem>>
        %dma_start3A_648 = arith.constant 0 : i32
        %dma_start3A_649 = tpu.memref_slice %arg7[%add3A_635, %dma_start3A_648] : memref<128x128xi32, #tpu.memory_space<vmem>> -> memref<1x72xi32, #tpu.memory_space<vmem>>
        %dma_start3A_650 = tpu.memref_squeeze %dma_start3A_649 : memref<1x72xi32, #tpu.memory_space<vmem>> -> memref<72xi32, #tpu.memory_space<vmem>>
        %dma_start3A_651 = arith.constant 0 : i32
        %dma_start3A_652 = arith.constant 0 : i32
        %dma_start3A_653 = tpu.memref_slice %arg4[%dma_start3A_651, %dma_start3A_652] : memref<1015808x32xf32, #tpu.memory_space<hbm>> -> memref<1015808x32xf32, #tpu.memory_space<hbm>>
        tpu.enqueue_indirect_dma source(%dma_start3A_653 : memref<1015808x32xf32, #tpu.memory_space<hbm>>) target(%dma_start3A_647 : memref<72x32xf32, #tpu.memory_space<vmem>>) offsets(%dma_start3A_650 : memref<72xi32, #tpu.memory_space<vmem>>) semaphore(%arg11 : memref<!tpu.dma_semaphore, #tpu.memory_space<semaphore_mem>>)
        %mul3A_654 = arith.constant 4 : i32
        %mul3A_655 = arith.muli %add3A_587, %mul3A_654 : i32
        %add3A_656 = arith.constant 3 : i32
        %add3A_657 = arith.addi %mul3A_655, %add3A_656 : i32
        %dma_start3A_658 = arith.constant 600 : i32
        %dma_start3A_659 = arith.constant 0 : i32
        %dma_start3A_660 = tpu.memref_slice %arg8[%dma_start3A_658, %dma_start3A_659] : memref<800x32xf32, #tpu.memory_space<vmem>> -> memref<128x32xf32, #tpu.memory_space<vmem>>
        %dma_start3A_661 = arith.constant 0 : i32
        %dma_start3A_662 = tpu.memref_slice %arg6[%add3A_657, %dma_start3A_661] : memref<128x128xi32, #tpu.memory_space<vmem>> -> memref<1x128xi32, #tpu.memory_space<vmem>>
        %dma_start3A_663 = tpu.memref_squeeze %dma_start3A_662 : memref<1x128xi32, #tpu.memory_space<vmem>> -> memref<128xi32, #tpu.memory_space<vmem>>
        %dma_start3A_664 = arith.constant 0 : i32
        %dma_start3A_665 = arith.constant 0 : i32
        %dma_start3A_666 = tpu.memref_slice %arg4[%dma_start3A_664, %dma_start3A_665] : memref<1015808x32xf32, #tpu.memory_space<hbm>> -> memref<1015808x32xf32, #tpu.memory_space<hbm>>
        tpu.enqueue_indirect_dma source(%dma_start3A_666 : memref<1015808x32xf32, #tpu.memory_space<hbm>>) target(%dma_start3A_660 : memref<128x32xf32, #tpu.memory_space<vmem>>) offsets(%dma_start3A_663 : memref<128xi32, #tpu.memory_space<vmem>>) semaphore(%arg11 : memref<!tpu.dma_semaphore, #tpu.memory_space<semaphore_mem>>)
        %dma_start3A_667 = arith.constant 728 : i32
        %dma_start3A_668 = arith.constant 0 : i32
        %dma_start3A_669 = tpu.memref_slice %arg8[%dma_start3A_667, %dma_start3A_668] : memref<800x32xf32, #tpu.memory_space<vmem>> -> memref<72x32xf32, #tpu.memory_space<vmem>>
        %dma_start3A_670 = arith.constant 0 : i32
        %dma_start3A_671 = tpu.memref_slice %arg7[%add3A_657, %dma_start3A_670] : memref<128x128xi32, #tpu.memory_space<vmem>> -> memref<1x72xi32, #tpu.memory_space<vmem>>
        %dma_start3A_672 = tpu.memref_squeeze %dma_start3A_671 : memref<1x72xi32, #tpu.memory_space<vmem>> -> memref<72xi32, #tpu.memory_space<vmem>>
        %dma_start3A_673 = arith.constant 0 : i32
        %dma_start3A_674 = arith.constant 0 : i32
        %dma_start3A_675 = tpu.memref_slice %arg4[%dma_start3A_673, %dma_start3A_674] : memref<1015808x32xf32, #tpu.memory_space<hbm>> -> memref<1015808x32xf32, #tpu.memory_space<hbm>>
        tpu.enqueue_indirect_dma source(%dma_start3A_675 : memref<1015808x32xf32, #tpu.memory_space<hbm>>) target(%dma_start3A_669 : memref<72x32xf32, #tpu.memory_space<vmem>>) offsets(%dma_start3A_672 : memref<72xi32, #tpu.memory_space<vmem>>) semaphore(%arg11 : memref<!tpu.dma_semaphore, #tpu.memory_space<semaphore_mem>>)
      } else {
      }
      %add3A_382 = arith.constant 1 : i32
      %add3A_383 = arith.addi %add3A_90, %add3A_382 : i32
      %mul3A_384 = arith.constant 4 : i32
      %mul3A_385 = arith.muli %add3A_383, %mul3A_384 : i32
      %add3A_386 = arith.constant 0 : i32
      %add3A_387 = arith.addi %mul3A_385, %add3A_386 : i32
      %dma_wait3A_388 = arith.constant 0 : i32
      %dma_wait3A_389 = arith.constant 0 : i32
      %dma_wait3A_390 = tpu.memref_slice %arg9[%dma_wait3A_388, %dma_wait3A_389] : memref<800x32xf32, #tpu.memory_space<vmem>> -> memref<128x32xf32, #tpu.memory_space<vmem>>
      %dma_wait3A_391 = arith.constant 0 : i32
      %dma_wait3A_392 = tpu.memref_slice %arg6[%add3A_387, %dma_wait3A_391] : memref<128x128xi32, #tpu.memory_space<vmem>> -> memref<1x128xi32, #tpu.memory_space<vmem>>
      %dma_wait3A_393 = tpu.memref_squeeze %dma_wait3A_392 : memref<1x128xi32, #tpu.memory_space<vmem>> -> memref<128xi32, #tpu.memory_space<vmem>>
      %dma_wait3A_394 = arith.constant 0 : i32
      %dma_wait3A_395 = arith.constant 0 : i32
      %dma_wait3A_396 = tpu.memref_slice %arg4[%dma_wait3A_394, %dma_wait3A_395] : memref<1015808x32xf32, #tpu.memory_space<hbm>> -> memref<1015808x32xf32, #tpu.memory_space<hbm>>
      tpu.wait_indirect_dma semaphore(%arg12 : memref<!tpu.dma_semaphore, #tpu.memory_space<semaphore_mem>>) src(%dma_wait3A_396 : memref<1015808x32xf32, #tpu.memory_space<hbm>>) dst(%dma_wait3A_390 : memref<128x32xf32, #tpu.memory_space<vmem>>)
      %dma_wait3A_397 = arith.constant 128 : i32
      %dma_wait3A_398 = arith.constant 0 : i32
      %dma_wait3A_399 = tpu.memref_slice %arg9[%dma_wait3A_397, %dma_wait3A_398] : memref<800x32xf32, #tpu.memory_space<vmem>> -> memref<72x32xf32, #tpu.memory_space<vmem>>
      %dma_wait3A_400 = arith.constant 0 : i32
      %dma_wait3A_401 = tpu.memref_slice %arg7[%add3A_387, %dma_wait3A_400] : memref<128x128xi32, #tpu.memory_space<vmem>> -> memref<1x72xi32, #tpu.memory_space<vmem>>
      %dma_wait3A_402 = tpu.memref_squeeze %dma_wait3A_401 : memref<1x72xi32, #tpu.memory_space<vmem>> -> memref<72xi32, #tpu.memory_space<vmem>>
      %dma_wait3A_403 = arith.constant 0 : i32
      %dma_wait3A_404 = arith.constant 0 : i32
      %dma_wait3A_405 = tpu.memref_slice %arg4[%dma_wait3A_403, %dma_wait3A_404] : memref<1015808x32xf32, #tpu.memory_space<hbm>> -> memref<1015808x32xf32, #tpu.memory_space<hbm>>
      tpu.wait_indirect_dma semaphore(%arg12 : memref<!tpu.dma_semaphore, #tpu.memory_space<semaphore_mem>>) src(%dma_wait3A_405 : memref<1015808x32xf32, #tpu.memory_space<hbm>>) dst(%dma_wait3A_399 : memref<72x32xf32, #tpu.memory_space<vmem>>)
      %mul3A_406 = arith.constant 4 : i32
      %mul3A_407 = arith.muli %add3A_383, %mul3A_406 : i32
      %add3A_408 = arith.constant 1 : i32
      %add3A_409 = arith.addi %mul3A_407, %add3A_408 : i32
      %dma_wait3A_410 = arith.constant 200 : i32
      %dma_wait3A_411 = arith.constant 0 : i32
      %dma_wait3A_412 = tpu.memref_slice %arg9[%dma_wait3A_410, %dma_wait3A_411] : memref<800x32xf32, #tpu.memory_space<vmem>> -> memref<128x32xf32, #tpu.memory_space<vmem>>
      %dma_wait3A_413 = arith.constant 0 : i32
      %dma_wait3A_414 = tpu.memref_slice %arg6[%add3A_409, %dma_wait3A_413] : memref<128x128xi32, #tpu.memory_space<vmem>> -> memref<1x128xi32, #tpu.memory_space<vmem>>
      %dma_wait3A_415 = tpu.memref_squeeze %dma_wait3A_414 : memref<1x128xi32, #tpu.memory_space<vmem>> -> memref<128xi32, #tpu.memory_space<vmem>>
      %dma_wait3A_416 = arith.constant 0 : i32
      %dma_wait3A_417 = arith.constant 0 : i32
      %dma_wait3A_418 = tpu.memref_slice %arg4[%dma_wait3A_416, %dma_wait3A_417] : memref<1015808x32xf32, #tpu.memory_space<hbm>> -> memref<1015808x32xf32, #tpu.memory_space<hbm>>
      tpu.wait_indirect_dma semaphore(%arg12 : memref<!tpu.dma_semaphore, #tpu.memory_space<semaphore_mem>>) src(%dma_wait3A_418 : memref<1015808x32xf32, #tpu.memory_space<hbm>>) dst(%dma_wait3A_412 : memref<128x32xf32, #tpu.memory_space<vmem>>)
      %dma_wait3A_419 = arith.constant 328 : i32
      %dma_wait3A_420 = arith.constant 0 : i32
      %dma_wait3A_421 = tpu.memref_slice %arg9[%dma_wait3A_419, %dma_wait3A_420] : memref<800x32xf32, #tpu.memory_space<vmem>> -> memref<72x32xf32, #tpu.memory_space<vmem>>
      %dma_wait3A_422 = arith.constant 0 : i32
      %dma_wait3A_423 = tpu.memref_slice %arg7[%add3A_409, %dma_wait3A_422] : memref<128x128xi32, #tpu.memory_space<vmem>> -> memref<1x72xi32, #tpu.memory_space<vmem>>
      %dma_wait3A_424 = tpu.memref_squeeze %dma_wait3A_423 : memref<1x72xi32, #tpu.memory_space<vmem>> -> memref<72xi32, #tpu.memory_space<vmem>>
      %dma_wait3A_425 = arith.constant 0 : i32
      %dma_wait3A_426 = arith.constant 0 : i32
      %dma_wait3A_427 = tpu.memref_slice %arg4[%dma_wait3A_425, %dma_wait3A_426] : memref<1015808x32xf32, #tpu.memory_space<hbm>> -> memref<1015808x32xf32, #tpu.memory_space<hbm>>
      tpu.wait_indirect_dma semaphore(%arg12 : memref<!tpu.dma_semaphore, #tpu.memory_space<semaphore_mem>>) src(%dma_wait3A_427 : memref<1015808x32xf32, #tpu.memory_space<hbm>>) dst(%dma_wait3A_421 : memref<72x32xf32, #tpu.memory_space<vmem>>)
      %mul3A_428 = arith.constant 4 : i32
      %mul3A_429 = arith.muli %add3A_383, %mul3A_428 : i32
      %add3A_430 = arith.constant 2 : i32
      %add3A_431 = arith.addi %mul3A_429, %add3A_430 : i32
      %dma_wait3A_432 = arith.constant 400 : i32
      %dma_wait3A_433 = arith.constant 0 : i32
      %dma_wait3A_434 = tpu.memref_slice %arg9[%dma_wait3A_432, %dma_wait3A_433] : memref<800x32xf32, #tpu.memory_space<vmem>> -> memref<128x32xf32, #tpu.memory_space<vmem>>
      %dma_wait3A_435 = arith.constant 0 : i32
      %dma_wait3A_436 = tpu.memref_slice %arg6[%add3A_431, %dma_wait3A_435] : memref<128x128xi32, #tpu.memory_space<vmem>> -> memref<1x128xi32, #tpu.memory_space<vmem>>
      %dma_wait3A_437 = tpu.memref_squeeze %dma_wait3A_436 : memref<1x128xi32, #tpu.memory_space<vmem>> -> memref<128xi32, #tpu.memory_space<vmem>>
      %dma_wait3A_438 = arith.constant 0 : i32
      %dma_wait3A_439 = arith.constant 0 : i32
      %dma_wait3A_440 = tpu.memref_slice %arg4[%dma_wait3A_438, %dma_wait3A_439] : memref<1015808x32xf32, #tpu.memory_space<hbm>> -> memref<1015808x32xf32, #tpu.memory_space<hbm>>
      tpu.wait_indirect_dma semaphore(%arg12 : memref<!tpu.dma_semaphore, #tpu.memory_space<semaphore_mem>>) src(%dma_wait3A_440 : memref<1015808x32xf32, #tpu.memory_space<hbm>>) dst(%dma_wait3A_434 : memref<128x32xf32, #tpu.memory_space<vmem>>)
      %dma_wait3A_441 = arith.constant 528 : i32
      %dma_wait3A_442 = arith.constant 0 : i32
      %dma_wait3A_443 = tpu.memref_slice %arg9[%dma_wait3A_441, %dma_wait3A_442] : memref<800x32xf32, #tpu.memory_space<vmem>> -> memref<72x32xf32, #tpu.memory_space<vmem>>
      %dma_wait3A_444 = arith.constant 0 : i32
      %dma_wait3A_445 = tpu.memref_slice %arg7[%add3A_431, %dma_wait3A_444] : memref<128x128xi32, #tpu.memory_space<vmem>> -> memref<1x72xi32, #tpu.memory_space<vmem>>
      %dma_wait3A_446 = tpu.memref_squeeze %dma_wait3A_445 : memref<1x72xi32, #tpu.memory_space<vmem>> -> memref<72xi32, #tpu.memory_space<vmem>>
      %dma_wait3A_447 = arith.constant 0 : i32
      %dma_wait3A_448 = arith.constant 0 : i32
      %dma_wait3A_449 = tpu.memref_slice %arg4[%dma_wait3A_447, %dma_wait3A_448] : memref<1015808x32xf32, #tpu.memory_space<hbm>> -> memref<1015808x32xf32, #tpu.memory_space<hbm>>
      tpu.wait_indirect_dma semaphore(%arg12 : memref<!tpu.dma_semaphore, #tpu.memory_space<semaphore_mem>>) src(%dma_wait3A_449 : memref<1015808x32xf32, #tpu.memory_space<hbm>>) dst(%dma_wait3A_443 : memref<72x32xf32, #tpu.memory_space<vmem>>)
      %mul3A_450 = arith.constant 4 : i32
      %mul3A_451 = arith.muli %add3A_383, %mul3A_450 : i32
      %add3A_452 = arith.constant 3 : i32
      %add3A_453 = arith.addi %mul3A_451, %add3A_452 : i32
      %dma_wait3A_454 = arith.constant 600 : i32
      %dma_wait3A_455 = arith.constant 0 : i32
      %dma_wait3A_456 = tpu.memref_slice %arg9[%dma_wait3A_454, %dma_wait3A_455] : memref<800x32xf32, #tpu.memory_space<vmem>> -> memref<128x32xf32, #tpu.memory_space<vmem>>
      %dma_wait3A_457 = arith.constant 0 : i32
      %dma_wait3A_458 = tpu.memref_slice %arg6[%add3A_453, %dma_wait3A_457] : memref<128x128xi32, #tpu.memory_space<vmem>> -> memref<1x128xi32, #tpu.memory_space<vmem>>
      %dma_wait3A_459 = tpu.memref_squeeze %dma_wait3A_458 : memref<1x128xi32, #tpu.memory_space<vmem>> -> memref<128xi32, #tpu.memory_space<vmem>>
      %dma_wait3A_460 = arith.constant 0 : i32
      %dma_wait3A_461 = arith.constant 0 : i32
      %dma_wait3A_462 = tpu.memref_slice %arg4[%dma_wait3A_460, %dma_wait3A_461] : memref<1015808x32xf32, #tpu.memory_space<hbm>> -> memref<1015808x32xf32, #tpu.memory_space<hbm>>
      tpu.wait_indirect_dma semaphore(%arg12 : memref<!tpu.dma_semaphore, #tpu.memory_space<semaphore_mem>>) src(%dma_wait3A_462 : memref<1015808x32xf32, #tpu.memory_space<hbm>>) dst(%dma_wait3A_456 : memref<128x32xf32, #tpu.memory_space<vmem>>)
      %dma_wait3A_463 = arith.constant 728 : i32
      %dma_wait3A_464 = arith.constant 0 : i32
      %dma_wait3A_465 = tpu.memref_slice %arg9[%dma_wait3A_463, %dma_wait3A_464] : memref<800x32xf32, #tpu.memory_space<vmem>> -> memref<72x32xf32, #tpu.memory_space<vmem>>
      %dma_wait3A_466 = arith.constant 0 : i32
      %dma_wait3A_467 = tpu.memref_slice %arg7[%add3A_453, %dma_wait3A_466] : memref<128x128xi32, #tpu.memory_space<vmem>> -> memref<1x72xi32, #tpu.memory_space<vmem>>
      %dma_wait3A_468 = tpu.memref_squeeze %dma_wait3A_467 : memref<1x72xi32, #tpu.memory_space<vmem>> -> memref<72xi32, #tpu.memory_space<vmem>>
      %dma_wait3A_469 = arith.constant 0 : i32
      %dma_wait3A_470 = arith.constant 0 : i32
      %dma_wait3A_471 = tpu.memref_slice %arg4[%dma_wait3A_469, %dma_wait3A_470] : memref<1015808x32xf32, #tpu.memory_space<hbm>> -> memref<1015808x32xf32, #tpu.memory_space<hbm>>
      tpu.wait_indirect_dma semaphore(%arg12 : memref<!tpu.dma_semaphore, #tpu.memory_space<semaphore_mem>>) src(%dma_wait3A_471 : memref<1015808x32xf32, #tpu.memory_space<hbm>>) dst(%dma_wait3A_465 : memref<72x32xf32, #tpu.memory_space<vmem>>)
      %add3A_472 = arith.constant 1 : i32
      %add3A_473 = arith.addi %add3A_90, %add3A_472 : i32
      %broadcast_in_dim3A_474 = arith.constant 0.000000e+00 : f32
      %broadcast_in_dim3A_475 = vector.broadcast %broadcast_in_dim3A_474 : f32 to vector<16xf32>
      %scan3A_476 = arith.constant 0 : i32
      %scan3A_477 = arith.constant 25 : i32
      %scan3A_478 = arith.addi %scan3A_476, %scan3A_477 : i32
      %scan3A_479 = arith.constant 1 : i32
      %scan3A_480:8 = scf.for %scan3A_586 = %scan3A_476 to %scan3A_478 step %scan3A_479 iter_args(%scan3A_587 = %broadcast_in_dim3A_475, %scan3A_588 = %broadcast_in_dim3A_475, %scan3A_589 = %broadcast_in_dim3A_475, %scan3A_590 = %broadcast_in_dim3A_475, %scan3A_591 = %broadcast_in_dim3A_475, %scan3A_592 = %broadcast_in_dim3A_475, %scan3A_593 = %broadcast_in_dim3A_475, %scan3A_594 = %broadcast_in_dim3A_475) -> (vector<16xf32>, vector<16xf32>, vector<16xf32>, vector<16xf32>, vector<16xf32>, vector<16xf32>, vector<16xf32>, vector<16xf32>)  : i32 {
        %mul3A_595 = arith.constant 8 : i32
        %mul3A_596 = arith.muli %mul3A_595, %scan3A_586 : i32
        %add3A_597 = arith.constant 0 : i32
        %add3A_598 = arith.addi %add3A_597, %mul3A_596 : i32
        %add3A_599 = arith.constant 0 : i32
        %add3A_600 = arith.addi %add3A_598, %add3A_599 : i32
        %get3A = arith.index_cast %add3A_600 : i32 to index
        %get3A_601 = arith.constant 0 : index
        %get3A_602 = tpu.vector_load %arg9[%get3A, %get3A_601] {strides = array<i32>} : memref<800x32xf32, #tpu.memory_space<vmem>>, vector<1x16xf32>,
        %get3A_603 = vector.shape_cast %get3A_602 : vector<1x16xf32> to vector<16xf32>
        %add3A_604 = arith.addf %scan3A_587, %get3A_603 : vector<16xf32>
        %add3A_605 = arith.constant 0 : i32
        %add3A_606 = arith.addi %add3A_598, %add3A_605 : i32
        %get3A_607 = arith.index_cast %add3A_606 : i32 to index
        %get3A_608 = arith.constant 16 : index
        %get3A_609 = tpu.vector_load %arg9[%get3A_607, %get3A_608] {strides = array<i32>} : memref<800x32xf32, #tpu.memory_space<vmem>>, vector<1x16xf32>,
        %get3A_610 = vector.shape_cast %get3A_609 : vector<1x16xf32> to vector<16xf32>
        %add3A_611 = arith.addf %scan3A_588, %get3A_610 : vector<16xf32>
        %add3A_612 = arith.constant 1 : i32
        %add3A_613 = arith.addi %add3A_598, %add3A_612 : i32
        %get3A_614 = arith.index_cast %add3A_613 : i32 to index
        %get3A_615 = arith.constant 0 : index
        %get3A_616 = tpu.vector_load %arg9[%get3A_614, %get3A_615] {strides = array<i32>} : memref<800x32xf32, #tpu.memory_space<vmem>>, vector<1x16xf32>,
        %get3A_617 = vector.shape_cast %get3A_616 : vector<1x16xf32> to vector<16xf32>
        %add3A_618 = arith.addf %scan3A_589, %get3A_617 : vector<16xf32>
        %add3A_619 = arith.constant 1 : i32
        %add3A_620 = arith.addi %add3A_598, %add3A_619 : i32
        %get3A_621 = arith.index_cast %add3A_620 : i32 to index
        %get3A_622 = arith.constant 16 : index
        %get3A_623 = tpu.vector_load %arg9[%get3A_621, %get3A_622] {strides = array<i32>} : memref<800x32xf32, #tpu.memory_space<vmem>>, vector<1x16xf32>,
        %get3A_624 = vector.shape_cast %get3A_623 : vector<1x16xf32> to vector<16xf32>
        %add3A_625 = arith.addf %scan3A_590, %get3A_624 : vector<16xf32>
        %add3A_626 = arith.constant 2 : i32
        %add3A_627 = arith.addi %add3A_598, %add3A_626 : i32
        %get3A_628 = arith.index_cast %add3A_627 : i32 to index
        %get3A_629 = arith.constant 0 : index
        %get3A_630 = tpu.vector_load %arg9[%get3A_628, %get3A_629] {strides = array<i32>} : memref<800x32xf32, #tpu.memory_space<vmem>>, vector<1x16xf32>,
        %get3A_631 = vector.shape_cast %get3A_630 : vector<1x16xf32> to vector<16xf32>
        %add3A_632 = arith.addf %scan3A_591, %get3A_631 : vector<16xf32>
        %add3A_633 = arith.constant 2 : i32
        %add3A_634 = arith.addi %add3A_598, %add3A_633 : i32
        %get3A_635 = arith.index_cast %add3A_634 : i32 to index
        %get3A_636 = arith.constant 16 : index
        %get3A_637 = tpu.vector_load %arg9[%get3A_635, %get3A_636] {strides = array<i32>} : memref<800x32xf32, #tpu.memory_space<vmem>>, vector<1x16xf32>,
        %get3A_638 = vector.shape_cast %get3A_637 : vector<1x16xf32> to vector<16xf32>
        %add3A_639 = arith.addf %scan3A_592, %get3A_638 : vector<16xf32>
        %add3A_640 = arith.constant 3 : i32
        %add3A_641 = arith.addi %add3A_598, %add3A_640 : i32
        %get3A_642 = arith.index_cast %add3A_641 : i32 to index
        %get3A_643 = arith.constant 0 : index
        %get3A_644 = tpu.vector_load %arg9[%get3A_642, %get3A_643] {strides = array<i32>} : memref<800x32xf32, #tpu.memory_space<vmem>>, vector<1x16xf32>,
        %get3A_645 = vector.shape_cast %get3A_644 : vector<1x16xf32> to vector<16xf32>
        %add3A_646 = arith.addf %scan3A_593, %get3A_645 : vector<16xf32>
        %add3A_647 = arith.constant 3 : i32
        %add3A_648 = arith.addi %add3A_598, %add3A_647 : i32
        %get3A_649 = arith.index_cast %add3A_648 : i32 to index
        %get3A_650 = arith.constant 16 : index
        %get3A_651 = tpu.vector_load %arg9[%get3A_649, %get3A_650] {strides = array<i32>} : memref<800x32xf32, #tpu.memory_space<vmem>>, vector<1x16xf32>,
        %get3A_652 = vector.shape_cast %get3A_651 : vector<1x16xf32> to vector<16xf32>
        %add3A_653 = arith.addf %scan3A_594, %get3A_652 : vector<16xf32>
        %add3A_654 = arith.constant 4 : i32
        %add3A_655 = arith.addi %add3A_598, %add3A_654 : i32
        %get3A_656 = arith.index_cast %add3A_655 : i32 to index
        %get3A_657 = arith.constant 0 : index
        %get3A_658 = tpu.vector_load %arg9[%get3A_656, %get3A_657] {strides = array<i32>} : memref<800x32xf32, #tpu.memory_space<vmem>>, vector<1x16xf32>,
        %get3A_659 = vector.shape_cast %get3A_658 : vector<1x16xf32> to vector<16xf32>
        %add3A_660 = arith.addf %add3A_604, %get3A_659 : vector<16xf32>
        %add3A_661 = arith.constant 4 : i32
        %add3A_662 = arith.addi %add3A_598, %add3A_661 : i32
        %get3A_663 = arith.index_cast %add3A_662 : i32 to index
        %get3A_664 = arith.constant 16 : index
        %get3A_665 = tpu.vector_load %arg9[%get3A_663, %get3A_664] {strides = array<i32>} : memref<800x32xf32, #tpu.memory_space<vmem>>, vector<1x16xf32>,
        %get3A_666 = vector.shape_cast %get3A_665 : vector<1x16xf32> to vector<16xf32>
        %add3A_667 = arith.addf %add3A_611, %get3A_666 : vector<16xf32>
        %add3A_668 = arith.constant 5 : i32
        %add3A_669 = arith.addi %add3A_598, %add3A_668 : i32
        %get3A_670 = arith.index_cast %add3A_669 : i32 to index
        %get3A_671 = arith.constant 0 : index
        %get3A_672 = tpu.vector_load %arg9[%get3A_670, %get3A_671] {strides = array<i32>} : memref<800x32xf32, #tpu.memory_space<vmem>>, vector<1x16xf32>,
        %get3A_673 = vector.shape_cast %get3A_672 : vector<1x16xf32> to vector<16xf32>
        %add3A_674 = arith.addf %add3A_618, %get3A_673 : vector<16xf32>
        %add3A_675 = arith.constant 5 : i32
        %add3A_676 = arith.addi %add3A_598, %add3A_675 : i32
        %get3A_677 = arith.index_cast %add3A_676 : i32 to index
        %get3A_678 = arith.constant 16 : index
        %get3A_679 = tpu.vector_load %arg9[%get3A_677, %get3A_678] {strides = array<i32>} : memref<800x32xf32, #tpu.memory_space<vmem>>, vector<1x16xf32>,
        %get3A_680 = vector.shape_cast %get3A_679 : vector<1x16xf32> to vector<16xf32>
        %add3A_681 = arith.addf %add3A_625, %get3A_680 : vector<16xf32>
        %add3A_682 = arith.constant 6 : i32
        %add3A_683 = arith.addi %add3A_598, %add3A_682 : i32
        %get3A_684 = arith.index_cast %add3A_683 : i32 to index
        %get3A_685 = arith.constant 0 : index
        %get3A_686 = tpu.vector_load %arg9[%get3A_684, %get3A_685] {strides = array<i32>} : memref<800x32xf32, #tpu.memory_space<vmem>>, vector<1x16xf32>,
        %get3A_687 = vector.shape_cast %get3A_686 : vector<1x16xf32> to vector<16xf32>
        %add3A_688 = arith.addf %add3A_632, %get3A_687 : vector<16xf32>
        %add3A_689 = arith.constant 6 : i32
        %add3A_690 = arith.addi %add3A_598, %add3A_689 : i32
        %get3A_691 = arith.index_cast %add3A_690 : i32 to index
        %get3A_692 = arith.constant 16 : index
        %get3A_693 = tpu.vector_load %arg9[%get3A_691, %get3A_692] {strides = array<i32>} : memref<800x32xf32, #tpu.memory_space<vmem>>, vector<1x16xf32>,
        %get3A_694 = vector.shape_cast %get3A_693 : vector<1x16xf32> to vector<16xf32>
        %add3A_695 = arith.addf %add3A_639, %get3A_694 : vector<16xf32>
        %add3A_696 = arith.constant 7 : i32
        %add3A_697 = arith.addi %add3A_598, %add3A_696 : i32
        %get3A_698 = arith.index_cast %add3A_697 : i32 to index
        %get3A_699 = arith.constant 0 : index
        %get3A_700 = tpu.vector_load %arg9[%get3A_698, %get3A_699] {strides = array<i32>} : memref<800x32xf32, #tpu.memory_space<vmem>>, vector<1x16xf32>,
        %get3A_701 = vector.shape_cast %get3A_700 : vector<1x16xf32> to vector<16xf32>
        %add3A_702 = arith.addf %add3A_646, %get3A_701 : vector<16xf32>
        %add3A_703 = arith.constant 7 : i32
        %add3A_704 = arith.addi %add3A_598, %add3A_703 : i32
        %get3A_705 = arith.index_cast %add3A_704 : i32 to index
        %get3A_706 = arith.constant 16 : index
        %get3A_707 = tpu.vector_load %arg9[%get3A_705, %get3A_706] {strides = array<i32>} : memref<800x32xf32, #tpu.memory_space<vmem>>, vector<1x16xf32>,
        %get3A_708 = vector.shape_cast %get3A_707 : vector<1x16xf32> to vector<16xf32>
        %add3A_709 = arith.addf %add3A_653, %get3A_708 : vector<16xf32>
        scf.yield %add3A_660, %add3A_667, %add3A_674, %add3A_681, %add3A_688, %add3A_695, %add3A_702, %add3A_709 : vector<16xf32>, vector<16xf32>, vector<16xf32>, vector<16xf32>, vector<16xf32>, vector<16xf32>, vector<16xf32>, vector<16xf32>
      }
      %scan3A_481 = arith.constant 25 : i32
      %mul3A_482 = arith.constant 4 : i32
      %mul3A_483 = arith.muli %add3A_473, %mul3A_482 : i32
      %add3A_484 = arith.constant 0 : i32
      %add3A_485 = arith.addi %mul3A_483, %add3A_484 : i32
      %add3A_486 = arith.addf %scan3A_480#0, %scan3A_480#2 : vector<16xf32>
      %add3A_487 = arith.addf %scan3A_480#4, %scan3A_480#6 : vector<16xf32>
      %add3A_488 = arith.addf %add3A_486, %add3A_487 : vector<16xf32>
      %swap3A_489 = arith.index_cast %add3A_485 : i32 to index
      %swap3A_490 = arith.constant 0 : index
      %swap3A_491 = tpu.vector_load %arg10[%swap3A_489, %swap3A_490] {strides = array<i32>} : memref<128x32xf32, #tpu.memory_space<vmem>>, vector<1x16xf32>,
      %swap3A_492 = vector.shape_cast %swap3A_491 : vector<1x16xf32> to vector<16xf32>
      %swap3A_493 = vector.shape_cast %add3A_488 : vector<16xf32> to vector<1x16xf32>
      tpu.vector_store %arg10[%swap3A_489, %swap3A_490], %swap3A_493 {strides = array<i32>} : memref<128x32xf32, #tpu.memory_space<vmem>>, vector<1x16xf32>,
      %add3A_494 = arith.addf %scan3A_480#1, %scan3A_480#3 : vector<16xf32>
      %add3A_495 = arith.addf %scan3A_480#5, %scan3A_480#7 : vector<16xf32>
      %add3A_496 = arith.addf %add3A_494, %add3A_495 : vector<16xf32>
      %swap3A_497 = arith.index_cast %add3A_485 : i32 to index
      %swap3A_498 = arith.constant 16 : index
      %swap3A_499 = tpu.vector_load %arg10[%swap3A_497, %swap3A_498] {strides = array<i32>} : memref<128x32xf32, #tpu.memory_space<vmem>>, vector<1x16xf32>,
      %swap3A_500 = vector.shape_cast %swap3A_499 : vector<1x16xf32> to vector<16xf32>
      %swap3A_501 = vector.shape_cast %add3A_496 : vector<16xf32> to vector<1x16xf32>
      tpu.vector_store %arg10[%swap3A_497, %swap3A_498], %swap3A_501 {strides = array<i32>} : memref<128x32xf32, #tpu.memory_space<vmem>>, vector<1x16xf32>,
      %broadcast_in_dim3A_502 = arith.constant 0.000000e+00 : f32
      %broadcast_in_dim3A_503 = vector.broadcast %broadcast_in_dim3A_502 : f32 to vector<16xf32>
      %scan3A_504 = arith.constant 0 : i32
      %scan3A_505 = arith.constant 25 : i32
      %scan3A_506 = arith.addi %scan3A_504, %scan3A_505 : i32
      %scan3A_507 = arith.constant 1 : i32
      %scan3A_508:8 = scf.for %scan3A_586 = %scan3A_504 to %scan3A_506 step %scan3A_507 iter_args(%scan3A_587 = %broadcast_in_dim3A_503, %scan3A_588 = %broadcast_in_dim3A_503, %scan3A_589 = %broadcast_in_dim3A_503, %scan3A_590 = %broadcast_in_dim3A_503, %scan3A_591 = %broadcast_in_dim3A_503, %scan3A_592 = %broadcast_in_dim3A_503, %scan3A_593 = %broadcast_in_dim3A_503, %scan3A_594 = %broadcast_in_dim3A_503) -> (vector<16xf32>, vector<16xf32>, vector<16xf32>, vector<16xf32>, vector<16xf32>, vector<16xf32>, vector<16xf32>, vector<16xf32>)  : i32 {
        %mul3A_595 = arith.constant 8 : i32
        %mul3A_596 = arith.muli %mul3A_595, %scan3A_586 : i32
        %add3A_597 = arith.constant 200 : i32
        %add3A_598 = arith.addi %add3A_597, %mul3A_596 : i32
        %add3A_599 = arith.constant 0 : i32
        %add3A_600 = arith.addi %add3A_598, %add3A_599 : i32
        %get3A = arith.index_cast %add3A_600 : i32 to index
        %get3A_601 = arith.constant 0 : index
        %get3A_602 = tpu.vector_load %arg9[%get3A, %get3A_601] {strides = array<i32>} : memref<800x32xf32, #tpu.memory_space<vmem>>, vector<1x16xf32>,
        %get3A_603 = vector.shape_cast %get3A_602 : vector<1x16xf32> to vector<16xf32>
        %add3A_604 = arith.addf %scan3A_587, %get3A_603 : vector<16xf32>
        %add3A_605 = arith.constant 0 : i32
        %add3A_606 = arith.addi %add3A_598, %add3A_605 : i32
        %get3A_607 = arith.index_cast %add3A_606 : i32 to index
        %get3A_608 = arith.constant 16 : index
        %get3A_609 = tpu.vector_load %arg9[%get3A_607, %get3A_608] {strides = array<i32>} : memref<800x32xf32, #tpu.memory_space<vmem>>, vector<1x16xf32>,
        %get3A_610 = vector.shape_cast %get3A_609 : vector<1x16xf32> to vector<16xf32>
        %add3A_611 = arith.addf %scan3A_588, %get3A_610 : vector<16xf32>
        %add3A_612 = arith.constant 1 : i32
        %add3A_613 = arith.addi %add3A_598, %add3A_612 : i32
        %get3A_614 = arith.index_cast %add3A_613 : i32 to index
        %get3A_615 = arith.constant 0 : index
        %get3A_616 = tpu.vector_load %arg9[%get3A_614, %get3A_615] {strides = array<i32>} : memref<800x32xf32, #tpu.memory_space<vmem>>, vector<1x16xf32>,
        %get3A_617 = vector.shape_cast %get3A_616 : vector<1x16xf32> to vector<16xf32>
        %add3A_618 = arith.addf %scan3A_589, %get3A_617 : vector<16xf32>
        %add3A_619 = arith.constant 1 : i32
        %add3A_620 = arith.addi %add3A_598, %add3A_619 : i32
        %get3A_621 = arith.index_cast %add3A_620 : i32 to index
        %get3A_622 = arith.constant 16 : index
        %get3A_623 = tpu.vector_load %arg9[%get3A_621, %get3A_622] {strides = array<i32>} : memref<800x32xf32, #tpu.memory_space<vmem>>, vector<1x16xf32>,
        %get3A_624 = vector.shape_cast %get3A_623 : vector<1x16xf32> to vector<16xf32>
        %add3A_625 = arith.addf %scan3A_590, %get3A_624 : vector<16xf32>
        %add3A_626 = arith.constant 2 : i32
        %add3A_627 = arith.addi %add3A_598, %add3A_626 : i32
        %get3A_628 = arith.index_cast %add3A_627 : i32 to index
        %get3A_629 = arith.constant 0 : index
        %get3A_630 = tpu.vector_load %arg9[%get3A_628, %get3A_629] {strides = array<i32>} : memref<800x32xf32, #tpu.memory_space<vmem>>, vector<1x16xf32>,
        %get3A_631 = vector.shape_cast %get3A_630 : vector<1x16xf32> to vector<16xf32>
        %add3A_632 = arith.addf %scan3A_591, %get3A_631 : vector<16xf32>
        %add3A_633 = arith.constant 2 : i32
        %add3A_634 = arith.addi %add3A_598, %add3A_633 : i32
        %get3A_635 = arith.index_cast %add3A_634 : i32 to index
        %get3A_636 = arith.constant 16 : index
        %get3A_637 = tpu.vector_load %arg9[%get3A_635, %get3A_636] {strides = array<i32>} : memref<800x32xf32, #tpu.memory_space<vmem>>, vector<1x16xf32>,
        %get3A_638 = vector.shape_cast %get3A_637 : vector<1x16xf32> to vector<16xf32>
        %add3A_639 = arith.addf %scan3A_592, %get3A_638 : vector<16xf32>
        %add3A_640 = arith.constant 3 : i32
        %add3A_641 = arith.addi %add3A_598, %add3A_640 : i32
        %get3A_642 = arith.index_cast %add3A_641 : i32 to index
        %get3A_643 = arith.constant 0 : index
        %get3A_644 = tpu.vector_load %arg9[%get3A_642, %get3A_643] {strides = array<i32>} : memref<800x32xf32, #tpu.memory_space<vmem>>, vector<1x16xf32>,
        %get3A_645 = vector.shape_cast %get3A_644 : vector<1x16xf32> to vector<16xf32>
        %add3A_646 = arith.addf %scan3A_593, %get3A_645 : vector<16xf32>
        %add3A_647 = arith.constant 3 : i32
        %add3A_648 = arith.addi %add3A_598, %add3A_647 : i32
        %get3A_649 = arith.index_cast %add3A_648 : i32 to index
        %get3A_650 = arith.constant 16 : index
        %get3A_651 = tpu.vector_load %arg9[%get3A_649, %get3A_650] {strides = array<i32>} : memref<800x32xf32, #tpu.memory_space<vmem>>, vector<1x16xf32>,
        %get3A_652 = vector.shape_cast %get3A_651 : vector<1x16xf32> to vector<16xf32>
        %add3A_653 = arith.addf %scan3A_594, %get3A_652 : vector<16xf32>
        %add3A_654 = arith.constant 4 : i32
        %add3A_655 = arith.addi %add3A_598, %add3A_654 : i32
        %get3A_656 = arith.index_cast %add3A_655 : i32 to index
        %get3A_657 = arith.constant 0 : index
        %get3A_658 = tpu.vector_load %arg9[%get3A_656, %get3A_657] {strides = array<i32>} : memref<800x32xf32, #tpu.memory_space<vmem>>, vector<1x16xf32>,
        %get3A_659 = vector.shape_cast %get3A_658 : vector<1x16xf32> to vector<16xf32>
        %add3A_660 = arith.addf %add3A_604, %get3A_659 : vector<16xf32>
        %add3A_661 = arith.constant 4 : i32
        %add3A_662 = arith.addi %add3A_598, %add3A_661 : i32
        %get3A_663 = arith.index_cast %add3A_662 : i32 to index
        %get3A_664 = arith.constant 16 : index
        %get3A_665 = tpu.vector_load %arg9[%get3A_663, %get3A_664] {strides = array<i32>} : memref<800x32xf32, #tpu.memory_space<vmem>>, vector<1x16xf32>,
        %get3A_666 = vector.shape_cast %get3A_665 : vector<1x16xf32> to vector<16xf32>
        %add3A_667 = arith.addf %add3A_611, %get3A_666 : vector<16xf32>
        %add3A_668 = arith.constant 5 : i32
        %add3A_669 = arith.addi %add3A_598, %add3A_668 : i32
        %get3A_670 = arith.index_cast %add3A_669 : i32 to index
        %get3A_671 = arith.constant 0 : index
        %get3A_672 = tpu.vector_load %arg9[%get3A_670, %get3A_671] {strides = array<i32>} : memref<800x32xf32, #tpu.memory_space<vmem>>, vector<1x16xf32>,
        %get3A_673 = vector.shape_cast %get3A_672 : vector<1x16xf32> to vector<16xf32>
        %add3A_674 = arith.addf %add3A_618, %get3A_673 : vector<16xf32>
        %add3A_675 = arith.constant 5 : i32
        %add3A_676 = arith.addi %add3A_598, %add3A_675 : i32
        %get3A_677 = arith.index_cast %add3A_676 : i32 to index
        %get3A_678 = arith.constant 16 : index
        %get3A_679 = tpu.vector_load %arg9[%get3A_677, %get3A_678] {strides = array<i32>} : memref<800x32xf32, #tpu.memory_space<vmem>>, vector<1x16xf32>,
        %get3A_680 = vector.shape_cast %get3A_679 : vector<1x16xf32> to vector<16xf32>
        %add3A_681 = arith.addf %add3A_625, %get3A_680 : vector<16xf32>
        %add3A_682 = arith.constant 6 : i32
        %add3A_683 = arith.addi %add3A_598, %add3A_682 : i32
        %get3A_684 = arith.index_cast %add3A_683 : i32 to index
        %get3A_685 = arith.constant 0 : index
        %get3A_686 = tpu.vector_load %arg9[%get3A_684, %get3A_685] {strides = array<i32>} : memref<800x32xf32, #tpu.memory_space<vmem>>, vector<1x16xf32>,
        %get3A_687 = vector.shape_cast %get3A_686 : vector<1x16xf32> to vector<16xf32>
        %add3A_688 = arith.addf %add3A_632, %get3A_687 : vector<16xf32>
        %add3A_689 = arith.constant 6 : i32
        %add3A_690 = arith.addi %add3A_598, %add3A_689 : i32
        %get3A_691 = arith.index_cast %add3A_690 : i32 to index
        %get3A_692 = arith.constant 16 : index
        %get3A_693 = tpu.vector_load %arg9[%get3A_691, %get3A_692] {strides = array<i32>} : memref<800x32xf32, #tpu.memory_space<vmem>>, vector<1x16xf32>,
        %get3A_694 = vector.shape_cast %get3A_693 : vector<1x16xf32> to vector<16xf32>
        %add3A_695 = arith.addf %add3A_639, %get3A_694 : vector<16xf32>
        %add3A_696 = arith.constant 7 : i32
        %add3A_697 = arith.addi %add3A_598, %add3A_696 : i32
        %get3A_698 = arith.index_cast %add3A_697 : i32 to index
        %get3A_699 = arith.constant 0 : index
        %get3A_700 = tpu.vector_load %arg9[%get3A_698, %get3A_699] {strides = array<i32>} : memref<800x32xf32, #tpu.memory_space<vmem>>, vector<1x16xf32>,
        %get3A_701 = vector.shape_cast %get3A_700 : vector<1x16xf32> to vector<16xf32>
        %add3A_702 = arith.addf %add3A_646, %get3A_701 : vector<16xf32>
        %add3A_703 = arith.constant 7 : i32
        %add3A_704 = arith.addi %add3A_598, %add3A_703 : i32
        %get3A_705 = arith.index_cast %add3A_704 : i32 to index
        %get3A_706 = arith.constant 16 : index
        %get3A_707 = tpu.vector_load %arg9[%get3A_705, %get3A_706] {strides = array<i32>} : memref<800x32xf32, #tpu.memory_space<vmem>>, vector<1x16xf32>,
        %get3A_708 = vector.shape_cast %get3A_707 : vector<1x16xf32> to vector<16xf32>
        %add3A_709 = arith.addf %add3A_653, %get3A_708 : vector<16xf32>
        scf.yield %add3A_660, %add3A_667, %add3A_674, %add3A_681, %add3A_688, %add3A_695, %add3A_702, %add3A_709 : vector<16xf32>, vector<16xf32>, vector<16xf32>, vector<16xf32>, vector<16xf32>, vector<16xf32>, vector<16xf32>, vector<16xf32>
      }
      %scan3A_509 = arith.constant 25 : i32
      %mul3A_510 = arith.constant 4 : i32
      %mul3A_511 = arith.muli %add3A_473, %mul3A_510 : i32
      %add3A_512 = arith.constant 1 : i32
      %add3A_513 = arith.addi %mul3A_511, %add3A_512 : i32
      %add3A_514 = arith.addf %scan3A_508#0, %scan3A_508#2 : vector<16xf32>
      %add3A_515 = arith.addf %scan3A_508#4, %scan3A_508#6 : vector<16xf32>
      %add3A_516 = arith.addf %add3A_514, %add3A_515 : vector<16xf32>
      %swap3A_517 = arith.index_cast %add3A_513 : i32 to index
      %swap3A_518 = arith.constant 0 : index
      %swap3A_519 = tpu.vector_load %arg10[%swap3A_517, %swap3A_518] {strides = array<i32>} : memref<128x32xf32, #tpu.memory_space<vmem>>, vector<1x16xf32>,
      %swap3A_520 = vector.shape_cast %swap3A_519 : vector<1x16xf32> to vector<16xf32>
      %swap3A_521 = vector.shape_cast %add3A_516 : vector<16xf32> to vector<1x16xf32>
      tpu.vector_store %arg10[%swap3A_517, %swap3A_518], %swap3A_521 {strides = array<i32>} : memref<128x32xf32, #tpu.memory_space<vmem>>, vector<1x16xf32>,
      %add3A_522 = arith.addf %scan3A_508#1, %scan3A_508#3 : vector<16xf32>
      %add3A_523 = arith.addf %scan3A_508#5, %scan3A_508#7 : vector<16xf32>
      %add3A_524 = arith.addf %add3A_522, %add3A_523 : vector<16xf32>
      %swap3A_525 = arith.index_cast %add3A_513 : i32 to index
      %swap3A_526 = arith.constant 16 : index
      %swap3A_527 = tpu.vector_load %arg10[%swap3A_525, %swap3A_526] {strides = array<i32>} : memref<128x32xf32, #tpu.memory_space<vmem>>, vector<1x16xf32>,
      %swap3A_528 = vector.shape_cast %swap3A_527 : vector<1x16xf32> to vector<16xf32>
      %swap3A_529 = vector.shape_cast %add3A_524 : vector<16xf32> to vector<1x16xf32>
      tpu.vector_store %arg10[%swap3A_525, %swap3A_526], %swap3A_529 {strides = array<i32>} : memref<128x32xf32, #tpu.memory_space<vmem>>, vector<1x16xf32>,
      %broadcast_in_dim3A_530 = arith.constant 0.000000e+00 : f32
      %broadcast_in_dim3A_531 = vector.broadcast %broadcast_in_dim3A_530 : f32 to vector<16xf32>
      %scan3A_532 = arith.constant 0 : i32
      %scan3A_533 = arith.constant 25 : i32
      %scan3A_534 = arith.addi %scan3A_532, %scan3A_533 : i32
      %scan3A_535 = arith.constant 1 : i32
      %scan3A_536:8 = scf.for %scan3A_586 = %scan3A_532 to %scan3A_534 step %scan3A_535 iter_args(%scan3A_587 = %broadcast_in_dim3A_531, %scan3A_588 = %broadcast_in_dim3A_531, %scan3A_589 = %broadcast_in_dim3A_531, %scan3A_590 = %broadcast_in_dim3A_531, %scan3A_591 = %broadcast_in_dim3A_531, %scan3A_592 = %broadcast_in_dim3A_531, %scan3A_593 = %broadcast_in_dim3A_531, %scan3A_594 = %broadcast_in_dim3A_531) -> (vector<16xf32>, vector<16xf32>, vector<16xf32>, vector<16xf32>, vector<16xf32>, vector<16xf32>, vector<16xf32>, vector<16xf32>)  : i32 {
        %mul3A_595 = arith.constant 8 : i32
        %mul3A_596 = arith.muli %mul3A_595, %scan3A_586 : i32
        %add3A_597 = arith.constant 400 : i32
        %add3A_598 = arith.addi %add3A_597, %mul3A_596 : i32
        %add3A_599 = arith.constant 0 : i32
        %add3A_600 = arith.addi %add3A_598, %add3A_599 : i32
        %get3A = arith.index_cast %add3A_600 : i32 to index
        %get3A_601 = arith.constant 0 : index
        %get3A_602 = tpu.vector_load %arg9[%get3A, %get3A_601] {strides = array<i32>} : memref<800x32xf32, #tpu.memory_space<vmem>>, vector<1x16xf32>,
        %get3A_603 = vector.shape_cast %get3A_602 : vector<1x16xf32> to vector<16xf32>
        %add3A_604 = arith.addf %scan3A_587, %get3A_603 : vector<16xf32>
        %add3A_605 = arith.constant 0 : i32
        %add3A_606 = arith.addi %add3A_598, %add3A_605 : i32
        %get3A_607 = arith.index_cast %add3A_606 : i32 to index
        %get3A_608 = arith.constant 16 : index
        %get3A_609 = tpu.vector_load %arg9[%get3A_607, %get3A_608] {strides = array<i32>} : memref<800x32xf32, #tpu.memory_space<vmem>>, vector<1x16xf32>,
        %get3A_610 = vector.shape_cast %get3A_609 : vector<1x16xf32> to vector<16xf32>
        %add3A_611 = arith.addf %scan3A_588, %get3A_610 : vector<16xf32>
        %add3A_612 = arith.constant 1 : i32
        %add3A_613 = arith.addi %add3A_598, %add3A_612 : i32
        %get3A_614 = arith.index_cast %add3A_613 : i32 to index
        %get3A_615 = arith.constant 0 : index
        %get3A_616 = tpu.vector_load %arg9[%get3A_614, %get3A_615] {strides = array<i32>} : memref<800x32xf32, #tpu.memory_space<vmem>>, vector<1x16xf32>,
        %get3A_617 = vector.shape_cast %get3A_616 : vector<1x16xf32> to vector<16xf32>
        %add3A_618 = arith.addf %scan3A_589, %get3A_617 : vector<16xf32>
        %add3A_619 = arith.constant 1 : i32
        %add3A_620 = arith.addi %add3A_598, %add3A_619 : i32
        %get3A_621 = arith.index_cast %add3A_620 : i32 to index
        %get3A_622 = arith.constant 16 : index
        %get3A_623 = tpu.vector_load %arg9[%get3A_621, %get3A_622] {strides = array<i32>} : memref<800x32xf32, #tpu.memory_space<vmem>>, vector<1x16xf32>,
        %get3A_624 = vector.shape_cast %get3A_623 : vector<1x16xf32> to vector<16xf32>
        %add3A_625 = arith.addf %scan3A_590, %get3A_624 : vector<16xf32>
        %add3A_626 = arith.constant 2 : i32
        %add3A_627 = arith.addi %add3A_598, %add3A_626 : i32
        %get3A_628 = arith.index_cast %add3A_627 : i32 to index
        %get3A_629 = arith.constant 0 : index
        %get3A_630 = tpu.vector_load %arg9[%get3A_628, %get3A_629] {strides = array<i32>} : memref<800x32xf32, #tpu.memory_space<vmem>>, vector<1x16xf32>,
        %get3A_631 = vector.shape_cast %get3A_630 : vector<1x16xf32> to vector<16xf32>
        %add3A_632 = arith.addf %scan3A_591, %get3A_631 : vector<16xf32>
        %add3A_633 = arith.constant 2 : i32
        %add3A_634 = arith.addi %add3A_598, %add3A_633 : i32
        %get3A_635 = arith.index_cast %add3A_634 : i32 to index
        %get3A_636 = arith.constant 16 : index
        %get3A_637 = tpu.vector_load %arg9[%get3A_635, %get3A_636] {strides = array<i32>} : memref<800x32xf32, #tpu.memory_space<vmem>>, vector<1x16xf32>,
        %get3A_638 = vector.shape_cast %get3A_637 : vector<1x16xf32> to vector<16xf32>
        %add3A_639 = arith.addf %scan3A_592, %get3A_638 : vector<16xf32>
        %add3A_640 = arith.constant 3 : i32
        %add3A_641 = arith.addi %add3A_598, %add3A_640 : i32
        %get3A_642 = arith.index_cast %add3A_641 : i32 to index
        %get3A_643 = arith.constant 0 : index
        %get3A_644 = tpu.vector_load %arg9[%get3A_642, %get3A_643] {strides = array<i32>} : memref<800x32xf32, #tpu.memory_space<vmem>>, vector<1x16xf32>,
        %get3A_645 = vector.shape_cast %get3A_644 : vector<1x16xf32> to vector<16xf32>
        %add3A_646 = arith.addf %scan3A_593, %get3A_645 : vector<16xf32>
        %add3A_647 = arith.constant 3 : i32
        %add3A_648 = arith.addi %add3A_598, %add3A_647 : i32
        %get3A_649 = arith.index_cast %add3A_648 : i32 to index
        %get3A_650 = arith.constant 16 : index
        %get3A_651 = tpu.vector_load %arg9[%get3A_649, %get3A_650] {strides = array<i32>} : memref<800x32xf32, #tpu.memory_space<vmem>>, vector<1x16xf32>,
        %get3A_652 = vector.shape_cast %get3A_651 : vector<1x16xf32> to vector<16xf32>
        %add3A_653 = arith.addf %scan3A_594, %get3A_652 : vector<16xf32>
        %add3A_654 = arith.constant 4 : i32
        %add3A_655 = arith.addi %add3A_598, %add3A_654 : i32
        %get3A_656 = arith.index_cast %add3A_655 : i32 to index
        %get3A_657 = arith.constant 0 : index
        %get3A_658 = tpu.vector_load %arg9[%get3A_656, %get3A_657] {strides = array<i32>} : memref<800x32xf32, #tpu.memory_space<vmem>>, vector<1x16xf32>,
        %get3A_659 = vector.shape_cast %get3A_658 : vector<1x16xf32> to vector<16xf32>
        %add3A_660 = arith.addf %add3A_604, %get3A_659 : vector<16xf32>
        %add3A_661 = arith.constant 4 : i32
        %add3A_662 = arith.addi %add3A_598, %add3A_661 : i32
        %get3A_663 = arith.index_cast %add3A_662 : i32 to index
        %get3A_664 = arith.constant 16 : index
        %get3A_665 = tpu.vector_load %arg9[%get3A_663, %get3A_664] {strides = array<i32>} : memref<800x32xf32, #tpu.memory_space<vmem>>, vector<1x16xf32>,
        %get3A_666 = vector.shape_cast %get3A_665 : vector<1x16xf32> to vector<16xf32>
        %add3A_667 = arith.addf %add3A_611, %get3A_666 : vector<16xf32>
        %add3A_668 = arith.constant 5 : i32
        %add3A_669 = arith.addi %add3A_598, %add3A_668 : i32
        %get3A_670 = arith.index_cast %add3A_669 : i32 to index
        %get3A_671 = arith.constant 0 : index
        %get3A_672 = tpu.vector_load %arg9[%get3A_670, %get3A_671] {strides = array<i32>} : memref<800x32xf32, #tpu.memory_space<vmem>>, vector<1x16xf32>,
        %get3A_673 = vector.shape_cast %get3A_672 : vector<1x16xf32> to vector<16xf32>
        %add3A_674 = arith.addf %add3A_618, %get3A_673 : vector<16xf32>
        %add3A_675 = arith.constant 5 : i32
        %add3A_676 = arith.addi %add3A_598, %add3A_675 : i32
        %get3A_677 = arith.index_cast %add3A_676 : i32 to index
        %get3A_678 = arith.constant 16 : index
        %get3A_679 = tpu.vector_load %arg9[%get3A_677, %get3A_678] {strides = array<i32>} : memref<800x32xf32, #tpu.memory_space<vmem>>, vector<1x16xf32>,
        %get3A_680 = vector.shape_cast %get3A_679 : vector<1x16xf32> to vector<16xf32>
        %add3A_681 = arith.addf %add3A_625, %get3A_680 : vector<16xf32>
        %add3A_682 = arith.constant 6 : i32
        %add3A_683 = arith.addi %add3A_598, %add3A_682 : i32
        %get3A_684 = arith.index_cast %add3A_683 : i32 to index
        %get3A_685 = arith.constant 0 : index
        %get3A_686 = tpu.vector_load %arg9[%get3A_684, %get3A_685] {strides = array<i32>} : memref<800x32xf32, #tpu.memory_space<vmem>>, vector<1x16xf32>,
        %get3A_687 = vector.shape_cast %get3A_686 : vector<1x16xf32> to vector<16xf32>
        %add3A_688 = arith.addf %add3A_632, %get3A_687 : vector<16xf32>
        %add3A_689 = arith.constant 6 : i32
        %add3A_690 = arith.addi %add3A_598, %add3A_689 : i32
        %get3A_691 = arith.index_cast %add3A_690 : i32 to index
        %get3A_692 = arith.constant 16 : index
        %get3A_693 = tpu.vector_load %arg9[%get3A_691, %get3A_692] {strides = array<i32>} : memref<800x32xf32, #tpu.memory_space<vmem>>, vector<1x16xf32>,
        %get3A_694 = vector.shape_cast %get3A_693 : vector<1x16xf32> to vector<16xf32>
        %add3A_695 = arith.addf %add3A_639, %get3A_694 : vector<16xf32>
        %add3A_696 = arith.constant 7 : i32
        %add3A_697 = arith.addi %add3A_598, %add3A_696 : i32
        %get3A_698 = arith.index_cast %add3A_697 : i32 to index
        %get3A_699 = arith.constant 0 : index
        %get3A_700 = tpu.vector_load %arg9[%get3A_698, %get3A_699] {strides = array<i32>} : memref<800x32xf32, #tpu.memory_space<vmem>>, vector<1x16xf32>,
        %get3A_701 = vector.shape_cast %get3A_700 : vector<1x16xf32> to vector<16xf32>
        %add3A_702 = arith.addf %add3A_646, %get3A_701 : vector<16xf32>
        %add3A_703 = arith.constant 7 : i32
        %add3A_704 = arith.addi %add3A_598, %add3A_703 : i32
        %get3A_705 = arith.index_cast %add3A_704 : i32 to index
        %get3A_706 = arith.constant 16 : index
        %get3A_707 = tpu.vector_load %arg9[%get3A_705, %get3A_706] {strides = array<i32>} : memref<800x32xf32, #tpu.memory_space<vmem>>, vector<1x16xf32>,
        %get3A_708 = vector.shape_cast %get3A_707 : vector<1x16xf32> to vector<16xf32>
        %add3A_709 = arith.addf %add3A_653, %get3A_708 : vector<16xf32>
        scf.yield %add3A_660, %add3A_667, %add3A_674, %add3A_681, %add3A_688, %add3A_695, %add3A_702, %add3A_709 : vector<16xf32>, vector<16xf32>, vector<16xf32>, vector<16xf32>, vector<16xf32>, vector<16xf32>, vector<16xf32>, vector<16xf32>
      }
      %scan3A_537 = arith.constant 25 : i32
      %mul3A_538 = arith.constant 4 : i32
      %mul3A_539 = arith.muli %add3A_473, %mul3A_538 : i32
      %add3A_540 = arith.constant 2 : i32
      %add3A_541 = arith.addi %mul3A_539, %add3A_540 : i32
      %add3A_542 = arith.addf %scan3A_536#0, %scan3A_536#2 : vector<16xf32>
      %add3A_543 = arith.addf %scan3A_536#4, %scan3A_536#6 : vector<16xf32>
      %add3A_544 = arith.addf %add3A_542, %add3A_543 : vector<16xf32>
      %swap3A_545 = arith.index_cast %add3A_541 : i32 to index
      %swap3A_546 = arith.constant 0 : index
      %swap3A_547 = tpu.vector_load %arg10[%swap3A_545, %swap3A_546] {strides = array<i32>} : memref<128x32xf32, #tpu.memory_space<vmem>>, vector<1x16xf32>,
      %swap3A_548 = vector.shape_cast %swap3A_547 : vector<1x16xf32> to vector<16xf32>
      %swap3A_549 = vector.shape_cast %add3A_544 : vector<16xf32> to vector<1x16xf32>
      tpu.vector_store %arg10[%swap3A_545, %swap3A_546], %swap3A_549 {strides = array<i32>} : memref<128x32xf32, #tpu.memory_space<vmem>>, vector<1x16xf32>,
      %add3A_550 = arith.addf %scan3A_536#1, %scan3A_536#3 : vector<16xf32>
      %add3A_551 = arith.addf %scan3A_536#5, %scan3A_536#7 : vector<16xf32>
      %add3A_552 = arith.addf %add3A_550, %add3A_551 : vector<16xf32>
      %swap3A_553 = arith.index_cast %add3A_541 : i32 to index
      %swap3A_554 = arith.constant 16 : index
      %swap3A_555 = tpu.vector_load %arg10[%swap3A_553, %swap3A_554] {strides = array<i32>} : memref<128x32xf32, #tpu.memory_space<vmem>>, vector<1x16xf32>,
      %swap3A_556 = vector.shape_cast %swap3A_555 : vector<1x16xf32> to vector<16xf32>
      %swap3A_557 = vector.shape_cast %add3A_552 : vector<16xf32> to vector<1x16xf32>
      tpu.vector_store %arg10[%swap3A_553, %swap3A_554], %swap3A_557 {strides = array<i32>} : memref<128x32xf32, #tpu.memory_space<vmem>>, vector<1x16xf32>,
      %broadcast_in_dim3A_558 = arith.constant 0.000000e+00 : f32
      %broadcast_in_dim3A_559 = vector.broadcast %broadcast_in_dim3A_558 : f32 to vector<16xf32>
      %scan3A_560 = arith.constant 0 : i32
      %scan3A_561 = arith.constant 25 : i32
      %scan3A_562 = arith.addi %scan3A_560, %scan3A_561 : i32
      %scan3A_563 = arith.constant 1 : i32
      %scan3A_564:8 = scf.for %scan3A_586 = %scan3A_560 to %scan3A_562 step %scan3A_563 iter_args(%scan3A_587 = %broadcast_in_dim3A_559, %scan3A_588 = %broadcast_in_dim3A_559, %scan3A_589 = %broadcast_in_dim3A_559, %scan3A_590 = %broadcast_in_dim3A_559, %scan3A_591 = %broadcast_in_dim3A_559, %scan3A_592 = %broadcast_in_dim3A_559, %scan3A_593 = %broadcast_in_dim3A_559, %scan3A_594 = %broadcast_in_dim3A_559) -> (vector<16xf32>, vector<16xf32>, vector<16xf32>, vector<16xf32>, vector<16xf32>, vector<16xf32>, vector<16xf32>, vector<16xf32>)  : i32 {
        %mul3A_595 = arith.constant 8 : i32
        %mul3A_596 = arith.muli %mul3A_595, %scan3A_586 : i32
        %add3A_597 = arith.constant 600 : i32
        %add3A_598 = arith.addi %add3A_597, %mul3A_596 : i32
        %add3A_599 = arith.constant 0 : i32
        %add3A_600 = arith.addi %add3A_598, %add3A_599 : i32
        %get3A = arith.index_cast %add3A_600 : i32 to index
        %get3A_601 = arith.constant 0 : index
        %get3A_602 = tpu.vector_load %arg9[%get3A, %get3A_601] {strides = array<i32>} : memref<800x32xf32, #tpu.memory_space<vmem>>, vector<1x16xf32>,
        %get3A_603 = vector.shape_cast %get3A_602 : vector<1x16xf32> to vector<16xf32>
        %add3A_604 = arith.addf %scan3A_587, %get3A_603 : vector<16xf32>
        %add3A_605 = arith.constant 0 : i32
        %add3A_606 = arith.addi %add3A_598, %add3A_605 : i32
        %get3A_607 = arith.index_cast %add3A_606 : i32 to index
        %get3A_608 = arith.constant 16 : index
        %get3A_609 = tpu.vector_load %arg9[%get3A_607, %get3A_608] {strides = array<i32>} : memref<800x32xf32, #tpu.memory_space<vmem>>, vector<1x16xf32>,
        %get3A_610 = vector.shape_cast %get3A_609 : vector<1x16xf32> to vector<16xf32>
        %add3A_611 = arith.addf %scan3A_588, %get3A_610 : vector<16xf32>
        %add3A_612 = arith.constant 1 : i32
        %add3A_613 = arith.addi %add3A_598, %add3A_612 : i32
        %get3A_614 = arith.index_cast %add3A_613 : i32 to index
        %get3A_615 = arith.constant 0 : index
        %get3A_616 = tpu.vector_load %arg9[%get3A_614, %get3A_615] {strides = array<i32>} : memref<800x32xf32, #tpu.memory_space<vmem>>, vector<1x16xf32>,
        %get3A_617 = vector.shape_cast %get3A_616 : vector<1x16xf32> to vector<16xf32>
        %add3A_618 = arith.addf %scan3A_589, %get3A_617 : vector<16xf32>
        %add3A_619 = arith.constant 1 : i32
        %add3A_620 = arith.addi %add3A_598, %add3A_619 : i32
        %get3A_621 = arith.index_cast %add3A_620 : i32 to index
        %get3A_622 = arith.constant 16 : index
        %get3A_623 = tpu.vector_load %arg9[%get3A_621, %get3A_622] {strides = array<i32>} : memref<800x32xf32, #tpu.memory_space<vmem>>, vector<1x16xf32>,
        %get3A_624 = vector.shape_cast %get3A_623 : vector<1x16xf32> to vector<16xf32>
        %add3A_625 = arith.addf %scan3A_590, %get3A_624 : vector<16xf32>
        %add3A_626 = arith.constant 2 : i32
        %add3A_627 = arith.addi %add3A_598, %add3A_626 : i32
        %get3A_628 = arith.index_cast %add3A_627 : i32 to index
        %get3A_629 = arith.constant 0 : index
        %get3A_630 = tpu.vector_load %arg9[%get3A_628, %get3A_629] {strides = array<i32>} : memref<800x32xf32, #tpu.memory_space<vmem>>, vector<1x16xf32>,
        %get3A_631 = vector.shape_cast %get3A_630 : vector<1x16xf32> to vector<16xf32>
        %add3A_632 = arith.addf %scan3A_591, %get3A_631 : vector<16xf32>
        %add3A_633 = arith.constant 2 : i32
        %add3A_634 = arith.addi %add3A_598, %add3A_633 : i32
        %get3A_635 = arith.index_cast %add3A_634 : i32 to index
        %get3A_636 = arith.constant 16 : index
        %get3A_637 = tpu.vector_load %arg9[%get3A_635, %get3A_636] {strides = array<i32>} : memref<800x32xf32, #tpu.memory_space<vmem>>, vector<1x16xf32>,
        %get3A_638 = vector.shape_cast %get3A_637 : vector<1x16xf32> to vector<16xf32>
        %add3A_639 = arith.addf %scan3A_592, %get3A_638 : vector<16xf32>
        %add3A_640 = arith.constant 3 : i32
        %add3A_641 = arith.addi %add3A_598, %add3A_640 : i32
        %get3A_642 = arith.index_cast %add3A_641 : i32 to index
        %get3A_643 = arith.constant 0 : index
        %get3A_644 = tpu.vector_load %arg9[%get3A_642, %get3A_643] {strides = array<i32>} : memref<800x32xf32, #tpu.memory_space<vmem>>, vector<1x16xf32>,
        %get3A_645 = vector.shape_cast %get3A_644 : vector<1x16xf32> to vector<16xf32>
        %add3A_646 = arith.addf %scan3A_593, %get3A_645 : vector<16xf32>
        %add3A_647 = arith.constant 3 : i32
        %add3A_648 = arith.addi %add3A_598, %add3A_647 : i32
        %get3A_649 = arith.index_cast %add3A_648 : i32 to index
        %get3A_650 = arith.constant 16 : index
        %get3A_651 = tpu.vector_load %arg9[%get3A_649, %get3A_650] {strides = array<i32>} : memref<800x32xf32, #tpu.memory_space<vmem>>, vector<1x16xf32>,
        %get3A_652 = vector.shape_cast %get3A_651 : vector<1x16xf32> to vector<16xf32>
        %add3A_653 = arith.addf %scan3A_594, %get3A_652 : vector<16xf32>
        %add3A_654 = arith.constant 4 : i32
        %add3A_655 = arith.addi %add3A_598, %add3A_654 : i32
        %get3A_656 = arith.index_cast %add3A_655 : i32 to index
        %get3A_657 = arith.constant 0 : index
        %get3A_658 = tpu.vector_load %arg9[%get3A_656, %get3A_657] {strides = array<i32>} : memref<800x32xf32, #tpu.memory_space<vmem>>, vector<1x16xf32>,
        %get3A_659 = vector.shape_cast %get3A_658 : vector<1x16xf32> to vector<16xf32>
        %add3A_660 = arith.addf %add3A_604, %get3A_659 : vector<16xf32>
        %add3A_661 = arith.constant 4 : i32
        %add3A_662 = arith.addi %add3A_598, %add3A_661 : i32
        %get3A_663 = arith.index_cast %add3A_662 : i32 to index
        %get3A_664 = arith.constant 16 : index
        %get3A_665 = tpu.vector_load %arg9[%get3A_663, %get3A_664] {strides = array<i32>} : memref<800x32xf32, #tpu.memory_space<vmem>>, vector<1x16xf32>,
        %get3A_666 = vector.shape_cast %get3A_665 : vector<1x16xf32> to vector<16xf32>
        %add3A_667 = arith.addf %add3A_611, %get3A_666 : vector<16xf32>
        %add3A_668 = arith.constant 5 : i32
        %add3A_669 = arith.addi %add3A_598, %add3A_668 : i32
        %get3A_670 = arith.index_cast %add3A_669 : i32 to index
        %get3A_671 = arith.constant 0 : index
        %get3A_672 = tpu.vector_load %arg9[%get3A_670, %get3A_671] {strides = array<i32>} : memref<800x32xf32, #tpu.memory_space<vmem>>, vector<1x16xf32>,
        %get3A_673 = vector.shape_cast %get3A_672 : vector<1x16xf32> to vector<16xf32>
        %add3A_674 = arith.addf %add3A_618, %get3A_673 : vector<16xf32>
        %add3A_675 = arith.constant 5 : i32
        %add3A_676 = arith.addi %add3A_598, %add3A_675 : i32
        %get3A_677 = arith.index_cast %add3A_676 : i32 to index
        %get3A_678 = arith.constant 16 : index
        %get3A_679 = tpu.vector_load %arg9[%get3A_677, %get3A_678] {strides = array<i32>} : memref<800x32xf32, #tpu.memory_space<vmem>>, vector<1x16xf32>,
        %get3A_680 = vector.shape_cast %get3A_679 : vector<1x16xf32> to vector<16xf32>
        %add3A_681 = arith.addf %add3A_625, %get3A_680 : vector<16xf32>
        %add3A_682 = arith.constant 6 : i32
        %add3A_683 = arith.addi %add3A_598, %add3A_682 : i32
        %get3A_684 = arith.index_cast %add3A_683 : i32 to index
        %get3A_685 = arith.constant 0 : index
        %get3A_686 = tpu.vector_load %arg9[%get3A_684, %get3A_685] {strides = array<i32>} : memref<800x32xf32, #tpu.memory_space<vmem>>, vector<1x16xf32>,
        %get3A_687 = vector.shape_cast %get3A_686 : vector<1x16xf32> to vector<16xf32>
        %add3A_688 = arith.addf %add3A_632, %get3A_687 : vector<16xf32>
        %add3A_689 = arith.constant 6 : i32
        %add3A_690 = arith.addi %add3A_598, %add3A_689 : i32
        %get3A_691 = arith.index_cast %add3A_690 : i32 to index
        %get3A_692 = arith.constant 16 : index
        %get3A_693 = tpu.vector_load %arg9[%get3A_691, %get3A_692] {strides = array<i32>} : memref<800x32xf32, #tpu.memory_space<vmem>>, vector<1x16xf32>,
        %get3A_694 = vector.shape_cast %get3A_693 : vector<1x16xf32> to vector<16xf32>
        %add3A_695 = arith.addf %add3A_639, %get3A_694 : vector<16xf32>
        %add3A_696 = arith.constant 7 : i32
        %add3A_697 = arith.addi %add3A_598, %add3A_696 : i32
        %get3A_698 = arith.index_cast %add3A_697 : i32 to index
        %get3A_699 = arith.constant 0 : index
        %get3A_700 = tpu.vector_load %arg9[%get3A_698, %get3A_699] {strides = array<i32>} : memref<800x32xf32, #tpu.memory_space<vmem>>, vector<1x16xf32>,
        %get3A_701 = vector.shape_cast %get3A_700 : vector<1x16xf32> to vector<16xf32>
        %add3A_702 = arith.addf %add3A_646, %get3A_701 : vector<16xf32>
        %add3A_703 = arith.constant 7 : i32
        %add3A_704 = arith.addi %add3A_598, %add3A_703 : i32
        %get3A_705 = arith.index_cast %add3A_704 : i32 to index
        %get3A_706 = arith.constant 16 : index
        %get3A_707 = tpu.vector_load %arg9[%get3A_705, %get3A_706] {strides = array<i32>} : memref<800x32xf32, #tpu.memory_space<vmem>>, vector<1x16xf32>,
        %get3A_708 = vector.shape_cast %get3A_707 : vector<1x16xf32> to vector<16xf32>
        %add3A_709 = arith.addf %add3A_653, %get3A_708 : vector<16xf32>
        scf.yield %add3A_660, %add3A_667, %add3A_674, %add3A_681, %add3A_688, %add3A_695, %add3A_702, %add3A_709 : vector<16xf32>, vector<16xf32>, vector<16xf32>, vector<16xf32>, vector<16xf32>, vector<16xf32>, vector<16xf32>, vector<16xf32>
      }
      %scan3A_565 = arith.constant 25 : i32
      %mul3A_566 = arith.constant 4 : i32
      %mul3A_567 = arith.muli %add3A_473, %mul3A_566 : i32
      %add3A_568 = arith.constant 3 : i32
      %add3A_569 = arith.addi %mul3A_567, %add3A_568 : i32
      %add3A_570 = arith.addf %scan3A_564#0, %scan3A_564#2 : vector<16xf32>
      %add3A_571 = arith.addf %scan3A_564#4, %scan3A_564#6 : vector<16xf32>
      %add3A_572 = arith.addf %add3A_570, %add3A_571 : vector<16xf32>
      %swap3A_573 = arith.index_cast %add3A_569 : i32 to index
      %swap3A_574 = arith.constant 0 : index
      %swap3A_575 = tpu.vector_load %arg10[%swap3A_573, %swap3A_574] {strides = array<i32>} : memref<128x32xf32, #tpu.memory_space<vmem>>, vector<1x16xf32>,
      %swap3A_576 = vector.shape_cast %swap3A_575 : vector<1x16xf32> to vector<16xf32>
      %swap3A_577 = vector.shape_cast %add3A_572 : vector<16xf32> to vector<1x16xf32>
      tpu.vector_store %arg10[%swap3A_573, %swap3A_574], %swap3A_577 {strides = array<i32>} : memref<128x32xf32, #tpu.memory_space<vmem>>, vector<1x16xf32>,
      %add3A_578 = arith.addf %scan3A_564#1, %scan3A_564#3 : vector<16xf32>
      %add3A_579 = arith.addf %scan3A_564#5, %scan3A_564#7 : vector<16xf32>
      %add3A_580 = arith.addf %add3A_578, %add3A_579 : vector<16xf32>
      %swap3A_581 = arith.index_cast %add3A_569 : i32 to index
      %swap3A_582 = arith.constant 16 : index
      %swap3A_583 = tpu.vector_load %arg10[%swap3A_581, %swap3A_582] {strides = array<i32>} : memref<128x32xf32, #tpu.memory_space<vmem>>, vector<1x16xf32>,
      %swap3A_584 = vector.shape_cast %swap3A_583 : vector<1x16xf32> to vector<16xf32>
      %swap3A_585 = vector.shape_cast %add3A_580 : vector<16xf32> to vector<1x16xf32>
      tpu.vector_store %arg10[%swap3A_581, %swap3A_582], %swap3A_585 {strides = array<i32>} : memref<128x32xf32, #tpu.memory_space<vmem>>, vector<1x16xf32>,
    }
    %scan3A_85 = arith.constant 16 : i32
    "tpu.region"() ({
      %run_scoped3A = tpu.sem_alloc : memref<!tpu.dma_semaphore, #tpu.memory_space<semaphore_mem>>
      %dma_start3A_86 = arith.constant 0 : i32
      %dma_start3A_87 = tpu.memref_slice %arg5[%mul3A_2, %dma_start3A_86] : memref<4096x32xf32, #tpu.memory_space<hbm>> -> memref<128x32xf32, #tpu.memory_space<hbm>>
      %dma_start3A_88 = arith.constant 0 : i32
      %dma_start3A_89 = tpu.memref_slice %arg5[%mul3A_2, %dma_start3A_88] : memref<4096x32xf32, #tpu.memory_space<hbm>> -> memref<128x32xf32, #tpu.memory_space<hbm>>
      tpu.enqueue_dma source(%arg10 : memref<128x32xf32, #tpu.memory_space<vmem>>) target(%dma_start3A_89 : memref<128x32xf32, #tpu.memory_space<hbm>>) target_semaphore(%run_scoped3A : memref<!tpu.dma_semaphore, #tpu.memory_space<semaphore_mem>>)
      %dma_wait3A = arith.constant 0 : i32
      %dma_wait3A_90 = tpu.memref_slice %arg5[%mul3A_2, %dma_wait3A] : memref<4096x32xf32, #tpu.memory_space<hbm>> -> memref<128x32xf32, #tpu.memory_space<hbm>>
      %dma_wait3A_91 = arith.constant 0 : i32
      %dma_wait3A_92 = tpu.memref_slice %arg5[%mul3A_2, %dma_wait3A_91] : memref<4096x32xf32, #tpu.memory_space<hbm>> -> memref<128x32xf32, #tpu.memory_space<hbm>>
      tpu.wait_dma2 semaphore(%run_scoped3A : memref<!tpu.dma_semaphore, #tpu.memory_space<semaphore_mem>>) src(%arg10 : memref<128x32xf32, #tpu.memory_space<vmem>>) dst(%dma_wait3A_92 : memref<128x32xf32, #tpu.memory_space<hbm>>)
      tpu.yield
    }) : () -> ()
    return
  }
}

module attributes {stable_mosaic.version = 14 : i64} {
  func.func @body(%arg0: i32, %arg1: memref<1024x200xi32, #tpu.memory_space<vmem>>, %arg2: memref<1024x128xi32, #tpu.memory_space<vmem>>, %arg3: memref<1024x128xi32, #tpu.memory_space<vmem>>) attributes {dimension_semantics = [#tpu.dimension_semantics<arbitrary>], iteration_bounds = array<i64: 4>, scalar_prefetch = 0 : i64, scratch_operands = 0 : i64, tpu.core_type = #tpu.core_type<tc>, window_params = [{transform_indices = @transform_0, window_bounds = array<i64: 1024, 200>}, {transform_indices = @transform_1, window_bounds = array<i64: 1024, 128>}, {transform_indices = @transform_2, window_bounds = array<i64: 1024, 128>}]} {
    %get3A = arith.constant 0 : index
    %get3A_0 = arith.constant 0 : index
    %get3A_1 = vector.load %arg1[%get3A, %get3A_0] : memref<1024x200xi32, #tpu.memory_space<vmem>>, vector<1024x200xi32>
    %not3A = arith.constant 16383 : i32
    %not3A_2 = arith.constant -1 : i32
    %not3A_3 = arith.xori %not3A, %not3A_2 : i32
    %and3A = vector.broadcast %not3A_3 : i32 to vector<1024x200xi32>
    %and3A_4 = arith.andi %get3A_1, %and3A : vector<1024x200xi32>
    %and3A_5 = arith.constant 4095 : i32
    %and3A_6 = vector.broadcast %and3A_5 : i32 to vector<1024x200xi32>
    %and3A_7 = arith.andi %get3A_1, %and3A_6 : vector<1024x200xi32>
    %shift_left3A = arith.constant 2 : i32
    %shift_left3A_8 = vector.broadcast %shift_left3A : i32 to vector<1024x200xi32>
    %shift_left3A_9 = arith.shli %and3A_7, %shift_left3A_8 : vector<1024x200xi32>
    %or3A = arith.ori %and3A_4, %shift_left3A_9 : vector<1024x200xi32>
    %shift_right_arithmetic3A = arith.constant 12 : i32
    %shift_right_arithmetic3A_10 = vector.broadcast %shift_right_arithmetic3A : i32 to vector<1024x200xi32>
    %shift_right_arithmetic3A_11 = arith.shrsi %get3A_1, %shift_right_arithmetic3A_10 : vector<1024x200xi32>
    %and3A_12 = arith.constant 3 : i32
    %and3A_13 = vector.broadcast %and3A_12 : i32 to vector<1024x200xi32>
    %and3A_14 = arith.andi %shift_right_arithmetic3A_11, %and3A_13 : vector<1024x200xi32>
    %or3A_15 = arith.ori %or3A, %and3A_14 : vector<1024x200xi32>
    %slice3A = vector.extract_strided_slice %or3A_15 {offsets = [0, 0], sizes = [1024, 128], strides = [1, 1]} : vector<1024x200xi32> to vector<1024x128xi32>
    %swap3A = arith.constant 0 : index
    %swap3A_16 = arith.constant 0 : index
    %swap3A_17 = vector.load %arg2[%swap3A, %swap3A_16] : memref<1024x128xi32, #tpu.memory_space<vmem>>, vector<1024x128xi32>
    tpu.vector_store %arg2[%swap3A, %swap3A_16], %slice3A {strides = array<i32>} : memref<1024x128xi32, #tpu.memory_space<vmem>>, vector<1024x128xi32>,
    %slice3A_18 = vector.extract_strided_slice %or3A_15 {offsets = [0, 128], sizes = [1024, 72], strides = [1, 1]} : vector<1024x200xi32> to vector<1024x72xi32>
    %jit3A = arith.constant 0 : i32
    %pad3A = vector.broadcast %jit3A : i32 to vector<1024x56xi32>
    %pad3A_19 = tpu.concatenate %slice3A_18, %pad3A in 1 : vector<1024x72xi32>, vector<1024x56xi32> -> vector<1024x128xi32>
    %swap3A_20 = arith.constant 0 : index
    %swap3A_21 = arith.constant 0 : index
    %swap3A_22 = vector.load %arg3[%swap3A_20, %swap3A_21] : memref<1024x128xi32, #tpu.memory_space<vmem>>, vector<1024x128xi32>
    tpu.vector_store %arg3[%swap3A_20, %swap3A_21], %pad3A_19 {strides = array<i32>} : memref<1024x128xi32, #tpu.memory_space<vmem>>, vector<1024x128xi32>,
    return
  }
  func.func @transform_0(%arg0: i32) -> (i32, i32) {
    %c0_i32 = arith.constant 0 : i32
    %c0_i32_0 = arith.constant 0 : i32
    return %arg0, %c0_i32 : i32, i32
  }
  func.func @transform_1(%arg0: i32) -> (i32, i32) {
    %c0_i32 = arith.constant 0 : i32
    %c0_i32_0 = arith.constant 0 : i32
    return %arg0, %c0_i32 : i32, i32
  }
  func.func @transform_2(%arg0: i32) -> (i32, i32) {
    %c0_i32 = arith.constant 0 : i32
    %c0_i32_0 = arith.constant 0 : i32
    return %arg0, %c0_i32 : i32, i32
  }
}

module attributes {stable_mosaic.version = 14 : i64} {
  func.func @body(%arg0: i32, %arg1: memref<32x16384xf32, #tpu.memory_space<vmem>>, %arg2: memref<4096x128xf32, #tpu.memory_space<vmem>>) attributes {dimension_semantics = [#tpu.dimension_semantics<arbitrary>], iteration_bounds = array<i64: 62>, scalar_prefetch = 0 : i64, scratch_operands = 0 : i64, tpu.core_type = #tpu.core_type<tc>, window_params = [{transform_indices = @transform_0, window_bounds = array<i64: 32, 16384>}, {transform_indices = @transform_1, window_bounds = array<i64: 4096, 128>}]} {
    %get3A = arith.constant 0 : index
    %get3A_0 = arith.constant 0 : index
    %get3A_1 = vector.load %arg1[%get3A, %get3A_0] : memref<32x16384xf32, #tpu.memory_space<vmem>>, vector<32x16384xf32>
    %slice3A = vector.extract_strided_slice %get3A_1 {offsets = [0, 0], sizes = [32, 4096], strides = [1, 1]} : vector<32x16384xf32> to vector<32x4096xf32>
    %transpose3A = tpu.transpose %slice3A, [1, 0] : vector<32x4096xf32> -> vector<4096x32xf32>
    %slice3A_2 = vector.extract_strided_slice %get3A_1 {offsets = [0, 4096], sizes = [32, 4096], strides = [1, 1]} : vector<32x16384xf32> to vector<32x4096xf32>
    %transpose3A_3 = tpu.transpose %slice3A_2, [1, 0] : vector<32x4096xf32> -> vector<4096x32xf32>
    %slice3A_4 = vector.extract_strided_slice %get3A_1 {offsets = [0, 8192], sizes = [32, 4096], strides = [1, 1]} : vector<32x16384xf32> to vector<32x4096xf32>
    %transpose3A_5 = tpu.transpose %slice3A_4, [1, 0] : vector<32x4096xf32> -> vector<4096x32xf32>
    %slice3A_6 = vector.extract_strided_slice %get3A_1 {offsets = [0, 12288], sizes = [32, 4096], strides = [1, 1]} : vector<32x16384xf32> to vector<32x4096xf32>
    %transpose3A_7 = tpu.transpose %slice3A_6, [1, 0] : vector<32x4096xf32> -> vector<4096x32xf32>
    %concatenate3A = tpu.concatenate %transpose3A, %transpose3A_3, %transpose3A_5, %transpose3A_7 in 1 : vector<4096x32xf32>, vector<4096x32xf32>, vector<4096x32xf32>, vector<4096x32xf32> -> vector<4096x128xf32>
    %swap3A = arith.constant 0 : index
    %swap3A_8 = arith.constant 0 : index
    %swap3A_9 = vector.load %arg2[%swap3A, %swap3A_8] : memref<4096x128xf32, #tpu.memory_space<vmem>>, vector<4096x128xf32>
    tpu.vector_store %arg2[%swap3A, %swap3A_8], %concatenate3A {strides = array<i32>} : memref<4096x128xf32, #tpu.memory_space<vmem>>, vector<4096x128xf32>,
    return
  }
  func.func @transform_0(%arg0: i32) -> (i32, i32) {
    %c0_i32 = arith.constant 0 : i32
    %c0_i32_0 = arith.constant 0 : i32
    return %c0_i32, %arg0 : i32, i32
  }
  func.func @transform_1(%arg0: i32) -> (i32, i32) {
    %c0_i32 = arith.constant 0 : i32
    %c0_i32_0 = arith.constant 0 : i32
    return %arg0, %c0_i32 : i32, i32
  }
}

module attributes {stable_mosaic.version = 14 : i64} {
  func.func @body(%arg0: i32, %arg1: memref<512x200xi32, #tpu.memory_space<vmem>>, %arg2: memref<512x32xf32, #tpu.memory_space<vmem>>, %arg3: memref<16x32xf32, #tpu.memory_space<vmem>>, %arg4: memref<1x16xf32, #tpu.memory_space<vmem>>, %arg5: memref<512x16xf32, #tpu.memory_space<vmem>>) attributes {dimension_semantics = [#tpu.dimension_semantics<arbitrary>], iteration_bounds = array<i64: 8>, scalar_prefetch = 0 : i64, scratch_operands = 0 : i64, tpu.core_type = #tpu.core_type<tc>, window_params = [{transform_indices = @transform_0, window_bounds = array<i64: 512, 200>}, {transform_indices = @transform_1, window_bounds = array<i64: 512, 32>}, {pipeline_mode = #tpu.pipeline_mode<synchronous>, transform_indices = @transform_2, window_bounds = array<i64: 16, 32>}, {pipeline_mode = #tpu.pipeline_mode<synchronous>, transform_indices = @transform_3, window_bounds = array<i64: 1, 16>}, {transform_indices = @transform_4, window_bounds = array<i64: 512, 16>}]} {
    %get3A = arith.constant 0 : index
    %get3A_0 = arith.constant 0 : index
    %get3A_1 = vector.load %arg1[%get3A, %get3A_0] : memref<512x200xi32, #tpu.memory_space<vmem>>, vector<512x200xi32>
    %ne3A = arith.constant 0 : i32
    %ne3A_2 = vector.broadcast %ne3A : i32 to vector<512x200xi32>
    %ne3A_3 = arith.cmpi ne, %get3A_1, %ne3A_2 : vector<512x200xi32>
    %convert_element_type3A = arith.extui %ne3A_3 : vector<512x200xi1> to vector<512x200xi32>
    %convert_element_type3A_4 = arith.sitofp %convert_element_type3A : vector<512x200xi32> to vector<512x200xf32>
    %reduce_sum3A = arith.constant dense<0.000000e+00> : vector<512xf32>
    %reduce_sum3A_5 = vector.multi_reduction <add>, %convert_element_type3A_4, %reduce_sum3A [1] : vector<512x200xf32> to vector<512xf32>
    %broadcast_in_dim3A = vector.shape_cast %reduce_sum3A_5 : vector<512xf32> to vector<512x1xf32>
    %max3A = arith.constant 1.000000e+00 : f32
    %max3A_6 = vector.broadcast %max3A : f32 to vector<512x1xf32>
    %max3A_7 = arith.maximumf %broadcast_in_dim3A, %max3A_6 : vector<512x1xf32>
    %get3A_8 = arith.constant 0 : index
    %get3A_9 = arith.constant 0 : index
    %get3A_10 = vector.load %arg2[%get3A_8, %get3A_9] : memref<512x32xf32, #tpu.memory_space<vmem>>, vector<512x32xf32>
    %get3A_11 = arith.constant 0 : index
    %get3A_12 = arith.constant 0 : index
    %get3A_13 = vector.load %arg3[%get3A_11, %get3A_12] : memref<16x32xf32, #tpu.memory_space<vmem>>, vector<16x32xf32>
    %dot_general3A = arith.constant dense<0.000000e+00> : vector<512x16xf32>
    %dot_general3A_14 = tpu.matmul %get3A_10, %get3A_13, %dot_general3A {dimension_numbers = #tpu.dot_dimension_numbers<[1], [1], [0], [0], [0, 0, 1, 0], [], []>, transpose_lhs_hint = false} : vector<512x32xf32>, vector<16x32xf32>, vector<512x16xf32> -> vector<512x16xf32>
    %div3A = vector.broadcast %max3A_7 : vector<512x1xf32> to vector<512x16xf32>
    %div3A_15 = arith.divf %dot_general3A_14, %div3A : vector<512x16xf32>
    %get3A_16 = arith.constant 0 : index
    %get3A_17 = arith.constant 0 : index
    %get3A_18 = vector.load %arg4[%get3A_16, %get3A_17] : memref<1x16xf32, #tpu.memory_space<vmem>>, vector<1x16xf32>
    %add3A = vector.broadcast %get3A_18 : vector<1x16xf32> to vector<512x16xf32>
    %add3A_19 = arith.addf %div3A_15, %add3A : vector<512x16xf32>
    %swap3A = arith.constant 0 : index
    %swap3A_20 = arith.constant 0 : index
    %swap3A_21 = vector.load %arg5[%swap3A, %swap3A_20] : memref<512x16xf32, #tpu.memory_space<vmem>>, vector<512x16xf32>
    tpu.vector_store %arg5[%swap3A, %swap3A_20], %add3A_19 {strides = array<i32>} : memref<512x16xf32, #tpu.memory_space<vmem>>, vector<512x16xf32>,
    return
  }
  func.func @transform_0(%arg0: i32) -> (i32, i32) {
    %c0_i32 = arith.constant 0 : i32
    %c0_i32_0 = arith.constant 0 : i32
    return %arg0, %c0_i32 : i32, i32
  }
  func.func @transform_1(%arg0: i32) -> (i32, i32) {
    %c0_i32 = arith.constant 0 : i32
    %c0_i32_0 = arith.constant 0 : i32
    return %arg0, %c0_i32 : i32, i32
  }
  func.func @transform_2(%arg0: i32) -> (i32, i32) {
    %c0_i32 = arith.constant 0 : i32
    %c0_i32_0 = arith.constant 0 : i32
    %c0_i32_1 = arith.constant 0 : i32
    return %c0_i32, %c0_i32_0 : i32, i32
  }
  func.func @transform_3(%arg0: i32) -> (i32, i32) {
    %c0_i32 = arith.constant 0 : i32
    %c0_i32_0 = arith.constant 0 : i32
    %c0_i32_1 = arith.constant 0 : i32
    return %c0_i32, %c0_i32_0 : i32, i32
  }
  func.func @transform_4(%arg0: i32) -> (i32, i32) {
    %c0_i32 = arith.constant 0 : i32
    %c0_i32_0 = arith.constant 0 : i32
    return %arg0, %c0_i32 : i32, i32
  }
}

</mosaic_0001>

<sc_bundles>
// kernel: kernel.6.cloned.1.call-start
scs
__scs_entry_jumppad:
0x0: {  	(pc) =	sbr.rel $0x88, $3  }
0x1: {  	(tag) =	ssettag $0x0;
	lr =	simm.s32 $0x1  }
0x2: {  	[smem:$0x3F9D] =	sst lr;
	_ =	strace $0xD0000000  }
0x3: {  	_ = 	snop  }
0x4: {  	_ = 	snop  }
0x5: {  	_ = 	snop  }
0x6: {  	_ = 	snop  }
0x7: {  	_ = 	snop  }
__scs_overlays_trampoline_lowered:
0x8: {  	[smem:$0x3FAC] =	sst s0  }
0x9: {  	[smem:$0x3FAD] =	sst s1  }
0xa: {  	[smem:$0x3FAE] =	sst s2  }
0xb: {  	[smem:$0x3FAF] =	sst s3  }
0xc: {  	[smem:$0x3FB0] =	sst s4  }
0xd: {  	[smem:$0x3FB1] =	sst s5  }
0xe: {  	[smem:$0x3FB2] =	sst s6  }
0xf: {  	[smem:$0x3FB3] =	sst s7  }
0x10: {  	[smem:$0x3FB4] =	sst s8  }
0x11: {  	[smem:$0x3FB5] =	sst s9;
	s0 =	simm.s32 @!p0 $0x0  }
0x12: {  	s1 =	sld [smem:$0x3F9B];
	s0 =	simm.s32 @p0 $0x1  }
0x13: {  	[smem:$0x3FB6] =	sst s0;
	s0 =	simm.s32 @!p1 $0x0  }
0x14: {  	s2 =	sld [smem:$0x3F9A];
	s0 =	simm.s32 @p1 $0x1  }
0x15: {  	[smem:$0x3FB7] =	sst s0;
	s0 =	simm.s32 @!p2 $0x0  }
0x16: {  	s3 =	sld [smem:$0x3FDB];
	s0 =	simm.s32 @p2 $0x1  }
0x17: {  	s4 =	simm.s32 $0x1BF5;
	[smem:$0x3FB9] =	sst s0  }
0x18: {  	s0 =	sld [smem:$0x3F9C];
	_ =	swait.ge [sflag:s4], $0x0  }
0x19: {  	s7 =	sld [smem:$0x3F9D]  }
0x1a: {  	s8 =	sadd.s32 $0xFFFFE003, lr  }
0x1b: {  	s9 =	sadd.s32 $0xFFFFFEF7, lr;
	s5 =	simm.s32 $0xFFFFFFFF;
	p2 =	slt.u32 s8, $0xFFFFF086  }
0x1c: {  	p1 =	slt.u32 s9, $0xF7A;
	s5 =	simm.s32 @!p2 $0x0  }
0x1d: {  	s5 =	simm.s32 @p1 $0x1;
	p0 =	seq.s32 s7, s2  }
0x1e: {  	s7 =	smul.u32 @!p0 $0xF7A, s2;
	p2 =	seq.s32 @!p0 s5, $0x0  }
0x1f: {  	s9 =	smul.u32 $0xF7A, s1;
	s8 =	simm.s32 @!p0 $0x1BF5;
	p2 =	por !p2, p0  }
0x20: {  	[sflag:s8] =	ssyncset.s32 @!p0 $0xFFFFF086;
	s6 =	sadd.s32 @!p0 s3, s7;
	s7 =	simm.s32 @!p0 $0x108  }
0x21: {  	s3 =	sadd.s32 s3, s9;
	s6 =	sadd.s32 @!p0 $0x88, s6;
	s7 =	simm.s32 @p2 $0x1082  }
0x22: {  	[simem:s7], [sflag:s8] =	dma.local @!p0 [hbm:s6], $0xF7A  }
0x23: {  	s9 =	sor.u32 $0xD0000000, s2;
	s6 =	simm.s32 $0x108;
	_ =	swait.ge @!p0 [sflag:s8], $0x0  }
0x24: {  	s3 =	sadd.s32 $0x88, s3;
	s6 =	simm.s32 @!p1 $0x1082;
	[sflag:s4] =	ssyncset.s32 $0xFFFFF086  }
0x25: {  	[simem:s6], [sflag:s4] =	dma.local [hbm:s3], $0xF7A  }
0x26: {  	[smem:$0x3F9D] =	sst s1;
	(tag) =	ssettag s2;
	_ =	strace s9  }
0x27: {  	s1 =	sld [smem:$0x3FAD]  }
0x28: {  	s2 =	sld [smem:$0x3FAE]  }
0x29: {  	s4 =	sld [smem:$0x3FB0]  }
0x2a: {  	p0 =	seq.s32 s5, $0x0;
	s5 =	sld [smem:$0x3FB1]  }
0x2b: {  	s6 =	sld [smem:$0x3FB2]  }
0x2c: {  	s7 =	sld [smem:$0x3FB3]  }
0x2d: {  	s3 =	simm.s32 $0x108;
	s8 =	sld [smem:$0x3FB4]  }
0x2e: {  	s3 =	simm.s32 @!p0 $0x1082;
	s9 =	sld [smem:$0x3FB5]  }
0x2f: {  	lr =	sadd.s32 s0, s3;
	s0 =	sld [smem:$0x3FAC]  }
0x30: {  	s3 =	sld [smem:$0x3FAF]  }
0x31: {  	[smem:$0x3FB8] =	sst s10  }
0x32: {  	s10 =	sld [smem:$0x3FB6];
	_ =	sdelay $0x3  }
0x33: {  	p0 =	seq.s32 s10, $0x1;
	s10 =	sld [smem:$0x3FB8];
	_ =	sdelay $0x3  }
0x34: {  	[smem:$0x3FB8] =	sst s10  }
0x35: {  	s10 =	sld [smem:$0x3FB7];
	_ =	sdelay $0x3  }
0x36: {  	p1 =	seq.s32 s10, $0x1;
	s10 =	sld [smem:$0x3FB8];
	_ =	sdelay $0x3  }
0x37: {  	[smem:$0x3FB8] =	sst s10  }
0x38: {  	s10 =	sld [smem:$0x3FB9]  }
0x39: {  	_ = 	snop;
	(pc) =	sbr.ind lr, $3  }
0x3a: {  	_ = 	snop  }
0x3b: {  	_ = 	snop  }
0x3c: {  	p2 =	seq.s32 s10, $0x1;
	s10 =	sld [smem:$0x3FB8]  }
0x3d: {  	_ =	shalt  }
0x3e: {  	_ =	shalt  }
0x3f: {  	_ =	shalt  }
0x40: {  	_ =	shalt  }
0x41: {  	_ =	shalt  }
0x42: {  	_ =	shalt  }
0x43: {  	_ =	shalt  }
0x44: {  	_ =	shalt  }
0x45: {  	_ =	shalt  }
0x46: {  	_ =	shalt  }
0x47: {  	_ =	shalt  }
0x48: {  	_ =	shalt  }
0x49: {  	_ =	shalt  }
0x4a: {  	_ =	shalt  }
0x4b: {  	_ =	shalt  }
0x4c: {  	_ =	shalt  }
0x4d: {  	_ =	shalt  }
0x4e: {  	_ =	shalt  }
0x4f: {  	_ =	shalt  }
0x50: {  	_ =	shalt  }
0x51: {  	_ =	shalt  }
0x52: {  	_ =	shalt  }
0x53: {  	_ =	shalt  }
0x54: {  	_ =	shalt  }
0x55: {  	_ =	shalt  }
0x56: {  	_ =	shalt  }
0x57: {  	_ =	shalt  }
0x58: {  	_ =	shalt  }
0x59: {  	_ =	shalt  }
0x5a: {  	_ =	shalt  }
0x5b: {  	_ =	shalt  }
0x5c: {  	_ =	shalt  }
0x5d: {  	_ =	shalt  }
0x5e: {  	_ =	shalt  }
0x5f: {  	_ =	shalt  }
0x60: {  	_ =	shalt  }
0x61: {  	_ =	shalt  }
0x62: {  	_ =	shalt  }
0x63: {  	_ =	shalt  }
0x64: {  	_ =	shalt  }
0x65: {  	_ =	shalt  }
0x66: {  	_ =	shalt  }
0x67: {  	_ =	shalt  }
0x68: {  	_ =	shalt  }
0x69: {  	_ =	shalt  }
0x6a: {  	_ =	shalt  }
0x6b: {  	_ =	shalt  }
0x6c: {  	_ =	shalt  }
0x6d: {  	_ =	shalt  }
0x6e: {  	_ =	shalt  }
0x6f: {  	_ =	shalt  }
0x70: {  	_ =	shalt  }
0x71: {  	_ =	shalt  }
0x72: {  	_ =	shalt  }
0x73: {  	_ =	shalt  }
0x74: {  	_ =	shalt  }
0x75: {  	_ =	shalt  }
0x76: {  	_ =	shalt  }
0x77: {  	_ =	shalt  }
0x78: {  	_ =	shalt  }
0x79: {  	_ =	shalt  }
0x7a: {  	_ =	shalt  }
0x7b: {  	_ =	shalt  }
0x7c: {  	_ =	shalt  }
0x7d: {  	_ =	shalt  }
0x7e: {  	_ =	shalt  }
0x7f: {  	_ =	shalt  }
0x80: {  	_ =	shalt  }
0x81: {  	_ =	shalt  }
0x82: {  	_ =	shalt  }
0x83: {  	_ =	shalt  }
0x84: {  	_ =	shalt  }
0x85: {  	_ =	shalt  }
0x86: {  	_ =	shalt  }
0x87: {  	_ =	shalt  }
.Lfunc_end0:
.L_simem_size_0:
called_computation_lowered:
.L_overlay_start_0:
0x88: {  	s2 =	sld [smem:$0x3FD9]  }
0x89: {  	s3 =	sld [smem:$0x3FFE];
	_ =	sdelay $0x1  }
0x8a: {  	s1 =	srdreg.scid  }
0x8b: {  	s0 =	sand.u32 $0x1, s1  }
0x8c: {  	s16 =	sshll.u32 s0, $0xA;
	s2 =	sadd.s32 s3, s2  }
0x8d: {  	s2 =	sadd.s32 s2, s16  }
0x8e: {  	[smem:$0x3FC4] =	sst s2  }
0x8f: {  	_ = 	snop  }
0x90: {  	(tm) =	ssettm $0x1  }
0x91: {  	s17 =	sld [smem:$0x3FFB];
	_ =	sdelay $0x3  }
0x92: {  	_ =	strace s17  }
0x93: {  	s2 =	sld [smem:$0x3FFC];
	_ =	sdelay $0x3  }
0x94: {  	_ =	strace s2  }
0x95: {  	s2 =	sld [smem:$0x3FFD];
	_ =	sdelay $0x3  }
0x96: {  	_ =	strace s2  }
0x97: {  	_ =	strace $0x8FFFFFFF  }
0x98: {  	s18 =	sld [smem:$0x3FDB];
	_ =	sdelay $0x1  }
0x99: {  	s19 =	simm.s32 $_scs_section_size  }
0x9a: {  	s4 =	simm.s32 $_size__tile_overlayer_lowered;
	s5 =	simm.s32 $_tile_overlayer_lowered  }
0x9b: {  	s22 =	simm.s32 $0x1BFF;
	s21 =	sshll.u32 s5, $0x1;
	s2 =	sadd.s32 s19, s18  }
0x9c: {  	s6 =	simm.s32 $0x0;
	s20 =	sshll.u32 s4, $0x1;
	s4 =	sadd.s32 s21, s2  }
0x9d: {  	[timem:s6], [sflag:s22] =	dma.local [hbm:s4], s20  }
0x9e: {  	_ =	swait.ge [sflag:s22], s20  }
0x9f: {  	s3 =	ssub.s32 $0x0, s20;
	[sflag:s22] =	ssyncset.done $0x0  }
0xa0: {  	[sflag:s22] =	ssyncadd.s32 s3;
	_ =	sdelay $0x1  }
0xa1: {  	s23 =	simm.s32 $0x1B8B  }
0xa2: {  	_ =	swait.ge [sflag:s23], $0x1  }
0xa3: {  	[sflag:s23] =	ssyncset.done $0x0  }
0xa4: {  	s25 =	simm.s32 $0x1B8E;
	s24 =	sld [smem:$0x3FFE];
	[sflag:s23] =	ssyncadd.s32 $0xFFFFFFFF  }
0xa5: {  	s26 =	simm.s32 $execute0_lowered;
	[smem:$0x3FD2] =	sst s25  }
0xa6: {  	s4 =	sshll.u32 s26, $0x1;
	_ =	strace $0x80000046;
	[dreg:$0x1] =	wrdreg $0xFFFFFFFF  }
0xa7: {  	s28 =	simm.s32 $_size_execute0_lowered;
	s2 =	sadd.s32 s2, s4;
	[dreg:$0x0] =	wrdreg $0x0  }
0xa8: {  	s4 =	sshll.u32 s28, $0x1;
	[dreg:$0x2] =	wrdreg s2  }
0xa9: {  	[dreg:$0x3] =	wrdreg s4  }
0xaa: {  	[dreg:$0x4] =	wrdreg $0xC0  }
0xab: {  	_ =	task [dreg:s6], $0x5FFFF  }
0xac: {  	[dreg:$0x1] =	wrdreg $0xFFFFFFFF  }
0xad: {  	[dreg:$0x0] =	wrdreg $0x60  }
0xae: {  	[dreg:$0x2] =	wrdreg s24  }
0xaf: {  	[dreg:$0x3] =	wrdreg $0x9  }
0xb0: {  	_ =	task.clear_ibuf [dreg:s6], $0x4FFFF;
	_ =	strace $0x90000046  }
0xb1: {  	s29 =	simm.s32 $0x9;
	_ =	strace $0x80000048  }
0xb2: {  	_ =	swait.ge [sflag:s29], $0x1  }
0xb3: {  	[sflag:s29] =	ssyncadd.s32 $0xFFFFFFFF  }
0xb4: {  	_ =	strace $0x90000048  }
0xb5: {  	_ =	sfence  }
0xb6: {  	s30 =	sld [smem:$0x0];
	_ =	sdelay $0x2  }
0xb7: {  	s31 =	sshll.u32 s1, $0xD;
	s1 =	sshrl.u32 s1, $0x2  }
0xb8: {  	s3 =	sand.u32 $0x4000, s31;
	s1 =	sadd.s32 s1, s30  }
0xb9: {  	s0 =	sor.u32 s3, s0;
	s1 =	sshll.u32 s1, $0x11  }
0xba: {  	s0 =	sor.u32 s1, s0  }
0xbb: {  	s0 =	sadd.s32 $0x8F2B, s0  }
0xbc: {  	[sflag:s0] =	ssyncadd.remote.s32 $0x1  }
0xbd: {  	_ =	sfence.sel $0xFFFF  }
0xbe: {  	[dreg:$0x0] =	wrdreg $0xFFFFFFFF;
	(pc) =	sbr.abs _section_cstart, $3  }
0xbf: {  	[dreg:$0x1] =	wrdreg $0xFFFFFFFF  }
0xc0: {  	_ =	task.clear_ibuf [dreg:s6], $0x2FFFF;
	_ =	strace $0x9FFFFFFF  }
0xc1: {  	(tm) =	ssettm $0x7FFFFFFF  }
tec
execute0_lowered:
.L_overlay_start_1:
0x0: {  	(tag) =	ssettag $0x1  }
0x1: {  	s0 =	rddreg [dreg:$0x0]  }
0x2: {  	s1 =	srdreg.scid;
	s3 =	stileid.u32;
	s2 =	simm.s32 $0x0  }
0x3: {  	s8 =	simm.s32 $0x3;
	s9 =	simm.s32 $0x4000;
	s10 =	simm.s32 $0x80  }
0x4: {  	s12 =	simm.s32 $0x48;
	s25 =	simm.s32 $0xE400;
	s28 =	simm.s32 $0xFD00  }
0x5: {  	s29 =	simm.s32 $0x10D00;
	s30 =	simm.s32 $0x11600;
	s31 =	simm.s32 $0x12600  }
0x6: {  	s11 =	simm.s32 $0x1;
	s13 =	simm.s32 $0x2;
	s1 =	sand.u32 $0x1, s1  }
0x7: {  	s15 =	simm.s32 $0x0;
	s3 =	sshll.u32 s3, $0x8;
	s4 =	sshll.u32 s1, $0x7  }
0x8: {  	[smem:$0x7FF] =	sst s2;
	s1 =	ssub.s32 $0x2, s1;
	s3 =	sor.u32 s4, s3  }
0x9: {  	_ =	strace $0x80000047;
	s6 =	sshrl.u32 s1, $0x1;
	s4 =	sshll.u32 s3, $0x4  }
0xa: {  	s26 =	sshll.u32 s3, $0x2;
	s3 =	sadd.s32 $0x41200, s0;
	s1 =	ssub.s32 s1, s6  }
0xb: {  	s5 =	sadd.s32 s4, s0;
	s0 =	sadd.s32 s26, s0;
	s7 =	smax.u32 s1, $0x1  }
0xc: {  	s26 =	simm.s32 $0xF400;
	s1 =	simm.s32 $0x13F00;
	s4 =	sadd.s32 $0x21200, s5  }
0xd: {  	s5 =	sadd.s32 $0x31200, s5;
	s6 =	sadd.s32 $0x421200, s0;
	s0 =	simm.s32 $0x12F00  }
.LBB2_1:
0xe: {  	[tilespmem:s2], [sflag:$0x3] =	stream.linear.gather [hbm4b:s4+s2], $0x4000, $0x38;
	[tilespmem:$0x15800] =	vst v63  }
0xf: {  	_ =	swait.ge [sflag:s8], $0x4000  }
0x10: {  	[sflag:s8] =	ssyncset.done $0x0  }
0x11: {  	[sflag:s8] =	ssyncadd.s32 $0xFFFFC000  }
0x12: {  	[tilespmem:s9], [sflag:$0x3] =	stream.linear.gather [hbm4b:s5+s2], $0x4000, $0x38;
	[tilespmem:$0x15800] =	vst v63  }
0x13: {  	_ =	swait.ge [sflag:s8], $0x4000  }
0x14: {  	[sflag:s8] =	ssyncset.done $0x0  }
0x15: {  	s14 =	simm.s32 $0x8000;
	[sflag:s8] =	ssyncadd.s32 $0xFFFFC000  }
0x16: {  	[tilespmem:s14], [sflag:$0x1] =	stream.indirect.gather [hbm4b:s3+s10], $0x20, s2, s10, $0xb8;
	[tilespmem:$0x15800] =	vst v63  }
0x17: {  	s22 =	simm.s32 $0x9000  }
0x18: {  	[tilespmem:s22], [sflag:$0x1] =	stream.indirect.gather [hbm4b:s3+s12], $0x20, s9, s12, $0xb8;
	[tilespmem:$0x15800] =	vst v63  }
0x19: {  	s23 =	simm.s32 $0x9900  }
0x1a: {  	[tilespmem:s23], [sflag:$0x1] =	stream.indirect.gather [hbm4b:s3+s10], $0x20, s10, s10, $0xb8;
	[tilespmem:$0x15800] =	vst v63  }
0x1b: {  	s24 =	simm.s32 $0x4080;
	s16 =	simm.s32 $0xA900  }
0x1c: {  	[tilespmem:s16], [sflag:$0x1] =	stream.indirect.gather [hbm4b:s3+s12], $0x20, s24, s12, $0xb8;
	[tilespmem:$0x15800] =	vst v63  }
0x1d: {  	s17 =	simm.s32 $0x100;
	s18 =	simm.s32 $0xB200  }
0x1e: {  	[tilespmem:s18], [sflag:$0x1] =	stream.indirect.gather [hbm4b:s3+s10], $0x20, s17, s10, $0xb8;
	[tilespmem:$0x15800] =	vst v63  }
0x1f: {  	s19 =	simm.s32 $0x4100;
	s20 =	simm.s32 $0xC200  }
0x20: {  	[tilespmem:s20], [sflag:$0x1] =	stream.indirect.gather [hbm4b:s3+s12], $0x20, s19, s12, $0xb8;
	[tilespmem:$0x15800] =	vst v63  }
0x21: {  	s21 =	simm.s32 $0x180;
	s22 =	simm.s32 $0xCB00  }
0x22: {  	[tilespmem:s22], [sflag:$0x1] =	stream.indirect.gather [hbm4b:s3+s10], $0x20, s21, s10, $0xb8;
	[tilespmem:$0x15800] =	vst v63  }
0x23: {  	s23 =	simm.s32 $0x4180;
	s24 =	simm.s32 $0xDB00;
	s16 =	simm.s32 $0x0  }
0x24: {  	[tilespmem:s24], [sflag:$0x1] =	stream.indirect.gather [hbm4b:s3+s12], $0x20, s23, s12, $0xb8;
	[tilespmem:$0x15800] =	vst v63  }
.LBB2_2:
0x25: {  	s21 =	sshll.u32 s16, $0xA  }
0x26: {  	s20 =	sor.u32 $0x200, s21  }
0x27: {  	[tilespmem:s25], [sflag:$0x2] =	stream.indirect.gather [hbm4b:s3+s10], $0x20, s20, s10, $0xb8;
	[tilespmem:$0x15800] =	vst v63  }
0x28: {  	s17 =	sadd.s32 $0x4200, s21  }
0x29: {  	[tilespmem:s26], [sflag:$0x2] =	stream.indirect.gather [hbm4b:s3+s12], $0x20, s17, s12, $0xb8;
	[tilespmem:$0x15800] =	vst v63  }
0x2a: {  	s19 =	sor.u32 $0x280, s21  }
0x2b: {  	[tilespmem:s28], [sflag:$0x2] =	stream.indirect.gather [hbm4b:s3+s10], $0x20, s19, s10, $0xb8;
	[tilespmem:$0x15800] =	vst v63  }
0x2c: {  	s23 =	sadd.s32 $0x4280, s21  }
0x2d: {  	[tilespmem:s29], [sflag:$0x2] =	stream.indirect.gather [hbm4b:s3+s12], $0x20, s23, s12, $0xb8;
	[tilespmem:$0x15800] =	vst v63  }
0x2e: {  	s18 =	sor.u32 $0x300, s21  }
0x2f: {  	[tilespmem:s30], [sflag:$0x2] =	stream.indirect.gather [hbm4b:s3+s10], $0x20, s18, s10, $0xb8;
	[tilespmem:$0x15800] =	vst v63  }
0x30: {  	s24 =	sadd.s32 $0x4300, s21  }
0x31: {  	[tilespmem:s31], [sflag:$0x2] =	stream.indirect.gather [hbm4b:s3+s12], $0x20, s24, s12, $0xb8;
	[tilespmem:$0x15800] =	vst v63  }
0x32: {  	s17 =	sor.u32 $0x380, s21  }
0x33: {  	[tilespmem:s0], [sflag:$0x2] =	stream.indirect.gather [hbm4b:s3+s10], $0x20, s17, s10, $0xb8;
	[tilespmem:$0x15800] =	vst v63  }
0x34: {  	s22 =	sadd.s32 $0x4380, s21  }
0x35: {  	[tilespmem:s1], [sflag:$0x2] =	stream.indirect.gather [hbm4b:s3+s12], $0x20, s22, s12, $0xb8;
	[tilespmem:$0x15800] =	vst v63  }
0x36: {  	_ =	swait.ge [sflag:s11], $0x1000  }
0x37: {  	[sflag:s11] =	ssyncset.done $0x0  }
0x38: {  	[sflag:s11] =	ssyncadd.s32 $0xFFFFF000  }
0x39: {  	_ =	swait.ge [sflag:s11], $0x900  }
0x3a: {  	[sflag:s11] =	ssyncset.done $0x0  }
0x3b: {  	[sflag:s11] =	ssyncadd.s32 $0xFFFFF700  }
0x3c: {  	_ =	swait.ge [sflag:s11], $0x1000  }
0x3d: {  	[sflag:s11] =	ssyncset.done $0x0  }
0x3e: {  	[sflag:s11] =	ssyncadd.s32 $0xFFFFF000  }
0x3f: {  	_ =	swait.ge [sflag:s11], $0x900  }
0x40: {  	[sflag:s11] =	ssyncset.done $0x0  }
0x41: {  	[sflag:s11] =	ssyncadd.s32 $0xFFFFF700  }
0x42: {  	_ =	swait.ge [sflag:s11], $0x1000  }
0x43: {  	[sflag:s11] =	ssyncset.done $0x0  }
0x44: {  	[sflag:s11] =	ssyncadd.s32 $0xFFFFF000  }
0x45: {  	_ =	swait.ge [sflag:s11], $0x900  }
0x46: {  	[sflag:s11] =	ssyncset.done $0x0  }
0x47: {  	[sflag:s11] =	ssyncadd.s32 $0xFFFFF700  }
0x48: {  	_ =	swait.ge [sflag:s11], $0x1000  }
0x49: {  	[sflag:s11] =	ssyncset.done $0x0  }
0x4a: {  	[sflag:s11] =	ssyncadd.s32 $0xFFFFF000  }
0x4b: {  	_ =	swait.ge [sflag:s11], $0x900  }
0x4c: {  	[sflag:s11] =	ssyncset.done $0x0  }
0x4d: {  	s22 =	simm.s32 $0x0;
	[sflag:s11] =	ssyncadd.s32 $0xFFFFF700  }
0x4e: {  	v2 =	vld [tilespmem:s22+$0x8080]  }
0x4f: {  	v4 =	vld [tilespmem:s22+$0x8090]  }
0x50: {  	v3 =	vld [tilespmem:s22+$0x80A0]  }
0x51: {  	v5 =	vld [tilespmem:s22+$0x80B0]  }
0x52: {  	v0 =	vld [tilespmem:s22+$0x80C0]  }
0x53: {  	v1 =	vld [tilespmem:s22+$0x80D0]  }
0x54: {  	v18 =	vld [tilespmem:s22+$0x8000]  }
0x55: {  	v20 =	vld [tilespmem:s22+$0x8010]  }
0x56: {  	v17 =	vld [tilespmem:s22+$0x8020]  }
0x57: {  	v19 =	vld [tilespmem:s22+$0x8030]  }
0x58: {  	v10 =	vimm.f32 $0.0e+00;
	v11 =	vimm.f32 $0.0e+00;
	v14 =	vld [tilespmem:s22+$0x8040]  }
0x59: {  	v12 =	vimm.f32 $0.0e+00;
	v13 =	vimm.f32 $0.0e+00;
	v6 =	vimm.f32 $0.0e+00;
	v15 =	vld [tilespmem:s22+$0x8050]  }
0x5a: {  	v7 =	vimm.f32 $0.0e+00;
	v9 =	vimm.f32 $0.0e+00;
	v8 =	vimm.f32 $0.0e+00;
	s23 =	simm.s32 $0x400;
	v16 =	vld [tilespmem:s22+$0x8060]  }
.LBB2_3:
0x5b: {  	p0 =	sne.s32 s23, $0x6000;
	v10 =	vadd.f32 v18, v10;
	v11 =	vadd.f32 v20, v11;
	v18 =	vld [tilespmem:s22+$0x8070]  }
0x5c: {  	v12 =	vadd.f32 v17, v12;
	v13 =	vadd.f32 v19, v13;
	v17 =	vld [tilespmem:s22+$0x80E0]  }
0x5d: {  	v10 =	vadd.f32 v2, v10;
	v11 =	vadd.f32 v4, v11;
	v19 =	vld [tilespmem:s22+$0x80F0];
	s22 =	sshra.s32 s23, $0x2  }
0x5e: {  	v12 =	vadd.f32 v3, v12;
	v2 =	vld [tilespmem:s22+$0x8080];
	v13 =	vadd.f32 v5, v13  }
0x5f: {  	v6 =	vadd.f32 v14, v6;
	v7 =	vadd.f32 v15, v7;
	v4 =	vld [tilespmem:s22+$0x8090]  }
0x60: {  	v9 =	vadd.f32 v16, v9;
	v3 =	vld [tilespmem:s22+$0x80A0];
	v8 =	vadd.f32 v18, v8  }
0x61: {  	v6 =	vadd.f32 v0, v6;
	v7 =	vadd.f32 v1, v7;
	v5 =	vld [tilespmem:s22+$0x80B0]  }
0x62: {  	v9 =	vadd.f32 v17, v9;
	v0 =	vld [tilespmem:s22+$0x80C0];
	v8 =	vadd.f32 v19, v8  }
0x63: {  	v1 =	vld [tilespmem:s22+$0x80D0]  }
0x64: {  	v18 =	vld [tilespmem:s22+$0x8000]  }
0x65: {  	v20 =	vld [tilespmem:s22+$0x8010]  }
.Ltmp0:
0x66: {  	v17 =	vld [tilespmem:s22+$0x8020];
	(pc) =	sbr.rel @p0 .LBB2_3-.Ltmp0, $4  }
0x67: {  	v19 =	vld [tilespmem:s22+$0x8030]  }
0x68: {  	v14 =	vld [tilespmem:s22+$0x8040]  }
0x69: {  	v15 =	vld [tilespmem:s22+$0x8050]  }
0x6a: {  	s23 =	sadd.s32 $0x400, s23;
	v16 =	vld [tilespmem:s22+$0x8060]  }
0x6b: {  	v10 =	vadd.f32 v18, v10;
	v11 =	vadd.f32 v20, v11;
	v18 =	vld [tilespmem:s22+$0x8070]  }
0x6c: {  	v12 =	vadd.f32 v17, v12;
	v17 =	vld [tilespmem:s22+$0x80E0];
	v13 =	vadd.f32 v19, v13  }
0x6d: {  	v2 =	vadd.f32 v2, v10;
	v4 =	vadd.f32 v4, v11;
	v10 =	vld [tilespmem:s22+$0x80F0]  }
0x6e: {  	v3 =	vadd.f32 v3, v12;
	v6 =	vadd.f32 v14, v6  }
0x6f: {  	v5 =	vadd.f32 v5, v13;
	v9 =	vadd.f32 v16, v9  }
0x70: {  	v7 =	vadd.f32 v15, v7;
	v8 =	vadd.f32 v18, v8  }
0x71: {  	v0 =	vadd.f32 v0, v6;
	v6 =	vadd.f32 v17, v9  }
0x72: {  	v1 =	vadd.f32 v1, v7;
	v7 =	vadd.f32 v10, v8  }
0x73: {  	v2 =	vadd.f32 v3, v2;
	v0 =	vadd.f32 v6, v0  }
0x74: {  	v3 =	vadd.f32 v5, v4;
	v1 =	vadd.f32 v7, v1  }
0x75: {  	v0 =	vadd.f32 v0, v2  }
0x76: {  	s22 =	sshra.s32 s21, $0x2;
	v1 =	vadd.f32 v1, v3  }
0x77: {  	[tilespmem:s22+$0x14800] =	vst v0  }
0x78: {  	s23 =	simm.s32 $0x0;
	[tilespmem:s22+$0x14810] =	vst v1  }
0x79: {  	v2 =	vld [tilespmem:s23+$0x9980]  }
0x7a: {  	v4 =	vld [tilespmem:s23+$0x9990]  }
0x7b: {  	v3 =	vld [tilespmem:s23+$0x99A0]  }
0x7c: {  	v5 =	vld [tilespmem:s23+$0x99B0]  }
0x7d: {  	v0 =	vld [tilespmem:s23+$0x99C0]  }
0x7e: {  	v1 =	vld [tilespmem:s23+$0x99D0]  }
0x7f: {  	v18 =	vld [tilespmem:s23+$0x9900]  }
0x80: {  	v20 =	vld [tilespmem:s23+$0x9910]  }
0x81: {  	v17 =	vld [tilespmem:s23+$0x9920]  }
0x82: {  	v19 =	vld [tilespmem:s23+$0x9930]  }
0x83: {  	v11 =	vimm.f32 $0.0e+00;
	v12 =	vimm.f32 $0.0e+00;
	v14 =	vld [tilespmem:s23+$0x9940]  }
0x84: {  	v13 =	vimm.f32 $0.0e+00;
	v9 =	vimm.f32 $0.0e+00;
	v10 =	vimm.f32 $0.0e+00;
	v15 =	vld [tilespmem:s23+$0x9950]  }
0x85: {  	s24 =	simm.s32 $0x400;
	v8 =	vimm.f32 $0.0e+00;
	v6 =	vimm.f32 $0.0e+00;
	v7 =	vimm.f32 $0.0e+00;
	v16 =	vld [tilespmem:s23+$0x9960]  }
.LBB2_5:
0x86: {  	p0 =	sne.s32 s24, $0x6000;
	v10 =	vadd.f32 v18, v10;
	v11 =	vadd.f32 v20, v11;
	v18 =	vld [tilespmem:s23+$0x9970]  }
0x87: {  	v12 =	vadd.f32 v17, v12;
	v13 =	vadd.f32 v19, v13;
	v17 =	vld [tilespmem:s23+$0x99E0]  }
0x88: {  	v10 =	vadd.f32 v2, v10;
	v11 =	vadd.f32 v4, v11;
	v19 =	vld [tilespmem:s23+$0x99F0];
	s23 =	sshra.s32 s24, $0x2  }
0x89: {  	v12 =	vadd.f32 v3, v12;
	v2 =	vld [tilespmem:s23+$0x9980];
	v13 =	vadd.f32 v5, v13  }
0x8a: {  	v6 =	vadd.f32 v14, v6;
	v7 =	vadd.f32 v15, v7;
	v4 =	vld [tilespmem:s23+$0x9990]  }
0x8b: {  	v9 =	vadd.f32 v16, v9;
	v3 =	vld [tilespmem:s23+$0x99A0];
	v8 =	vadd.f32 v18, v8  }
0x8c: {  	v6 =	vadd.f32 v0, v6;
	v7 =	vadd.f32 v1, v7;
	v5 =	vld [tilespmem:s23+$0x99B0]  }
0x8d: {  	v9 =	vadd.f32 v17, v9;
	v0 =	vld [tilespmem:s23+$0x99C0];
	v8 =	vadd.f32 v19, v8  }
0x8e: {  	v1 =	vld [tilespmem:s23+$0x99D0]  }
0x8f: {  	v18 =	vld [tilespmem:s23+$0x9900]  }
0x90: {  	v20 =	vld [tilespmem:s23+$0x9910]  }
.Ltmp1:
0x91: {  	v17 =	vld [tilespmem:s23+$0x9920];
	(pc) =	sbr.rel @p0 .LBB2_5-.Ltmp1, $4  }
0x92: {  	v19 =	vld [tilespmem:s23+$0x9930]  }
0x93: {  	v14 =	vld [tilespmem:s23+$0x9940]  }
0x94: {  	v15 =	vld [tilespmem:s23+$0x9950]  }
0x95: {  	s24 =	sadd.s32 $0x400, s24;
	v16 =	vld [tilespmem:s23+$0x9960]  }
0x96: {  	v10 =	vadd.f32 v18, v10;
	v11 =	vadd.f32 v20, v11;
	v18 =	vld [tilespmem:s23+$0x9970]  }
0x97: {  	v12 =	vadd.f32 v17, v12;
	v17 =	vld [tilespmem:s23+$0x99E0];
	v13 =	vadd.f32 v19, v13  }
0x98: {  	v2 =	vadd.f32 v2, v10;
	v4 =	vadd.f32 v4, v11;
	v10 =	vld [tilespmem:s23+$0x99F0]  }
0x99: {  	v3 =	vadd.f32 v3, v12;
	v6 =	vadd.f32 v14, v6  }
0x9a: {  	v5 =	vadd.f32 v5, v13;
	v9 =	vadd.f32 v16, v9  }
0x9b: {  	v7 =	vadd.f32 v15, v7;
	v8 =	vadd.f32 v18, v8  }
0x9c: {  	v0 =	vadd.f32 v0, v6;
	v6 =	vadd.f32 v17, v9  }
0x9d: {  	v1 =	vadd.f32 v1, v7;
	v7 =	vadd.f32 v10, v8  }
0x9e: {  	v2 =	vadd.f32 v3, v2;
	v0 =	vadd.f32 v6, v0  }
0x9f: {  	v3 =	vadd.f32 v5, v4;
	v1 =	vadd.f32 v7, v1  }
0xa0: {  	v0 =	vadd.f32 v0, v2  }
0xa1: {  	v1 =	vadd.f32 v1, v3  }
0xa2: {  	[tilespmem:s22+$0x14820] =	vst v0  }
0xa3: {  	s23 =	simm.s32 $0x0;
	[tilespmem:s22+$0x14830] =	vst v1  }
0xa4: {  	v2 =	vld [tilespmem:s23+$0xB280]  }
0xa5: {  	v4 =	vld [tilespmem:s23+$0xB290]  }
0xa6: {  	v3 =	vld [tilespmem:s23+$0xB2A0]  }
0xa7: {  	v5 =	vld [tilespmem:s23+$0xB2B0]  }
0xa8: {  	v0 =	vld [tilespmem:s23+$0xB2C0]  }
0xa9: {  	v1 =	vld [tilespmem:s23+$0xB2D0]  }
0xaa: {  	v18 =	vld [tilespmem:s23+$0xB200]  }
0xab: {  	v20 =	vld [tilespmem:s23+$0xB210]  }
0xac: {  	v17 =	vld [tilespmem:s23+$0xB220]  }
0xad: {  	v19 =	vld [tilespmem:s23+$0xB230]  }
0xae: {  	v11 =	vimm.f32 $0.0e+00;
	v12 =	vimm.f32 $0.0e+00;
	v14 =	vld [tilespmem:s23+$0xB240]  }
0xaf: {  	v13 =	vimm.f32 $0.0e+00;
	v9 =	vimm.f32 $0.0e+00;
	v10 =	vimm.f32 $0.0e+00;
	v15 =	vld [tilespmem:s23+$0xB250]  }
0xb0: {  	s24 =	simm.s32 $0x400;
	v8 =	vimm.f32 $0.0e+00;
	v6 =	vimm.f32 $0.0e+00;
	v7 =	vimm.f32 $0.0e+00;
	v16 =	vld [tilespmem:s23+$0xB260]  }
.LBB2_7:
0xb1: {  	p0 =	sne.s32 s24, $0x6000;
	v10 =	vadd.f32 v18, v10;
	v11 =	vadd.f32 v20, v11;
	v18 =	vld [tilespmem:s23+$0xB270]  }
0xb2: {  	v12 =	vadd.f32 v17, v12;
	v13 =	vadd.f32 v19, v13;
	v17 =	vld [tilespmem:s23+$0xB2E0]  }
0xb3: {  	v10 =	vadd.f32 v2, v10;
	v11 =	vadd.f32 v4, v11;
	v19 =	vld [tilespmem:s23+$0xB2F0];
	s23 =	sshra.s32 s24, $0x2  }
0xb4: {  	v12 =	vadd.f32 v3, v12;
	v2 =	vld [tilespmem:s23+$0xB280];
	v13 =	vadd.f32 v5, v13  }
0xb5: {  	v6 =	vadd.f32 v14, v6;
	v7 =	vadd.f32 v15, v7;
	v4 =	vld [tilespmem:s23+$0xB290]  }
0xb6: {  	v9 =	vadd.f32 v16, v9;
	v3 =	vld [tilespmem:s23+$0xB2A0];
	v8 =	vadd.f32 v18, v8  }
0xb7: {  	v6 =	vadd.f32 v0, v6;
	v7 =	vadd.f32 v1, v7;
	v5 =	vld [tilespmem:s23+$0xB2B0]  }
0xb8: {  	v9 =	vadd.f32 v17, v9;
	v0 =	vld [tilespmem:s23+$0xB2C0];
	v8 =	vadd.f32 v19, v8  }
0xb9: {  	v1 =	vld [tilespmem:s23+$0xB2D0]  }
0xba: {  	v18 =	vld [tilespmem:s23+$0xB200]  }
0xbb: {  	v20 =	vld [tilespmem:s23+$0xB210]  }
.Ltmp2:
0xbc: {  	v17 =	vld [tilespmem:s23+$0xB220];
	(pc) =	sbr.rel @p0 .LBB2_7-.Ltmp2, $4  }
0xbd: {  	v19 =	vld [tilespmem:s23+$0xB230]  }
0xbe: {  	v14 =	vld [tilespmem:s23+$0xB240]  }
0xbf: {  	v15 =	vld [tilespmem:s23+$0xB250]  }
0xc0: {  	s24 =	sadd.s32 $0x400, s24;
	v16 =	vld [tilespmem:s23+$0xB260]  }
0xc1: {  	v10 =	vadd.f32 v18, v10;
	v11 =	vadd.f32 v20, v11;
	v18 =	vld [tilespmem:s23+$0xB270]  }
0xc2: {  	v12 =	vadd.f32 v17, v12;
	v17 =	vld [tilespmem:s23+$0xB2E0];
	v13 =	vadd.f32 v19, v13  }
0xc3: {  	v2 =	vadd.f32 v2, v10;
	v4 =	vadd.f32 v4, v11;
	v10 =	vld [tilespmem:s23+$0xB2F0]  }
0xc4: {  	v3 =	vadd.f32 v3, v12;
	v6 =	vadd.f32 v14, v6  }
0xc5: {  	v5 =	vadd.f32 v5, v13;
	v9 =	vadd.f32 v16, v9  }
0xc6: {  	v7 =	vadd.f32 v15, v7;
	v8 =	vadd.f32 v18, v8  }
0xc7: {  	v0 =	vadd.f32 v0, v6;
	v6 =	vadd.f32 v17, v9  }
0xc8: {  	v1 =	vadd.f32 v1, v7;
	v7 =	vadd.f32 v10, v8  }
0xc9: {  	v2 =	vadd.f32 v3, v2;
	v0 =	vadd.f32 v6, v0  }
0xca: {  	v3 =	vadd.f32 v5, v4;
	v1 =	vadd.f32 v7, v1  }
0xcb: {  	v0 =	vadd.f32 v0, v2  }
0xcc: {  	v1 =	vadd.f32 v1, v3  }
0xcd: {  	[tilespmem:s22+$0x14840] =	vst v0  }
0xce: {  	s23 =	simm.s32 $0x0;
	[tilespmem:s22+$0x14850] =	vst v1  }
0xcf: {  	v2 =	vld [tilespmem:s23+$0xCB80]  }
0xd0: {  	v4 =	vld [tilespmem:s23+$0xCB90]  }
0xd1: {  	v3 =	vld [tilespmem:s23+$0xCBA0]  }
0xd2: {  	v5 =	vld [tilespmem:s23+$0xCBB0]  }
0xd3: {  	v0 =	vld [tilespmem:s23+$0xCBC0]  }
0xd4: {  	v1 =	vld [tilespmem:s23+$0xCBD0]  }
0xd5: {  	v18 =	vld [tilespmem:s23+$0xCB00]  }
0xd6: {  	v20 =	vld [tilespmem:s23+$0xCB10]  }
0xd7: {  	v17 =	vld [tilespmem:s23+$0xCB20]  }
0xd8: {  	v19 =	vld [tilespmem:s23+$0xCB30]  }
0xd9: {  	v11 =	vimm.f32 $0.0e+00;
	v12 =	vimm.f32 $0.0e+00;
	v14 =	vld [tilespmem:s23+$0xCB40]  }
0xda: {  	v13 =	vimm.f32 $0.0e+00;
	v9 =	vimm.f32 $0.0e+00;
	v10 =	vimm.f32 $0.0e+00;
	v15 =	vld [tilespmem:s23+$0xCB50]  }
0xdb: {  	s24 =	simm.s32 $0x400;
	v8 =	vimm.f32 $0.0e+00;
	v6 =	vimm.f32 $0.0e+00;
	v7 =	vimm.f32 $0.0e+00;
	v16 =	vld [tilespmem:s23+$0xCB60]  }
.LBB2_9:
0xdc: {  	p0 =	sne.s32 s24, $0x6000;
	v10 =	vadd.f32 v18, v10;
	v11 =	vadd.f32 v20, v11;
	v18 =	vld [tilespmem:s23+$0xCB70]  }
0xdd: {  	v12 =	vadd.f32 v17, v12;
	v13 =	vadd.f32 v19, v13;
	v17 =	vld [tilespmem:s23+$0xCBE0]  }
0xde: {  	v10 =	vadd.f32 v2, v10;
	v11 =	vadd.f32 v4, v11;
	v19 =	vld [tilespmem:s23+$0xCBF0];
	s23 =	sshra.s32 s24, $0x2  }
0xdf: {  	v12 =	vadd.f32 v3, v12;
	v2 =	vld [tilespmem:s23+$0xCB80];
	v13 =	vadd.f32 v5, v13  }
0xe0: {  	v6 =	vadd.f32 v14, v6;
	v7 =	vadd.f32 v15, v7;
	v4 =	vld [tilespmem:s23+$0xCB90]  }
0xe1: {  	v9 =	vadd.f32 v16, v9;
	v3 =	vld [tilespmem:s23+$0xCBA0];
	v8 =	vadd.f32 v18, v8  }
0xe2: {  	v6 =	vadd.f32 v0, v6;
	v7 =	vadd.f32 v1, v7;
	v5 =	vld [tilespmem:s23+$0xCBB0]  }
0xe3: {  	v9 =	vadd.f32 v17, v9;
	v0 =	vld [tilespmem:s23+$0xCBC0];
	v8 =	vadd.f32 v19, v8  }
0xe4: {  	v1 =	vld [tilespmem:s23+$0xCBD0]  }
0xe5: {  	v18 =	vld [tilespmem:s23+$0xCB00]  }
0xe6: {  	v20 =	vld [tilespmem:s23+$0xCB10]  }
.Ltmp3:
0xe7: {  	v17 =	vld [tilespmem:s23+$0xCB20];
	(pc) =	sbr.rel @p0 .LBB2_9-.Ltmp3, $4  }
0xe8: {  	v19 =	vld [tilespmem:s23+$0xCB30]  }
0xe9: {  	v14 =	vld [tilespmem:s23+$0xCB40]  }
0xea: {  	v15 =	vld [tilespmem:s23+$0xCB50]  }
0xeb: {  	s24 =	sadd.s32 $0x400, s24;
	v16 =	vld [tilespmem:s23+$0xCB60]  }
0xec: {  	v10 =	vadd.f32 v18, v10;
	v11 =	vadd.f32 v20, v11;
	v18 =	vld [tilespmem:s23+$0xCB70]  }
0xed: {  	v12 =	vadd.f32 v17, v12;
	v17 =	vld [tilespmem:s23+$0xCBE0];
	v13 =	vadd.f32 v19, v13  }
0xee: {  	v2 =	vadd.f32 v2, v10;
	v4 =	vadd.f32 v4, v11;
	v10 =	vld [tilespmem:s23+$0xCBF0]  }
0xef: {  	v3 =	vadd.f32 v3, v12;
	v6 =	vadd.f32 v14, v6  }
0xf0: {  	v5 =	vadd.f32 v5, v13;
	v9 =	vadd.f32 v16, v9  }
0xf1: {  	v7 =	vadd.f32 v15, v7;
	v8 =	vadd.f32 v18, v8  }
0xf2: {  	v0 =	vadd.f32 v0, v6;
	v6 =	vadd.f32 v17, v9  }
0xf3: {  	v1 =	vadd.f32 v1, v7;
	v7 =	vadd.f32 v10, v8  }
0xf4: {  	v2 =	vadd.f32 v3, v2;
	v0 =	vadd.f32 v6, v0  }
0xf5: {  	v3 =	vadd.f32 v5, v4;
	v1 =	vadd.f32 v7, v1  }
0xf6: {  	v0 =	vadd.f32 v0, v2  }
0xf7: {  	v1 =	vadd.f32 v1, v3  }
0xf8: {  	p0 =	seq.s32 s16, $0xF;
	[tilespmem:s22+$0x14860] =	vst v0  }
0xf9: {  	s24 =	simm.s32 @!p0 $0x8000;
	s23 =	simm.s32 @!p0 $0x80;
	[tilespmem:s22+$0x14870] =	vst v1;
	s22 =	sadd.s32 @!p0 $0x400, s21  }
0xfa: {  	[tilespmem:s24], [sflag:$0x1] =	stream.indirect.gather @!p0 [hbm4b:s3+s23], $0x20, s22, s23, $0xb8;
	[tilespmem:$0x15800] =	vst v63  }
0xfb: {  	s14 =	simm.s32 @!p0 $0x9000;
	s22 =	sadd.s32 @!p0 $0x4400, s21;
	s24 =	simm.s32 @!p0 $0x48  }
0xfc: {  	[tilespmem:s14], [sflag:$0x1] =	stream.indirect.gather @!p0 [hbm4b:s3+s24], $0x20, s22, s24, $0xb8;
	[tilespmem:$0x15800] =	vst v63  }
0xfd: {  	s14 =	sadd.s32 @!p0 $0x480, s21;
	s22 =	simm.s32 @!p0 $0x9900  }
0xfe: {  	[tilespmem:s22], [sflag:$0x1] =	stream.indirect.gather @!p0 [hbm4b:s3+s23], $0x20, s14, s23, $0xb8;
	[tilespmem:$0x15800] =	vst v63  }
0xff: {  	s14 =	sadd.s32 @!p0 $0x4480, s21;
	s22 =	simm.s32 @!p0 $0xA900  }
0x100: {  	[tilespmem:s22], [sflag:$0x1] =	stream.indirect.gather @!p0 [hbm4b:s3+s24], $0x20, s14, s24, $0xb8;
	[tilespmem:$0x15800] =	vst v63  }
0x101: {  	s14 =	sadd.s32 @!p0 $0x500, s21;
	s22 =	simm.s32 @!p0 $0xB200  }
0x102: {  	[tilespmem:s22], [sflag:$0x1] =	stream.indirect.gather @!p0 [hbm4b:s3+s23], $0x20, s14, s23, $0xb8;
	[tilespmem:$0x15800] =	vst v63  }
0x103: {  	s14 =	sadd.s32 @!p0 $0x4500, s21;
	s22 =	simm.s32 @!p0 $0xC200  }
0x104: {  	[tilespmem:s22], [sflag:$0x1] =	stream.indirect.gather @!p0 [hbm4b:s3+s24], $0x20, s14, s24, $0xb8;
	[tilespmem:$0x15800] =	vst v63  }
0x105: {  	s14 =	sadd.s32 @!p0 $0x580, s21;
	s22 =	simm.s32 @!p0 $0xCB00  }
0x106: {  	[tilespmem:s22], [sflag:$0x1] =	stream.indirect.gather @!p0 [hbm4b:s3+s23], $0x20, s14, s23, $0xb8;
	[tilespmem:$0x15800] =	vst v63  }
0x107: {  	s14 =	sadd.s32 @!p0 $0x4580, s21;
	s21 =	simm.s32 @!p0 $0xDB00  }
0x108: {  	[tilespmem:s21], [sflag:$0x1] =	stream.indirect.gather @!p0 [hbm4b:s3+s24], $0x20, s14, s24, $0xb8;
	[tilespmem:$0x15800] =	vst v63  }
0x109: {  	_ =	swait.ge [sflag:s13], $0x1000  }
0x10a: {  	[sflag:s13] =	ssyncset.done $0x0  }
0x10b: {  	[sflag:s13] =	ssyncadd.s32 $0xFFFFF000  }
0x10c: {  	_ =	swait.ge [sflag:s13], $0x900  }
0x10d: {  	[sflag:s13] =	ssyncset.done $0x0  }
0x10e: {  	[sflag:s13] =	ssyncadd.s32 $0xFFFFF700  }
0x10f: {  	_ =	swait.ge [sflag:s13], $0x1000  }
0x110: {  	[sflag:s13] =	ssyncset.done $0x0  }
0x111: {  	[sflag:s13] =	ssyncadd.s32 $0xFFFFF000  }
0x112: {  	_ =	swait.ge [sflag:s13], $0x900  }
0x113: {  	[sflag:s13] =	ssyncset.done $0x0  }
0x114: {  	[sflag:s13] =	ssyncadd.s32 $0xFFFFF700  }
0x115: {  	_ =	swait.ge [sflag:s13], $0x1000  }
0x116: {  	[sflag:s13] =	ssyncset.done $0x0  }
0x117: {  	[sflag:s13] =	ssyncadd.s32 $0xFFFFF000  }
0x118: {  	_ =	swait.ge [sflag:s13], $0x900  }
0x119: {  	[sflag:s13] =	ssyncset.done $0x0  }
0x11a: {  	[sflag:s13] =	ssyncadd.s32 $0xFFFFF700  }
0x11b: {  	_ =	swait.ge [sflag:s13], $0x1000  }
0x11c: {  	[sflag:s13] =	ssyncset.done $0x0  }
0x11d: {  	[sflag:s13] =	ssyncadd.s32 $0xFFFFF000  }
0x11e: {  	_ =	swait.ge [sflag:s13], $0x900  }
0x11f: {  	[sflag:s13] =	ssyncset.done $0x0  }
0x120: {  	s21 =	simm.s32 $0x0;
	[sflag:s13] =	ssyncadd.s32 $0xFFFFF700  }
0x121: {  	v2 =	vld [tilespmem:s21+$0xE480]  }
0x122: {  	v4 =	vld [tilespmem:s21+$0xE490]  }
0x123: {  	v3 =	vld [tilespmem:s21+$0xE4A0]  }
0x124: {  	v5 =	vld [tilespmem:s21+$0xE4B0]  }
0x125: {  	v0 =	vld [tilespmem:s21+$0xE4C0]  }
0x126: {  	v1 =	vld [tilespmem:s21+$0xE4D0]  }
0x127: {  	v18 =	vld [tilespmem:s21+$0xE400]  }
0x128: {  	v20 =	vld [tilespmem:s21+$0xE410]  }
0x129: {  	v17 =	vld [tilespmem:s21+$0xE420]  }
0x12a: {  	v19 =	vld [tilespmem:s21+$0xE430]  }
0x12b: {  	v11 =	vimm.f32 $0.0e+00;
	v12 =	vimm.f32 $0.0e+00;
	v14 =	vld [tilespmem:s21+$0xE440]  }
0x12c: {  	v13 =	vimm.f32 $0.0e+00;
	v9 =	vimm.f32 $0.0e+00;
	v10 =	vimm.f32 $0.0e+00;
	v15 =	vld [tilespmem:s21+$0xE450]  }
0x12d: {  	v8 =	vimm.f32 $0.0e+00;
	v6 =	vimm.f32 $0.0e+00;
	v7 =	vimm.f32 $0.0e+00;
	s22 =	simm.s32 $0x400;
	v16 =	vld [tilespmem:s21+$0xE460]  }
.LBB2_11:
0x12e: {  	p0 =	sne.s32 s22, $0x6000;
	v10 =	vadd.f32 v18, v10;
	v11 =	vadd.f32 v20, v11;
	v18 =	vld [tilespmem:s21+$0xE470]  }
0x12f: {  	v12 =	vadd.f32 v17, v12;
	v13 =	vadd.f32 v19, v13;
	v17 =	vld [tilespmem:s21+$0xE4E0]  }
0x130: {  	v10 =	vadd.f32 v2, v10;
	v11 =	vadd.f32 v4, v11;
	v19 =	vld [tilespmem:s21+$0xE4F0];
	s21 =	sshra.s32 s22, $0x2  }
0x131: {  	v12 =	vadd.f32 v3, v12;
	v2 =	vld [tilespmem:s21+$0xE480];
	v13 =	vadd.f32 v5, v13  }
0x132: {  	v6 =	vadd.f32 v14, v6;
	v7 =	vadd.f32 v15, v7;
	v4 =	vld [tilespmem:s21+$0xE490]  }
0x133: {  	v9 =	vadd.f32 v16, v9;
	v3 =	vld [tilespmem:s21+$0xE4A0];
	v8 =	vadd.f32 v18, v8  }
0x134: {  	v6 =	vadd.f32 v0, v6;
	v7 =	vadd.f32 v1, v7;
	v5 =	vld [tilespmem:s21+$0xE4B0]  }
0x135: {  	v9 =	vadd.f32 v17, v9;
	v0 =	vld [tilespmem:s21+$0xE4C0];
	v8 =	vadd.f32 v19, v8  }
0x136: {  	v1 =	vld [tilespmem:s21+$0xE4D0]  }
0x137: {  	v18 =	vld [tilespmem:s21+$0xE400]  }
0x138: {  	v20 =	vld [tilespmem:s21+$0xE410]  }
.Ltmp4:
0x139: {  	v17 =	vld [tilespmem:s21+$0xE420];
	(pc) =	sbr.rel @p0 .LBB2_11-.Ltmp4, $4  }
0x13a: {  	v19 =	vld [tilespmem:s21+$0xE430]  }
0x13b: {  	v14 =	vld [tilespmem:s21+$0xE440]  }
0x13c: {  	v15 =	vld [tilespmem:s21+$0xE450]  }
0x13d: {  	s22 =	sadd.s32 $0x400, s22;
	v16 =	vld [tilespmem:s21+$0xE460]  }
0x13e: {  	v10 =	vadd.f32 v18, v10;
	v11 =	vadd.f32 v20, v11;
	v18 =	vld [tilespmem:s21+$0xE470]  }
0x13f: {  	v12 =	vadd.f32 v17, v12;
	v17 =	vld [tilespmem:s21+$0xE4E0];
	v13 =	vadd.f32 v19, v13  }
0x140: {  	v2 =	vadd.f32 v2, v10;
	v4 =	vadd.f32 v4, v11;
	v10 =	vld [tilespmem:s21+$0xE4F0]  }
0x141: {  	v3 =	vadd.f32 v3, v12;
	v6 =	vadd.f32 v14, v6  }
0x142: {  	v5 =	vadd.f32 v5, v13;
	v9 =	vadd.f32 v16, v9  }
0x143: {  	v7 =	vadd.f32 v15, v7;
	v8 =	vadd.f32 v18, v8  }
0x144: {  	v0 =	vadd.f32 v0, v6;
	v6 =	vadd.f32 v17, v9  }
0x145: {  	v1 =	vadd.f32 v1, v7;
	v7 =	vadd.f32 v10, v8  }
0x146: {  	v2 =	vadd.f32 v3, v2;
	v0 =	vadd.f32 v6, v0  }
0x147: {  	v3 =	vadd.f32 v5, v4;
	v1 =	vadd.f32 v7, v1  }
0x148: {  	v0 =	vadd.f32 v0, v2  }
0x149: {  	s14 =	sshra.s32 s20, $0x2;
	v1 =	vadd.f32 v1, v3  }
0x14a: {  	[tilespmem:s14+$0x14800] =	vst v0  }
0x14b: {  	s20 =	simm.s32 $0x0;
	[tilespmem:s14+$0x14810] =	vst v1  }
0x14c: {  	v2 =	vld [tilespmem:s20+$0xFD80]  }
0x14d: {  	v4 =	vld [tilespmem:s20+$0xFD90]  }
0x14e: {  	v3 =	vld [tilespmem:s20+$0xFDA0]  }
0x14f: {  	v5 =	vld [tilespmem:s20+$0xFDB0]  }
0x150: {  	v0 =	vld [tilespmem:s20+$0xFDC0]  }
0x151: {  	v1 =	vld [tilespmem:s20+$0xFDD0]  }
0x152: {  	v18 =	vld [tilespmem:s20+$0xFD00]  }
0x153: {  	v20 =	vld [tilespmem:s20+$0xFD10]  }
0x154: {  	v17 =	vld [tilespmem:s20+$0xFD20]  }
0x155: {  	v19 =	vld [tilespmem:s20+$0xFD30]  }
0x156: {  	v11 =	vimm.f32 $0.0e+00;
	v12 =	vimm.f32 $0.0e+00;
	v14 =	vld [tilespmem:s20+$0xFD40]  }
0x157: {  	v13 =	vimm.f32 $0.0e+00;
	v9 =	vimm.f32 $0.0e+00;
	v10 =	vimm.f32 $0.0e+00;
	v15 =	vld [tilespmem:s20+$0xFD50]  }
0x158: {  	s21 =	simm.s32 $0x400;
	v8 =	vimm.f32 $0.0e+00;
	v6 =	vimm.f32 $0.0e+00;
	v7 =	vimm.f32 $0.0e+00;
	v16 =	vld [tilespmem:s20+$0xFD60]  }
.LBB2_13:
0x159: {  	p0 =	sne.s32 s21, $0x6000;
	v10 =	vadd.f32 v18, v10;
	v11 =	vadd.f32 v20, v11;
	v18 =	vld [tilespmem:s20+$0xFD70]  }
0x15a: {  	v12 =	vadd.f32 v17, v12;
	v13 =	vadd.f32 v19, v13;
	v17 =	vld [tilespmem:s20+$0xFDE0]  }
0x15b: {  	v10 =	vadd.f32 v2, v10;
	v11 =	vadd.f32 v4, v11;
	v19 =	vld [tilespmem:s20+$0xFDF0];
	s20 =	sshra.s32 s21, $0x2  }
0x15c: {  	v12 =	vadd.f32 v3, v12;
	v2 =	vld [tilespmem:s20+$0xFD80];
	v13 =	vadd.f32 v5, v13  }
0x15d: {  	v6 =	vadd.f32 v14, v6;
	v7 =	vadd.f32 v15, v7;
	v4 =	vld [tilespmem:s20+$0xFD90]  }
0x15e: {  	v9 =	vadd.f32 v16, v9;
	v3 =	vld [tilespmem:s20+$0xFDA0];
	v8 =	vadd.f32 v18, v8  }
0x15f: {  	v6 =	vadd.f32 v0, v6;
	v7 =	vadd.f32 v1, v7;
	v5 =	vld [tilespmem:s20+$0xFDB0]  }
0x160: {  	v9 =	vadd.f32 v17, v9;
	v0 =	vld [tilespmem:s20+$0xFDC0];
	v8 =	vadd.f32 v19, v8  }
0x161: {  	v1 =	vld [tilespmem:s20+$0xFDD0]  }
0x162: {  	v18 =	vld [tilespmem:s20+$0xFD00]  }
0x163: {  	v20 =	vld [tilespmem:s20+$0xFD10]  }
.Ltmp5:
0x164: {  	v17 =	vld [tilespmem:s20+$0xFD20];
	(pc) =	sbr.rel @p0 .LBB2_13-.Ltmp5, $4  }
0x165: {  	v19 =	vld [tilespmem:s20+$0xFD30]  }
0x166: {  	v14 =	vld [tilespmem:s20+$0xFD40]  }
0x167: {  	v15 =	vld [tilespmem:s20+$0xFD50]  }
0x168: {  	s21 =	sadd.s32 $0x400, s21;
	v16 =	vld [tilespmem:s20+$0xFD60]  }
0x169: {  	v10 =	vadd.f32 v18, v10;
	v11 =	vadd.f32 v20, v11;
	v18 =	vld [tilespmem:s20+$0xFD70]  }
0x16a: {  	v12 =	vadd.f32 v17, v12;
	v17 =	vld [tilespmem:s20+$0xFDE0];
	v13 =	vadd.f32 v19, v13  }
0x16b: {  	v2 =	vadd.f32 v2, v10;
	v4 =	vadd.f32 v4, v11;
	v10 =	vld [tilespmem:s20+$0xFDF0]  }
0x16c: {  	v3 =	vadd.f32 v3, v12;
	v6 =	vadd.f32 v14, v6  }
0x16d: {  	v5 =	vadd.f32 v5, v13;
	v9 =	vadd.f32 v16, v9  }
0x16e: {  	v7 =	vadd.f32 v15, v7;
	v8 =	vadd.f32 v18, v8  }
0x16f: {  	v0 =	vadd.f32 v0, v6;
	v6 =	vadd.f32 v17, v9  }
0x170: {  	v1 =	vadd.f32 v1, v7;
	v7 =	vadd.f32 v10, v8  }
0x171: {  	v2 =	vadd.f32 v3, v2;
	v0 =	vadd.f32 v6, v0  }
0x172: {  	v3 =	vadd.f32 v5, v4;
	v1 =	vadd.f32 v7, v1  }
0x173: {  	v0 =	vadd.f32 v0, v2  }
0x174: {  	s14 =	sshra.s32 s19, $0x2;
	v1 =	vadd.f32 v1, v3  }
0x175: {  	[tilespmem:s14+$0x14800] =	vst v0  }
0x176: {  	s19 =	simm.s32 $0x0;
	[tilespmem:s14+$0x14810] =	vst v1  }
0x177: {  	v2 =	vld [tilespmem:s19+$0x11680]  }
0x178: {  	v4 =	vld [tilespmem:s19+$0x11690]  }
0x179: {  	v3 =	vld [tilespmem:s19+$0x116A0]  }
0x17a: {  	v5 =	vld [tilespmem:s19+$0x116B0]  }
0x17b: {  	v0 =	vld [tilespmem:s19+$0x116C0]  }
0x17c: {  	v1 =	vld [tilespmem:s19+$0x116D0]  }
0x17d: {  	v18 =	vld [tilespmem:s19+$0x11600]  }
0x17e: {  	v20 =	vld [tilespmem:s19+$0x11610]  }
0x17f: {  	v17 =	vld [tilespmem:s19+$0x11620]  }
0x180: {  	v19 =	vld [tilespmem:s19+$0x11630]  }
0x181: {  	v11 =	vimm.f32 $0.0e+00;
	v12 =	vimm.f32 $0.0e+00;
	v14 =	vld [tilespmem:s19+$0x11640]  }
0x182: {  	v13 =	vimm.f32 $0.0e+00;
	v9 =	vimm.f32 $0.0e+00;
	v10 =	vimm.f32 $0.0e+00;
	v15 =	vld [tilespmem:s19+$0x11650]  }
0x183: {  	s20 =	simm.s32 $0x400;
	v8 =	vimm.f32 $0.0e+00;
	v6 =	vimm.f32 $0.0e+00;
	v7 =	vimm.f32 $0.0e+00;
	v16 =	vld [tilespmem:s19+$0x11660]  }
.LBB2_15:
0x184: {  	p0 =	sne.s32 s20, $0x6000;
	v10 =	vadd.f32 v18, v10;
	v11 =	vadd.f32 v20, v11;
	v18 =	vld [tilespmem:s19+$0x11670]  }
0x185: {  	v12 =	vadd.f32 v17, v12;
	v13 =	vadd.f32 v19, v13;
	v17 =	vld [tilespmem:s19+$0x116E0]  }
0x186: {  	v10 =	vadd.f32 v2, v10;
	v11 =	vadd.f32 v4, v11;
	v19 =	vld [tilespmem:s19+$0x116F0];
	s19 =	sshra.s32 s20, $0x2  }
0x187: {  	v12 =	vadd.f32 v3, v12;
	v2 =	vld [tilespmem:s19+$0x11680];
	v13 =	vadd.f32 v5, v13  }
0x188: {  	v6 =	vadd.f32 v14, v6;
	v7 =	vadd.f32 v15, v7;
	v4 =	vld [tilespmem:s19+$0x11690]  }
0x189: {  	v9 =	vadd.f32 v16, v9;
	v3 =	vld [tilespmem:s19+$0x116A0];
	v8 =	vadd.f32 v18, v8  }
0x18a: {  	v6 =	vadd.f32 v0, v6;
	v7 =	vadd.f32 v1, v7;
	v5 =	vld [tilespmem:s19+$0x116B0]  }
0x18b: {  	v9 =	vadd.f32 v17, v9;
	v0 =	vld [tilespmem:s19+$0x116C0];
	v8 =	vadd.f32 v19, v8  }
0x18c: {  	v1 =	vld [tilespmem:s19+$0x116D0]  }
0x18d: {  	v18 =	vld [tilespmem:s19+$0x11600]  }
0x18e: {  	v20 =	vld [tilespmem:s19+$0x11610]  }
.Ltmp6:
0x18f: {  	v17 =	vld [tilespmem:s19+$0x11620];
	(pc) =	sbr.rel @p0 .LBB2_15-.Ltmp6, $4  }
0x190: {  	v19 =	vld [tilespmem:s19+$0x11630]  }
0x191: {  	v14 =	vld [tilespmem:s19+$0x11640]  }
0x192: {  	v15 =	vld [tilespmem:s19+$0x11650]  }
0x193: {  	s20 =	sadd.s32 $0x400, s20;
	v16 =	vld [tilespmem:s19+$0x11660]  }
0x194: {  	v10 =	vadd.f32 v18, v10;
	v11 =	vadd.f32 v20, v11;
	v18 =	vld [tilespmem:s19+$0x11670]  }
0x195: {  	v12 =	vadd.f32 v17, v12;
	v17 =	vld [tilespmem:s19+$0x116E0];
	v13 =	vadd.f32 v19, v13  }
0x196: {  	v2 =	vadd.f32 v2, v10;
	v4 =	vadd.f32 v4, v11;
	v10 =	vld [tilespmem:s19+$0x116F0]  }
0x197: {  	v3 =	vadd.f32 v3, v12;
	v6 =	vadd.f32 v14, v6  }
0x198: {  	v5 =	vadd.f32 v5, v13;
	v9 =	vadd.f32 v16, v9  }
0x199: {  	v7 =	vadd.f32 v15, v7;
	v8 =	vadd.f32 v18, v8  }
0x19a: {  	v0 =	vadd.f32 v0, v6;
	v6 =	vadd.f32 v17, v9  }
0x19b: {  	v1 =	vadd.f32 v1, v7;
	v7 =	vadd.f32 v10, v8  }
0x19c: {  	v2 =	vadd.f32 v3, v2;
	v0 =	vadd.f32 v6, v0  }
0x19d: {  	v3 =	vadd.f32 v5, v4;
	v1 =	vadd.f32 v7, v1  }
0x19e: {  	v0 =	vadd.f32 v0, v2  }
0x19f: {  	s14 =	sshra.s32 s18, $0x2;
	v1 =	vadd.f32 v1, v3  }
0x1a0: {  	[tilespmem:s14+$0x14800] =	vst v0  }
0x1a1: {  	s18 =	simm.s32 $0x0;
	[tilespmem:s14+$0x14810] =	vst v1  }
0x1a2: {  	v2 =	vld [tilespmem:s18+$0x12F80]  }
0x1a3: {  	v4 =	vld [tilespmem:s18+$0x12F90]  }
0x1a4: {  	v3 =	vld [tilespmem:s18+$0x12FA0]  }
0x1a5: {  	v5 =	vld [tilespmem:s18+$0x12FB0]  }
0x1a6: {  	v0 =	vld [tilespmem:s18+$0x12FC0]  }
0x1a7: {  	v1 =	vld [tilespmem:s18+$0x12FD0]  }
0x1a8: {  	v18 =	vld [tilespmem:s18+$0x12F00]  }
0x1a9: {  	v20 =	vld [tilespmem:s18+$0x12F10]  }
0x1aa: {  	v17 =	vld [tilespmem:s18+$0x12F20]  }
0x1ab: {  	v19 =	vld [tilespmem:s18+$0x12F30]  }
0x1ac: {  	v11 =	vimm.f32 $0.0e+00;
	v12 =	vimm.f32 $0.0e+00;
	v14 =	vld [tilespmem:s18+$0x12F40]  }
0x1ad: {  	v13 =	vimm.f32 $0.0e+00;
	v9 =	vimm.f32 $0.0e+00;
	v10 =	vimm.f32 $0.0e+00;
	v15 =	vld [tilespmem:s18+$0x12F50]  }
0x1ae: {  	s19 =	simm.s32 $0x400;
	v8 =	vimm.f32 $0.0e+00;
	v6 =	vimm.f32 $0.0e+00;
	v7 =	vimm.f32 $0.0e+00;
	v16 =	vld [tilespmem:s18+$0x12F60]  }
.LBB2_17:
0x1af: {  	p0 =	sne.s32 s19, $0x6000;
	v10 =	vadd.f32 v18, v10;
	v11 =	vadd.f32 v20, v11;
	v18 =	vld [tilespmem:s18+$0x12F70]  }
0x1b0: {  	v12 =	vadd.f32 v17, v12;
	v13 =	vadd.f32 v19, v13;
	v17 =	vld [tilespmem:s18+$0x12FE0]  }
0x1b1: {  	v10 =	vadd.f32 v2, v10;
	v11 =	vadd.f32 v4, v11;
	v19 =	vld [tilespmem:s18+$0x12FF0];
	s18 =	sshra.s32 s19, $0x2  }
0x1b2: {  	v12 =	vadd.f32 v3, v12;
	v2 =	vld [tilespmem:s18+$0x12F80];
	v13 =	vadd.f32 v5, v13  }
0x1b3: {  	v6 =	vadd.f32 v14, v6;
	v7 =	vadd.f32 v15, v7;
	v4 =	vld [tilespmem:s18+$0x12F90]  }
0x1b4: {  	v9 =	vadd.f32 v16, v9;
	v3 =	vld [tilespmem:s18+$0x12FA0];
	v8 =	vadd.f32 v18, v8  }
0x1b5: {  	v6 =	vadd.f32 v0, v6;
	v7 =	vadd.f32 v1, v7;
	v5 =	vld [tilespmem:s18+$0x12FB0]  }
0x1b6: {  	v9 =	vadd.f32 v17, v9;
	v0 =	vld [tilespmem:s18+$0x12FC0];
	v8 =	vadd.f32 v19, v8  }
0x1b7: {  	v1 =	vld [tilespmem:s18+$0x12FD0]  }
0x1b8: {  	v18 =	vld [tilespmem:s18+$0x12F00]  }
0x1b9: {  	v20 =	vld [tilespmem:s18+$0x12F10]  }
.Ltmp7:
0x1ba: {  	v17 =	vld [tilespmem:s18+$0x12F20];
	(pc) =	sbr.rel @p0 .LBB2_17-.Ltmp7, $4  }
0x1bb: {  	v19 =	vld [tilespmem:s18+$0x12F30]  }
0x1bc: {  	v14 =	vld [tilespmem:s18+$0x12F40]  }
0x1bd: {  	v15 =	vld [tilespmem:s18+$0x12F50]  }
0x1be: {  	s19 =	sadd.s32 $0x400, s19;
	v16 =	vld [tilespmem:s18+$0x12F60]  }
0x1bf: {  	v10 =	vadd.f32 v18, v10;
	v11 =	vadd.f32 v20, v11;
	v58 =	vld [tilespmem:s18+$0x12F70]  }
0x1c0: {  	v12 =	vadd.f32 v17, v12;
	v59 =	vld [tilespmem:s18+$0x12FE0];
	v13 =	vadd.f32 v19, v13  }
0x1c1: {  	v60 =	vld [tilespmem:s18+$0x12FF0];
	v2 =	vadd.f32 v2, v10;
	v4 =	vadd.f32 v4, v11  }
0x1c2: {  	v3 =	vadd.f32 v3, v12;
	v6 =	vadd.f32 v14, v6  }
0x1c3: {  	v5 =	vadd.f32 v5, v13;
	v9 =	vadd.f32 v16, v9  }
0x1c4: {  	v7 =	vadd.f32 v15, v7;
	v8 =	vadd.f32 v58, v8  }
0x1c5: {  	v0 =	vadd.f32 v0, v6;
	v61 =	vadd.f32 v59, v9  }
0x1c6: {  	s16 =	sadd.s32 $0x1, s16;
	v1 =	vadd.f32 v1, v7;
	v62 =	vadd.f32 v60, v8  }
0x1c7: {  	p0 =	sne.s32 s16, $0x10;
	v2 =	vadd.f32 v3, v2;
	v0 =	vadd.f32 v61, v0  }
.Ltmp8:
0x1c8: {  	v63 =	vadd.f32 v5, v4;
	v1 =	vadd.f32 v62, v1;
	(pc) =	sbr.rel @p0 .LBB2_2-.Ltmp8, $4  }
0x1c9: {  	v0 =	vadd.f32 v0, v2  }
0x1ca: {  	s14 =	sshra.s32 s17, $0x2;
	v1 =	vadd.f32 v1, v63  }
0x1cb: {  	[tilespmem:s14+$0x14800] =	vst v0  }
0x1cc: {  	[tilespmem:s14+$0x14810] =	vst v1  }
0x1cd: {  	s15 =	sadd.s32 $0x1, s15  }
0x1ce: {  	p0 =	sne.s32 s15, s7  }
.Ltmp9:
0x1cf: {  	s14 =	simm.s32 $0x14800;
	(pc) =	sbr.rel @p0 .LBB2_1-.Ltmp9, $4  }
0x1d0: {  	[hbm4b:s6+s2] =	stream.linear.scatter [tilespmem:s14], [sflag:$0x3], $0x1000, $0x38;
	[tilespmem:$0x15800] =	vst v63  }
0x1d1: {  	_ =	swait.ge [sflag:s8], $0x1000  }
0x1d2: {  	[sflag:s8] =	ssyncset.done $0x0  }
0x1d3: {  	[sflag:s8] =	ssyncadd.s32 $0xFFFFF000  }
0x1d4: {  	_ =	sfence.sel $0x180000  }
0x1d5: {  	[bflag:$0x0] =	sbarrier.arrive $0xFFFF  }
0x1d6: {  	_ =	strace $0x90000047  }
0x1d7: {  	s0 =	stileid.u32;
	[bflag:$0x2] =	sbarrier.arrive $0xFFFF  }
0x1d8: {  	p0 =	sne.s32 s0, $0x0;
	s0 =	rddreg [dreg:$0x1]  }
0x1d9: {  	s0 =	sadd.s32 @!p0 $0x100000, s0  }
0x1da: {  	[sflag:s0] =	ssyncadd.tile.s32 @!p0 $0x1;
	_ =	shalt  }
.Lfunc_end2:
_tile_overlayer_lowered:
.L_overlay_start_2:
0x1db: {  	(tag) =	ssettag $0x2  }
0x1dc: {  	s0 =	rddreg [dreg:$0x0];
	s2 =	stileid.u32  }
0x1dd: {  	s1 =	rddreg [dreg:$0x1];
	p0 =	sne.s32 s2, $0x0  }
0x1de: {  	s3 =	rddreg [dreg:$0x2];
	[bflag:$0x3] =	sbarrier.arrive $0xFFFF;
	s2 =	simm.s32 @!p0 $0x1C03  }
0x1df: {  	[timem:s3], [sflag:s2] =	dma.local @!p0 [hbm:s0], s1  }
0x1e0: {  	s0 =	simm.s32 @!p0 $0x3  }
0x1e1: {  	_ =	swait.ge @!p0 [sflag:s0], s1  }
0x1e2: {  	s1 =	ssub.s32 @!p0 $0x0, s1;
	[sflag:s0] =	ssyncset.done @!p0 $0x0  }
0x1e3: {  	[sflag:s0] =	ssyncadd.s32 @!p0 s1  }
0x1e4: {  	[bflag:$0x3] =	sbarrier.arrive $0xFFFF  }
0x1e5: {  	_ =	shalt  }

</sc_bundles>
